<compile_context>
chip_gen: v7x
topology: tpu7x:2x2x1
jax: 0.10.2.dev20260603
libtpu: 0.0.44.dev20260713+nightly
codegen_flags: <defaults>
</compile_context>

<pallas_src>
import functools

import jax
import jax.numpy as jnp
from jax import lax
from jax.experimental import pallas as pl
from jax.experimental.pallas import tpu as pltpu
from jax.experimental.pallas import tpu_sc as plsc

VOCAB = 1000000
EMB = 64
EMBP = 128
B = 4096
L = 200
EPS = 1e-12

NC = 2
NS = 16
NW = NC * NS
BBLK = B // NW
NG = BBLK // 16
NEB = EMB // 8


def _rsqrt_newton(x):
    i = lax.bitcast_convert_type(x, jnp.int32)
    i = jnp.full((16,), 0x5F3759DF, dtype=jnp.int32) - lax.shift_right_logical(
        i, jnp.full((16,), 1, dtype=jnp.int32))
    y = lax.bitcast_convert_type(i, jnp.float32)
    half_x = x * 0.5
    for _ in range(3):
        y = y * (1.5 - half_x * y * y)
    return y


def _sc_body(ids_hbm, tbl_hbm, gamma_hbm, beta_hbm, out_hbm,
             g_v, b_v, sc_v, sh_v, ps_v, qs_v,
             idx0, idx1, rows0, rows1, tiles0, tiles1,
             si0, si1, sg0, sg1, so0, so1):
    wid = lax.axis_index("s") * NC + lax.axis_index("c")

    pltpu.sync_copy(gamma_hbm, g_v)
    pltpu.sync_copy(beta_hbm, b_v)

    iota16 = lax.iota(jnp.int32, 16)
    zeros16 = iota16 * 0

    def idx_copy(l, idxv, sem):
        return pltpu.make_async_copy(
            ids_hbm.at[pl.ds(l * B + wid * BBLK, BBLK)], idxv, sem)

    def gather_copy(idxv, rowsv, sem):
        return pltpu.make_async_copy(tbl_hbm.at[idxv], rowsv, sem)

    def out_copy(l, tilesv, sem):
        return pltpu.make_async_copy(tilesv, out_hbm.at[l, :, wid, :], sem)

    def compute(rowsv, tilesv):
        rots = [(iota16 + d) & 15 for d in range(16)]

        @plsc.parallel_loop(0, NG * 4, unroll=2)
        def p1_part(gc):
            g = gc >> 2
            c = gc & 3
            row_idx = g * 16 + iota16
            base = c * 16
            z = zeros16 * 0.0
            a0 = a1 = q0 = q1 = z
            for d in range(0, 16, 2):
                v0 = plsc.load_gather(rowsv, [row_idx, base + rots[d]])
                v1 = plsc.load_gather(rowsv, [row_idx, base + rots[d + 1]])
                a0 = a0 + v0
                a1 = a1 + v1
                q0 = q0 + v0 * v0
                q1 = q1 + v1 * v1
            ps_v[g, pl.ds(c * 16, 16)] = a0 + a1
            qs_v[g, pl.ds(c * 16, 16)] = q0 + q1

        @plsc.parallel_loop(0, NG)
        def p1_group(g):
            s = ((ps_v[g, pl.ds(0, 16)] + ps_v[g, pl.ds(16, 16)])
                 + (ps_v[g, pl.ds(32, 16)] + ps_v[g, pl.ds(48, 16)]))
            sq = ((qs_v[g, pl.ds(0, 16)] + qs_v[g, pl.ds(16, 16)])
                  + (qs_v[g, pl.ds(32, 16)] + qs_v[g, pl.ds(48, 16)]))
            mean = s * (1.0 / EMB)
            var = sq * (1.0 / EMB) - mean * mean
            inv = _rsqrt_newton(var + EPS)
            sc_v[pl.ds(g * 16, 16)] = inv
            sh_v[pl.ds(g * 16, 16)] = -(mean * inv)

        ags = [sc_v[pl.ds(g * 16, 16)] for g in range(NG)]
        bgs = [sh_v[pl.ds(g * 16, 16)] for g in range(NG)]

        @plsc.parallel_loop(0, 4 * 16, unroll=2)
        def p2_cd(cd):
            c = cd >> 4
            dd = cd & 15
            rot = (iota16 + dd) & 15
            col = c * 16 + rot
            hi = lax.shift_right_logical(rot, jnp.full((16,), 3, jnp.int32))
            slo = rot & 7
            row0 = 2 * c + hi
            col0 = slo * 128 + iota16
            grot = jnp.take_along_axis(g_v[pl.ds(c * 16, 16)], rot, axis=0)
            brot = jnp.take_along_axis(b_v[pl.ds(c * 16, 16)], rot, axis=0)
            xs = [plsc.load_gather(rowsv, [g * 16 + iota16, col])
                  for g in range(NG)]
            os = [(xs[g] * ags[g] + bgs[g]) * grot + brot for g in range(NG)]
            for g in range(NG):
                plsc.store_scatter(tilesv, [row0, col0 + g * 16], os[g])

    def round_step(l, bufs):
        idxv, rowsv, tilesv, si, sg, so, idxn, rowsn, sgn, sin = bufs
        gather_copy(idxv, rowsv, sg).wait()

        @pl.when(l + 2 < L)
        def _():
            idx_copy(l + 2, idxv, si).start()

        @pl.when(l + 1 < L)
        def _():
            idx_copy(l + 1, idxn, sin).wait()
            gather_copy(idxn, rowsn, sgn).start()

        @pl.when(l >= 2)
        def _():
            out_copy(l, tilesv, so).wait()

        compute(rowsv, tilesv)
        out_copy(l, tilesv, so).start()

    idx_copy(0, idx0, si0).start()
    idx_copy(1, idx1, si1).start()
    idx_copy(0, idx0, si0).wait()
    gather_copy(idx0, rows0, sg0).start()

    def k_body(k, carry):
        l0 = 2 * k
        round_step(l0, (idx0, rows0, tiles0, si0, sg0, so0,
                        idx1, rows1, sg1, si1))
        round_step(l0 + 1, (idx1, rows1, tiles1, si1, sg1, so1,
                            idx0, rows0, sg0, si0))
        return carry

    lax.fori_loop(0, L // 2, k_body, 0)

    out_copy(L - 2, tiles0, so0).wait()
    out_copy(L - 1, tiles1, so1).wait()


@jax.jit
def _run(ids_lmajor, tbl_padded, gamma, beta):
    mesh = plsc.VectorSubcoreMesh(core_axis_name="c", subcore_axis_name="s")
    k = functools.partial(
        pl.kernel,
        out_type=jax.ShapeDtypeStruct((L, NEB, NW, 8 * 128), jnp.float32),
        mesh=mesh,
        scratch_types=[
            pltpu.VMEM((EMB,), jnp.float32),
            pltpu.VMEM((EMB,), jnp.float32),
            pltpu.VMEM((BBLK,), jnp.float32),
            pltpu.VMEM((BBLK,), jnp.float32),
            pltpu.VMEM((NG, EMB), jnp.float32),
            pltpu.VMEM((NG, EMB), jnp.float32),
            pltpu.VMEM((BBLK,), jnp.int32),
            pltpu.VMEM((BBLK,), jnp.int32),
            pltpu.VMEM((BBLK, EMBP), jnp.float32),
            pltpu.VMEM((BBLK, EMBP), jnp.float32),
            pltpu.VMEM((NEB, 8 * 128), jnp.float32),
            pltpu.VMEM((NEB, 8 * 128), jnp.float32),
            pltpu.SemaphoreType.DMA,
            pltpu.SemaphoreType.DMA,
            pltpu.SemaphoreType.DMA,
            pltpu.SemaphoreType.DMA,
            pltpu.SemaphoreType.DMA,
            pltpu.SemaphoreType.DMA,
        ],
        compiler_params=pltpu.CompilerParams(
            use_tc_tiling_on_sc=False, needs_layout_passes=False),
    )(_sc_body)
    return k(ids_lmajor, tbl_padded, gamma, beta)


def kernel(input_ids, table, gamma, beta):
    ids_lmajor = jnp.swapaxes(input_ids, 0, 1).reshape(-1).astype(jnp.int32)
    tbl_padded = jnp.pad(table, ((0, 0), (0, EMBP - EMB)))
    out4 = _run(ids_lmajor, tbl_padded, gamma, beta)
    out = (out4.reshape(L, NEB, NW, 8, 128)
           .transpose(2, 4, 0, 1, 3)
           .reshape(B, L, EMB))
    return out

# --- scband reference (transcript-rebuilt; emitter-appended) ---
"""Pipeline reference for scband-embedding-layer-norm-drop-out-10325101380249 (READ-ONLY COPY).

The authoritative reference and input builder live on the scoring server;
editing this copy changes nothing except your own understanding.
"""

import jax, jax.numpy as jnp
import numpy as np

VOCAB = 1000000
EMB = 64
B = 4096
L = 200
EPS = 1e-12

def setup_inputs(seed: int = 0) -> dict:
    key = jax.random.key(seed)
    k1, k2, k3 = jax.random.split(key, 3)
    input_ids = jax.random.randint(k1, (B, L), 0, VOCAB, dtype=jnp.int64 if jax.config.jax_enable_x64 else jnp.int32)
    table = jax.random.normal(k2, (VOCAB, EMB), dtype=jnp.float32) * 0.02
    gamma = jnp.ones((EMB,), dtype=jnp.float32)
    beta = jnp.zeros((EMB,), dtype=jnp.float32)
    return {"input_ids": input_ids, "table": table, "gamma": gamma, "beta": beta}

def reference(input_ids, table, gamma, beta):
    # embedding lookup
    emb = jnp.take(table, input_ids, axis=0)  # [B, L, EMB]
    # layer norm over last dim (eps inside sqrt, matching torch)
    mean = jnp.mean(emb, axis=-1, keepdims=True)
    var = jnp.mean(jnp.square(emb - mean), axis=-1, keepdims=True)
    normed = (emb - mean) / jnp.sqrt(var + EPS)
    out = normed * gamma + beta
    # dropout is identity in eval mode
    return out

if __name__ == "__main__":
    import jax
    _d = setup_inputs()
    print(jax.jit(kernel)(*tuple(_d.values())))

</pallas_src>

<mosaic_0001>
#map = affine_map<(d0, d1) -> (0)>
#map1 = affine_map<(d0, d1) -> (0, 0)>
#map2 = affine_map<(d0, d1) -> (0, 0, 0, 0)>
module attributes {stable_mosaic.version = 14 : i64} {
  func.func @_sc_body(%arg0: i32, %arg1: i32, %arg2: memref<819200xi32, #tpu.memory_space<hbm>>, %arg3: memref<1000000x128xf32, #tpu.memory_space<hbm>>, %arg4: memref<64xf32, #tpu.memory_space<hbm>>, %arg5: memref<64xf32, #tpu.memory_space<hbm>>, %arg6: memref<200x8x32x1024xf32, #tpu.memory_space<hbm>>, %arg7: memref<64xf32, #tpu.memory_space<vmem>>, %arg8: memref<64xf32, #tpu.memory_space<vmem>>, %arg9: memref<128xf32, #tpu.memory_space<vmem>>, %arg10: memref<128xf32, #tpu.memory_space<vmem>>, %arg11: memref<8x64xf32, #tpu.memory_space<vmem>>, %arg12: memref<8x64xf32, #tpu.memory_space<vmem>>, %arg13: memref<128xi32, #tpu.memory_space<vmem>>, %arg14: memref<128xi32, #tpu.memory_space<vmem>>, %arg15: memref<128x128xf32, #tpu.memory_space<vmem>>, %arg16: memref<128x128xf32, #tpu.memory_space<vmem>>, %arg17: memref<8x1024xf32, #tpu.memory_space<vmem>>, %arg18: memref<8x1024xf32, #tpu.memory_space<vmem>>, %arg19: memref<!tpu.dma_semaphore, #tpu.memory_space<semaphore_mem>>, %arg20: memref<!tpu.dma_semaphore, #tpu.memory_space<semaphore_mem>>, %arg21: memref<!tpu.dma_semaphore, #tpu.memory_space<semaphore_mem>>, %arg22: memref<!tpu.dma_semaphore, #tpu.memory_space<semaphore_mem>>, %arg23: memref<!tpu.dma_semaphore, #tpu.memory_space<semaphore_mem>>, %arg24: memref<!tpu.dma_semaphore, #tpu.memory_space<semaphore_mem>>) attributes {dimension_semantics = [#tpu.dimension_semantics<core_parallel>, #tpu.dimension_semantics<subcore_parallel>], iteration_bounds = array<i64: 2, 16>, scalar_prefetch = 0 : i64, scratch_operands = 18 : i64, tpu.core_type = #tpu.core_type<sc_vector_subcore>, window_params = [{transform_indices = #map}, {transform_indices = #map1}, {transform_indices = #map}, {transform_indices = #map}, {transform_indices = #map2}]} {
    %mul3A = arith.constant 2 : i32
    %mul3A_0 = arith.muli %arg1, %mul3A : i32
    %add3A = arith.addi %mul3A_0, %arg0 : i32
    "tpu.region"() ({
      %run_scoped3A = tpu.sem_alloc : memref<!tpu.dma_semaphore, #tpu.memory_space<semaphore_mem>>
      tpu.enqueue_dma source(%arg4 : memref<64xf32, #tpu.memory_space<hbm>>) target(%arg7 : memref<64xf32, #tpu.memory_space<vmem>>) target_semaphore(%run_scoped3A : memref<!tpu.dma_semaphore, #tpu.memory_space<semaphore_mem>>)
      tpu.wait_dma2 semaphore(%run_scoped3A : memref<!tpu.dma_semaphore, #tpu.memory_space<semaphore_mem>>) src(%arg4 : memref<64xf32, #tpu.memory_space<hbm>>) dst(%arg7 : memref<64xf32, #tpu.memory_space<vmem>>)
      tpu.yield
    }) : () -> ()
    "tpu.region"() ({
      %run_scoped3A = tpu.sem_alloc : memref<!tpu.dma_semaphore, #tpu.memory_space<semaphore_mem>>
      tpu.enqueue_dma source(%arg5 : memref<64xf32, #tpu.memory_space<hbm>>) target(%arg8 : memref<64xf32, #tpu.memory_space<vmem>>) target_semaphore(%run_scoped3A : memref<!tpu.dma_semaphore, #tpu.memory_space<semaphore_mem>>)
      tpu.wait_dma2 semaphore(%run_scoped3A : memref<!tpu.dma_semaphore, #tpu.memory_space<semaphore_mem>>) src(%arg5 : memref<64xf32, #tpu.memory_space<hbm>>) dst(%arg8 : memref<64xf32, #tpu.memory_space<vmem>>)
      tpu.yield
    }) : () -> ()
    %iota3A = tpu.iota {dimensions = array<i32: 0>} : vector<16xi32>
    %mul3A_1 = arith.constant 0 : i32
    %mul3A_2 = vector.broadcast %mul3A_1 : i32 to vector<16xi32>
    %mul3A_3 = arith.muli %iota3A, %mul3A_2 : vector<16xi32>
    %mul3A_4 = arith.constant 128 : i32
    %mul3A_5 = arith.muli %add3A, %mul3A_4 : i32
    %add3A_6 = arith.constant 0 : i32
    %add3A_7 = arith.addi %add3A_6, %mul3A_5 : i32
    %dma_start3A = tpu.memref_slice %arg2[%add3A_7] : memref<819200xi32, #tpu.memory_space<hbm>> -> memref<128xi32, #tpu.memory_space<hbm>>
    %dma_start3A_8 = tpu.memref_slice %arg2[%add3A_7] : memref<819200xi32, #tpu.memory_space<hbm>> -> memref<128xi32, #tpu.memory_space<hbm>>
    tpu.enqueue_dma source(%dma_start3A_8 : memref<128xi32, #tpu.memory_space<hbm>>) target(%arg13 : memref<128xi32, #tpu.memory_space<vmem>>) target_semaphore(%arg19 : memref<!tpu.dma_semaphore, #tpu.memory_space<semaphore_mem>>)
    %mul3A_9 = arith.constant 128 : i32
    %mul3A_10 = arith.muli %add3A, %mul3A_9 : i32
    %add3A_11 = arith.constant 4096 : i32
    %add3A_12 = arith.addi %add3A_11, %mul3A_10 : i32
    %dma_start3A_13 = tpu.memref_slice %arg2[%add3A_12] : memref<819200xi32, #tpu.memory_space<hbm>> -> memref<128xi32, #tpu.memory_space<hbm>>
    %dma_start3A_14 = tpu.memref_slice %arg2[%add3A_12] : memref<819200xi32, #tpu.memory_space<hbm>> -> memref<128xi32, #tpu.memory_space<hbm>>
    tpu.enqueue_dma source(%dma_start3A_14 : memref<128xi32, #tpu.memory_space<hbm>>) target(%arg14 : memref<128xi32, #tpu.memory_space<vmem>>) target_semaphore(%arg20 : memref<!tpu.dma_semaphore, #tpu.memory_space<semaphore_mem>>)
    %mul3A_15 = arith.constant 128 : i32
    %mul3A_16 = arith.muli %add3A, %mul3A_15 : i32
    %add3A_17 = arith.constant 0 : i32
    %add3A_18 = arith.addi %add3A_17, %mul3A_16 : i32
    %dma_wait3A = tpu.memref_slice %arg2[%add3A_18] : memref<819200xi32, #tpu.memory_space<hbm>> -> memref<128xi32, #tpu.memory_space<hbm>>
    %dma_wait3A_19 = tpu.memref_slice %arg2[%add3A_18] : memref<819200xi32, #tpu.memory_space<hbm>> -> memref<128xi32, #tpu.memory_space<hbm>>
    tpu.wait_dma2 semaphore(%arg19 : memref<!tpu.dma_semaphore, #tpu.memory_space<semaphore_mem>>) src(%dma_wait3A_19 : memref<128xi32, #tpu.memory_space<hbm>>) dst(%arg13 : memref<128xi32, #tpu.memory_space<vmem>>)
    %dma_start3A_20 = arith.constant 0 : i32
    %dma_start3A_21 = arith.constant 0 : i32
    %dma_start3A_22 = tpu.memref_slice %arg3[%dma_start3A_20, %dma_start3A_21] : memref<1000000x128xf32, #tpu.memory_space<hbm>> -> memref<1000000x128xf32, #tpu.memory_space<hbm>>
    tpu.enqueue_indirect_dma source(%dma_start3A_22 : memref<1000000x128xf32, #tpu.memory_space<hbm>>) target(%arg15 : memref<128x128xf32, #tpu.memory_space<vmem>>) offsets(%arg13 : memref<128xi32, #tpu.memory_space<vmem>>) semaphore(%arg21 : memref<!tpu.dma_semaphore, #tpu.memory_space<semaphore_mem>>)
    %scan3A = arith.constant 0 : i32
    %scan3A_23 = arith.constant 0 : i32
    %scan3A_24 = arith.constant 100 : i32
    %scan3A_25 = arith.addi %scan3A_23, %scan3A_24 : i32
    %scan3A_26 = arith.constant 1 : i32
    scf.for %scan3A_46 = %scan3A_23 to %scan3A_25 step %scan3A_26  : i32 {
      %mul3A_47 = arith.constant 2 : i32
      %mul3A_48 = arith.muli %mul3A_47, %scan3A_46 : i32
      %dma_wait3A_49 = arith.constant 0 : i32
      %dma_wait3A_50 = arith.constant 0 : i32
      %dma_wait3A_51 = tpu.memref_slice %arg3[%dma_wait3A_49, %dma_wait3A_50] : memref<1000000x128xf32, #tpu.memory_space<hbm>> -> memref<1000000x128xf32, #tpu.memory_space<hbm>>
      tpu.wait_indirect_dma semaphore(%arg21 : memref<!tpu.dma_semaphore, #tpu.memory_space<semaphore_mem>>) src(%dma_wait3A_51 : memref<1000000x128xf32, #tpu.memory_space<hbm>>) dst(%arg15 : memref<128x128xf32, #tpu.memory_space<vmem>>)
      %add3A_52 = arith.constant 2 : i32
      %add3A_53 = arith.addi %mul3A_48, %add3A_52 : i32
      %lt3A = arith.constant 200 : i32
      %lt3A_54 = arith.cmpi slt, %add3A_53, %lt3A : i32
      %convert_element_type3A = arith.extui %lt3A_54 : i1 to i32
      %cond3A = arith.constant 0 : i32
      %cond3A_55 = arith.cmpi ne, %convert_element_type3A, %cond3A : i32
      scf.if %cond3A_55 {
        %add3A_378 = arith.constant 2 : i32
        %add3A_379 = arith.addi %mul3A_48, %add3A_378 : i32
        %mul3A_380 = arith.constant 4096 : i32
        %mul3A_381 = arith.muli %add3A_379, %mul3A_380 : i32
        %mul3A_382 = arith.constant 128 : i32
        %mul3A_383 = arith.muli %add3A, %mul3A_382 : i32
        %add3A_384 = arith.addi %mul3A_381, %mul3A_383 : i32
        %dma_start3A_385 = tpu.memref_slice %arg2[%add3A_384] : memref<819200xi32, #tpu.memory_space<hbm>> -> memref<128xi32, #tpu.memory_space<hbm>>
        %dma_start3A_386 = tpu.memref_slice %arg2[%add3A_384] : memref<819200xi32, #tpu.memory_space<hbm>> -> memref<128xi32, #tpu.memory_space<hbm>>
        tpu.enqueue_dma source(%dma_start3A_386 : memref<128xi32, #tpu.memory_space<hbm>>) target(%arg13 : memref<128xi32, #tpu.memory_space<vmem>>) target_semaphore(%arg19 : memref<!tpu.dma_semaphore, #tpu.memory_space<semaphore_mem>>)
      } else {
      }
      %add3A_56 = arith.constant 1 : i32
      %add3A_57 = arith.addi %mul3A_48, %add3A_56 : i32
      %lt3A_58 = arith.constant 200 : i32
      %lt3A_59 = arith.cmpi slt, %add3A_57, %lt3A_58 : i32
      %convert_element_type3A_60 = arith.extui %lt3A_59 : i1 to i32
      %cond3A_61 = arith.constant 0 : i32
      %cond3A_62 = arith.cmpi ne, %convert_element_type3A_60, %cond3A_61 : i32
      scf.if %cond3A_62 {
        %add3A_378 = arith.constant 1 : i32
        %add3A_379 = arith.addi %mul3A_48, %add3A_378 : i32
        %mul3A_380 = arith.constant 4096 : i32
        %mul3A_381 = arith.muli %add3A_379, %mul3A_380 : i32
        %mul3A_382 = arith.constant 128 : i32
        %mul3A_383 = arith.muli %add3A, %mul3A_382 : i32
        %add3A_384 = arith.addi %mul3A_381, %mul3A_383 : i32
        %dma_wait3A_385 = tpu.memref_slice %arg2[%add3A_384] : memref<819200xi32, #tpu.memory_space<hbm>> -> memref<128xi32, #tpu.memory_space<hbm>>
        %dma_wait3A_386 = tpu.memref_slice %arg2[%add3A_384] : memref<819200xi32, #tpu.memory_space<hbm>> -> memref<128xi32, #tpu.memory_space<hbm>>
        tpu.wait_dma2 semaphore(%arg20 : memref<!tpu.dma_semaphore, #tpu.memory_space<semaphore_mem>>) src(%dma_wait3A_386 : memref<128xi32, #tpu.memory_space<hbm>>) dst(%arg14 : memref<128xi32, #tpu.memory_space<vmem>>)
        %dma_start3A_387 = arith.constant 0 : i32
        %dma_start3A_388 = arith.constant 0 : i32
        %dma_start3A_389 = tpu.memref_slice %arg3[%dma_start3A_387, %dma_start3A_388] : memref<1000000x128xf32, #tpu.memory_space<hbm>> -> memref<1000000x128xf32, #tpu.memory_space<hbm>>
        tpu.enqueue_indirect_dma source(%dma_start3A_389 : memref<1000000x128xf32, #tpu.memory_space<hbm>>) target(%arg16 : memref<128x128xf32, #tpu.memory_space<vmem>>) offsets(%arg14 : memref<128xi32, #tpu.memory_space<vmem>>) semaphore(%arg22 : memref<!tpu.dma_semaphore, #tpu.memory_space<semaphore_mem>>)
      } else {
      }
      %ge3A = arith.constant 2 : i32
      %ge3A_63 = arith.cmpi sge, %mul3A_48, %ge3A : i32
      %convert_element_type3A_64 = arith.extui %ge3A_63 : i1 to i32
      %cond3A_65 = arith.constant 0 : i32
      %cond3A_66 = arith.cmpi ne, %convert_element_type3A_64, %cond3A_65 : i32
      scf.if %cond3A_66 {
        %dma_wait3A_378 = arith.constant 0 : i32
        %dma_wait3A_379 = arith.constant 0 : i32
        %dma_wait3A_380 = tpu.memref_slice %arg6[%mul3A_48, %dma_wait3A_378, %add3A, %dma_wait3A_379] : memref<200x8x32x1024xf32, #tpu.memory_space<hbm>> -> memref<1x8x1x1024xf32, #tpu.memory_space<hbm>>
        %dma_wait3A_381 = tpu.memref_squeeze %dma_wait3A_380 : memref<1x8x1x1024xf32, #tpu.memory_space<hbm>> -> memref<8x1024xf32, #tpu.memory_space<hbm>>
        %dma_wait3A_382 = arith.constant 0 : i32
        %dma_wait3A_383 = arith.constant 0 : i32
        %dma_wait3A_384 = tpu.memref_slice %arg6[%mul3A_48, %dma_wait3A_382, %add3A, %dma_wait3A_383] : memref<200x8x32x1024xf32, #tpu.memory_space<hbm>> -> memref<1x8x1x1024xf32, #tpu.memory_space<hbm>>
        %dma_wait3A_385 = tpu.memref_squeeze %dma_wait3A_384 : memref<1x8x1x1024xf32, #tpu.memory_space<hbm>> -> memref<8x1024xf32, #tpu.memory_space<hbm>>
        tpu.wait_dma2 semaphore(%arg23 : memref<!tpu.dma_semaphore, #tpu.memory_space<semaphore_mem>>) src(%arg17 : memref<8x1024xf32, #tpu.memory_space<vmem>>) dst(%dma_wait3A_385 : memref<8x1024xf32, #tpu.memory_space<hbm>>)
      } else {
      }
      %add3A_67 = arith.constant 0 : i32
      %add3A_68 = vector.broadcast %add3A_67 : i32 to vector<16xi32>
      %add3A_69 = arith.addi %iota3A, %add3A_68 : vector<16xi32>
      %and3A = arith.constant 15 : i32
      %and3A_70 = vector.broadcast %and3A : i32 to vector<16xi32>
      %and3A_71 = arith.andi %add3A_69, %and3A_70 : vector<16xi32>
      %add3A_72 = arith.constant 1 : i32
      %add3A_73 = vector.broadcast %add3A_72 : i32 to vector<16xi32>
      %add3A_74 = arith.addi %iota3A, %add3A_73 : vector<16xi32>
      %and3A_75 = arith.constant 15 : i32
      %and3A_76 = vector.broadcast %and3A_75 : i32 to vector<16xi32>
      %and3A_77 = arith.andi %add3A_74, %and3A_76 : vector<16xi32>
      %add3A_78 = arith.constant 2 : i32
      %add3A_79 = vector.broadcast %add3A_78 : i32 to vector<16xi32>
      %add3A_80 = arith.addi %iota3A, %add3A_79 : vector<16xi32>
      %and3A_81 = arith.constant 15 : i32
      %and3A_82 = vector.broadcast %and3A_81 : i32 to vector<16xi32>
      %and3A_83 = arith.andi %add3A_80, %and3A_82 : vector<16xi32>
      %add3A_84 = arith.constant 3 : i32
      %add3A_85 = vector.broadcast %add3A_84 : i32 to vector<16xi32>
      %add3A_86 = arith.addi %iota3A, %add3A_85 : vector<16xi32>
      %and3A_87 = arith.constant 15 : i32
      %and3A_88 = vector.broadcast %and3A_87 : i32 to vector<16xi32>
      %and3A_89 = arith.andi %add3A_86, %and3A_88 : vector<16xi32>
      %add3A_90 = arith.constant 4 : i32
      %add3A_91 = vector.broadcast %add3A_90 : i32 to vector<16xi32>
      %add3A_92 = arith.addi %iota3A, %add3A_91 : vector<16xi32>
      %and3A_93 = arith.constant 15 : i32
      %and3A_94 = vector.broadcast %and3A_93 : i32 to vector<16xi32>
      %and3A_95 = arith.andi %add3A_92, %and3A_94 : vector<16xi32>
      %add3A_96 = arith.constant 5 : i32
      %add3A_97 = vector.broadcast %add3A_96 : i32 to vector<16xi32>
      %add3A_98 = arith.addi %iota3A, %add3A_97 : vector<16xi32>
      %and3A_99 = arith.constant 15 : i32
      %and3A_100 = vector.broadcast %and3A_99 : i32 to vector<16xi32>
      %and3A_101 = arith.andi %add3A_98, %and3A_100 : vector<16xi32>
      %add3A_102 = arith.constant 6 : i32
      %add3A_103 = vector.broadcast %add3A_102 : i32 to vector<16xi32>
      %add3A_104 = arith.addi %iota3A, %add3A_103 : vector<16xi32>
      %and3A_105 = arith.constant 15 : i32
      %and3A_106 = vector.broadcast %and3A_105 : i32 to vector<16xi32>
      %and3A_107 = arith.andi %add3A_104, %and3A_106 : vector<16xi32>
      %add3A_108 = arith.constant 7 : i32
      %add3A_109 = vector.broadcast %add3A_108 : i32 to vector<16xi32>
      %add3A_110 = arith.addi %iota3A, %add3A_109 : vector<16xi32>
      %and3A_111 = arith.constant 15 : i32
      %and3A_112 = vector.broadcast %and3A_111 : i32 to vector<16xi32>
      %and3A_113 = arith.andi %add3A_110, %and3A_112 : vector<16xi32>
      %add3A_114 = arith.constant 8 : i32
      %add3A_115 = vector.broadcast %add3A_114 : i32 to vector<16xi32>
      %add3A_116 = arith.addi %iota3A, %add3A_115 : vector<16xi32>
      %and3A_117 = arith.constant 15 : i32
      %and3A_118 = vector.broadcast %and3A_117 : i32 to vector<16xi32>
      %and3A_119 = arith.andi %add3A_116, %and3A_118 : vector<16xi32>
      %add3A_120 = arith.constant 9 : i32
      %add3A_121 = vector.broadcast %add3A_120 : i32 to vector<16xi32>
      %add3A_122 = arith.addi %iota3A, %add3A_121 : vector<16xi32>
      %and3A_123 = arith.constant 15 : i32
      %and3A_124 = vector.broadcast %and3A_123 : i32 to vector<16xi32>
      %and3A_125 = arith.andi %add3A_122, %and3A_124 : vector<16xi32>
      %add3A_126 = arith.constant 10 : i32
      %add3A_127 = vector.broadcast %add3A_126 : i32 to vector<16xi32>
      %add3A_128 = arith.addi %iota3A, %add3A_127 : vector<16xi32>
      %and3A_129 = arith.constant 15 : i32
      %and3A_130 = vector.broadcast %and3A_129 : i32 to vector<16xi32>
      %and3A_131 = arith.andi %add3A_128, %and3A_130 : vector<16xi32>
      %add3A_132 = arith.constant 11 : i32
      %add3A_133 = vector.broadcast %add3A_132 : i32 to vector<16xi32>
      %add3A_134 = arith.addi %iota3A, %add3A_133 : vector<16xi32>
      %and3A_135 = arith.constant 15 : i32
      %and3A_136 = vector.broadcast %and3A_135 : i32 to vector<16xi32>
      %and3A_137 = arith.andi %add3A_134, %and3A_136 : vector<16xi32>
      %add3A_138 = arith.constant 12 : i32
      %add3A_139 = vector.broadcast %add3A_138 : i32 to vector<16xi32>
      %add3A_140 = arith.addi %iota3A, %add3A_139 : vector<16xi32>
      %and3A_141 = arith.constant 15 : i32
      %and3A_142 = vector.broadcast %and3A_141 : i32 to vector<16xi32>
      %and3A_143 = arith.andi %add3A_140, %and3A_142 : vector<16xi32>
      %add3A_144 = arith.constant 13 : i32
      %add3A_145 = vector.broadcast %add3A_144 : i32 to vector<16xi32>
      %add3A_146 = arith.addi %iota3A, %add3A_145 : vector<16xi32>
      %and3A_147 = arith.constant 15 : i32
      %and3A_148 = vector.broadcast %and3A_147 : i32 to vector<16xi32>
      %and3A_149 = arith.andi %add3A_146, %and3A_148 : vector<16xi32>
      %add3A_150 = arith.constant 14 : i32
      %add3A_151 = vector.broadcast %add3A_150 : i32 to vector<16xi32>
      %add3A_152 = arith.addi %iota3A, %add3A_151 : vector<16xi32>
      %and3A_153 = arith.constant 15 : i32
      %and3A_154 = vector.broadcast %and3A_153 : i32 to vector<16xi32>
      %and3A_155 = arith.andi %add3A_152, %and3A_154 : vector<16xi32>
      %add3A_156 = arith.constant 15 : i32
      %add3A_157 = vector.broadcast %add3A_156 : i32 to vector<16xi32>
      %add3A_158 = arith.addi %iota3A, %add3A_157 : vector<16xi32>
      %and3A_159 = arith.constant 15 : i32
      %and3A_160 = vector.broadcast %and3A_159 : i32 to vector<16xi32>
      %and3A_161 = arith.andi %add3A_158, %and3A_160 : vector<16xi32>
      %parallel_loop3A = arith.constant 0 : i32
      %parallel_loop3A_162 = arith.constant 32 : i32
      %parallel_loop3A_163 = arith.constant 1 : i32
      scf.for %parallel_loop3A_378 = %parallel_loop3A to %parallel_loop3A_162 step %parallel_loop3A_163  : i32 {
        %parallel_loop3A_379 = arith.constant 2 : i32
        %parallel_loop3A_380 = arith.shrsi %parallel_loop3A_378, %parallel_loop3A_379 : i32
        %parallel_loop3A_381 = arith.constant 3 : i32
        %parallel_loop3A_382 = arith.andi %parallel_loop3A_378, %parallel_loop3A_381 : i32
        %parallel_loop3A_383 = arith.constant 16 : i32
        %parallel_loop3A_384 = arith.muli %parallel_loop3A_380, %parallel_loop3A_383 : i32
        %parallel_loop3A_385 = vector.broadcast %parallel_loop3A_384 : i32 to vector<16xi32>
        %parallel_loop3A_386 = arith.addi %parallel_loop3A_385, %iota3A : vector<16xi32>
        %parallel_loop3A_387 = arith.constant 16 : i32
        %parallel_loop3A_388 = arith.muli %parallel_loop3A_382, %parallel_loop3A_387 : i32
        %parallel_loop3A_389 = arith.sitofp %mul3A_3 : vector<16xi32> to vector<16xf32>
        %parallel_loop3A_390 = arith.constant 0.000000e+00 : f32
        %parallel_loop3A_391 = vector.broadcast %parallel_loop3A_390 : f32 to vector<16xf32>
        %parallel_loop3A_392 = arith.mulf %parallel_loop3A_389, %parallel_loop3A_391 : vector<16xf32>
        %parallel_loop3A_393 = vector.broadcast %parallel_loop3A_388 : i32 to vector<16xi32>
        %parallel_loop3A_394 = arith.addi %parallel_loop3A_393, %and3A_71 : vector<16xi32>
        %parallel_loop3A_395 = tpu.vector_load_idx %arg15[%parallel_loop3A_386, %parallel_loop3A_394] : memref<128x128xf32, #tpu.memory_space<vmem>>[vector<16xi32>, vector<16xi32>], vector<16xf32>,
        %parallel_loop3A_396 = vector.broadcast %parallel_loop3A_388 : i32 to vector<16xi32>
        %parallel_loop3A_397 = arith.addi %parallel_loop3A_396, %and3A_77 : vector<16xi32>
        %parallel_loop3A_398 = tpu.vector_load_idx %arg15[%parallel_loop3A_386, %parallel_loop3A_397] : memref<128x128xf32, #tpu.memory_space<vmem>>[vector<16xi32>, vector<16xi32>], vector<16xf32>,
        %parallel_loop3A_399 = arith.addf %parallel_loop3A_392, %parallel_loop3A_395 : vector<16xf32>
        %parallel_loop3A_400 = arith.addf %parallel_loop3A_392, %parallel_loop3A_398 : vector<16xf32>
        %parallel_loop3A_401 = arith.mulf %parallel_loop3A_395, %parallel_loop3A_395 : vector<16xf32>
        %parallel_loop3A_402 = arith.addf %parallel_loop3A_392, %parallel_loop3A_401 : vector<16xf32>
        %parallel_loop3A_403 = arith.mulf %parallel_loop3A_398, %parallel_loop3A_398 : vector<16xf32>
        %parallel_loop3A_404 = arith.addf %parallel_loop3A_392, %parallel_loop3A_403 : vector<16xf32>
        %parallel_loop3A_405 = vector.broadcast %parallel_loop3A_388 : i32 to vector<16xi32>
        %parallel_loop3A_406 = arith.addi %parallel_loop3A_405, %and3A_83 : vector<16xi32>
        %parallel_loop3A_407 = tpu.vector_load_idx %arg15[%parallel_loop3A_386, %parallel_loop3A_406] : memref<128x128xf32, #tpu.memory_space<vmem>>[vector<16xi32>, vector<16xi32>], vector<16xf32>,
        %parallel_loop3A_408 = vector.broadcast %parallel_loop3A_388 : i32 to vector<16xi32>
        %parallel_loop3A_409 = arith.addi %parallel_loop3A_408, %and3A_89 : vector<16xi32>
        %parallel_loop3A_410 = tpu.vector_load_idx %arg15[%parallel_loop3A_386, %parallel_loop3A_409] : memref<128x128xf32, #tpu.memory_space<vmem>>[vector<16xi32>, vector<16xi32>], vector<16xf32>,
        %parallel_loop3A_411 = arith.addf %parallel_loop3A_399, %parallel_loop3A_407 : vector<16xf32>
        %parallel_loop3A_412 = arith.addf %parallel_loop3A_400, %parallel_loop3A_410 : vector<16xf32>
        %parallel_loop3A_413 = arith.mulf %parallel_loop3A_407, %parallel_loop3A_407 : vector<16xf32>
        %parallel_loop3A_414 = arith.addf %parallel_loop3A_402, %parallel_loop3A_413 : vector<16xf32>
        %parallel_loop3A_415 = arith.mulf %parallel_loop3A_410, %parallel_loop3A_410 : vector<16xf32>
        %parallel_loop3A_416 = arith.addf %parallel_loop3A_404, %parallel_loop3A_415 : vector<16xf32>
        %parallel_loop3A_417 = vector.broadcast %parallel_loop3A_388 : i32 to vector<16xi32>
        %parallel_loop3A_418 = arith.addi %parallel_loop3A_417, %and3A_95 : vector<16xi32>
        %parallel_loop3A_419 = tpu.vector_load_idx %arg15[%parallel_loop3A_386, %parallel_loop3A_418] : memref<128x128xf32, #tpu.memory_space<vmem>>[vector<16xi32>, vector<16xi32>], vector<16xf32>,
        %parallel_loop3A_420 = vector.broadcast %parallel_loop3A_388 : i32 to vector<16xi32>
        %parallel_loop3A_421 = arith.addi %parallel_loop3A_420, %and3A_101 : vector<16xi32>
        %parallel_loop3A_422 = tpu.vector_load_idx %arg15[%parallel_loop3A_386, %parallel_loop3A_421] : memref<128x128xf32, #tpu.memory_space<vmem>>[vector<16xi32>, vector<16xi32>], vector<16xf32>,
        %parallel_loop3A_423 = arith.addf %parallel_loop3A_411, %parallel_loop3A_419 : vector<16xf32>
        %parallel_loop3A_424 = arith.addf %parallel_loop3A_412, %parallel_loop3A_422 : vector<16xf32>
        %parallel_loop3A_425 = arith.mulf %parallel_loop3A_419, %parallel_loop3A_419 : vector<16xf32>
        %parallel_loop3A_426 = arith.addf %parallel_loop3A_414, %parallel_loop3A_425 : vector<16xf32>
        %parallel_loop3A_427 = arith.mulf %parallel_loop3A_422, %parallel_loop3A_422 : vector<16xf32>
        %parallel_loop3A_428 = arith.addf %parallel_loop3A_416, %parallel_loop3A_427 : vector<16xf32>
        %parallel_loop3A_429 = vector.broadcast %parallel_loop3A_388 : i32 to vector<16xi32>
        %parallel_loop3A_430 = arith.addi %parallel_loop3A_429, %and3A_107 : vector<16xi32>
        %parallel_loop3A_431 = tpu.vector_load_idx %arg15[%parallel_loop3A_386, %parallel_loop3A_430] : memref<128x128xf32, #tpu.memory_space<vmem>>[vector<16xi32>, vector<16xi32>], vector<16xf32>,
        %parallel_loop3A_432 = vector.broadcast %parallel_loop3A_388 : i32 to vector<16xi32>
        %parallel_loop3A_433 = arith.addi %parallel_loop3A_432, %and3A_113 : vector<16xi32>
        %parallel_loop3A_434 = tpu.vector_load_idx %arg15[%parallel_loop3A_386, %parallel_loop3A_433] : memref<128x128xf32, #tpu.memory_space<vmem>>[vector<16xi32>, vector<16xi32>], vector<16xf32>,
        %parallel_loop3A_435 = arith.addf %parallel_loop3A_423, %parallel_loop3A_431 : vector<16xf32>
        %parallel_loop3A_436 = arith.addf %parallel_loop3A_424, %parallel_loop3A_434 : vector<16xf32>
        %parallel_loop3A_437 = arith.mulf %parallel_loop3A_431, %parallel_loop3A_431 : vector<16xf32>
        %parallel_loop3A_438 = arith.addf %parallel_loop3A_426, %parallel_loop3A_437 : vector<16xf32>
        %parallel_loop3A_439 = arith.mulf %parallel_loop3A_434, %parallel_loop3A_434 : vector<16xf32>
        %parallel_loop3A_440 = arith.addf %parallel_loop3A_428, %parallel_loop3A_439 : vector<16xf32>
        %parallel_loop3A_441 = vector.broadcast %parallel_loop3A_388 : i32 to vector<16xi32>
        %parallel_loop3A_442 = arith.addi %parallel_loop3A_441, %and3A_119 : vector<16xi32>
        %parallel_loop3A_443 = tpu.vector_load_idx %arg15[%parallel_loop3A_386, %parallel_loop3A_442] : memref<128x128xf32, #tpu.memory_space<vmem>>[vector<16xi32>, vector<16xi32>], vector<16xf32>,
        %parallel_loop3A_444 = vector.broadcast %parallel_loop3A_388 : i32 to vector<16xi32>
        %parallel_loop3A_445 = arith.addi %parallel_loop3A_444, %and3A_125 : vector<16xi32>
        %parallel_loop3A_446 = tpu.vector_load_idx %arg15[%parallel_loop3A_386, %parallel_loop3A_445] : memref<128x128xf32, #tpu.memory_space<vmem>>[vector<16xi32>, vector<16xi32>], vector<16xf32>,
        %parallel_loop3A_447 = arith.addf %parallel_loop3A_435, %parallel_loop3A_443 : vector<16xf32>
        %parallel_loop3A_448 = arith.addf %parallel_loop3A_436, %parallel_loop3A_446 : vector<16xf32>
        %parallel_loop3A_449 = arith.mulf %parallel_loop3A_443, %parallel_loop3A_443 : vector<16xf32>
        %parallel_loop3A_450 = arith.addf %parallel_loop3A_438, %parallel_loop3A_449 : vector<16xf32>
        %parallel_loop3A_451 = arith.mulf %parallel_loop3A_446, %parallel_loop3A_446 : vector<16xf32>
        %parallel_loop3A_452 = arith.addf %parallel_loop3A_440, %parallel_loop3A_451 : vector<16xf32>
        %parallel_loop3A_453 = vector.broadcast %parallel_loop3A_388 : i32 to vector<16xi32>
        %parallel_loop3A_454 = arith.addi %parallel_loop3A_453, %and3A_131 : vector<16xi32>
        %parallel_loop3A_455 = tpu.vector_load_idx %arg15[%parallel_loop3A_386, %parallel_loop3A_454] : memref<128x128xf32, #tpu.memory_space<vmem>>[vector<16xi32>, vector<16xi32>], vector<16xf32>,
        %parallel_loop3A_456 = vector.broadcast %parallel_loop3A_388 : i32 to vector<16xi32>
        %parallel_loop3A_457 = arith.addi %parallel_loop3A_456, %and3A_137 : vector<16xi32>
        %parallel_loop3A_458 = tpu.vector_load_idx %arg15[%parallel_loop3A_386, %parallel_loop3A_457] : memref<128x128xf32, #tpu.memory_space<vmem>>[vector<16xi32>, vector<16xi32>], vector<16xf32>,
        %parallel_loop3A_459 = arith.addf %parallel_loop3A_447, %parallel_loop3A_455 : vector<16xf32>
        %parallel_loop3A_460 = arith.addf %parallel_loop3A_448, %parallel_loop3A_458 : vector<16xf32>
        %parallel_loop3A_461 = arith.mulf %parallel_loop3A_455, %parallel_loop3A_455 : vector<16xf32>
        %parallel_loop3A_462 = arith.addf %parallel_loop3A_450, %parallel_loop3A_461 : vector<16xf32>
        %parallel_loop3A_463 = arith.mulf %parallel_loop3A_458, %parallel_loop3A_458 : vector<16xf32>
        %parallel_loop3A_464 = arith.addf %parallel_loop3A_452, %parallel_loop3A_463 : vector<16xf32>
        %parallel_loop3A_465 = vector.broadcast %parallel_loop3A_388 : i32 to vector<16xi32>
        %parallel_loop3A_466 = arith.addi %parallel_loop3A_465, %and3A_143 : vector<16xi32>
        %parallel_loop3A_467 = tpu.vector_load_idx %arg15[%parallel_loop3A_386, %parallel_loop3A_466] : memref<128x128xf32, #tpu.memory_space<vmem>>[vector<16xi32>, vector<16xi32>], vector<16xf32>,
        %parallel_loop3A_468 = vector.broadcast %parallel_loop3A_388 : i32 to vector<16xi32>
        %parallel_loop3A_469 = arith.addi %parallel_loop3A_468, %and3A_149 : vector<16xi32>
        %parallel_loop3A_470 = tpu.vector_load_idx %arg15[%parallel_loop3A_386, %parallel_loop3A_469] : memref<128x128xf32, #tpu.memory_space<vmem>>[vector<16xi32>, vector<16xi32>], vector<16xf32>,
        %parallel_loop3A_471 = arith.addf %parallel_loop3A_459, %parallel_loop3A_467 : vector<16xf32>
        %parallel_loop3A_472 = arith.addf %parallel_loop3A_460, %parallel_loop3A_470 : vector<16xf32>
        %parallel_loop3A_473 = arith.mulf %parallel_loop3A_467, %parallel_loop3A_467 : vector<16xf32>
        %parallel_loop3A_474 = arith.addf %parallel_loop3A_462, %parallel_loop3A_473 : vector<16xf32>
        %parallel_loop3A_475 = arith.mulf %parallel_loop3A_470, %parallel_loop3A_470 : vector<16xf32>
        %parallel_loop3A_476 = arith.addf %parallel_loop3A_464, %parallel_loop3A_475 : vector<16xf32>
        %parallel_loop3A_477 = vector.broadcast %parallel_loop3A_388 : i32 to vector<16xi32>
        %parallel_loop3A_478 = arith.addi %parallel_loop3A_477, %and3A_155 : vector<16xi32>
        %parallel_loop3A_479 = tpu.vector_load_idx %arg15[%parallel_loop3A_386, %parallel_loop3A_478] : memref<128x128xf32, #tpu.memory_space<vmem>>[vector<16xi32>, vector<16xi32>], vector<16xf32>,
        %parallel_loop3A_480 = vector.broadcast %parallel_loop3A_388 : i32 to vector<16xi32>
        %parallel_loop3A_481 = arith.addi %parallel_loop3A_480, %and3A_161 : vector<16xi32>
        %parallel_loop3A_482 = tpu.vector_load_idx %arg15[%parallel_loop3A_386, %parallel_loop3A_481] : memref<128x128xf32, #tpu.memory_space<vmem>>[vector<16xi32>, vector<16xi32>], vector<16xf32>,
        %parallel_loop3A_483 = arith.addf %parallel_loop3A_471, %parallel_loop3A_479 : vector<16xf32>
        %parallel_loop3A_484 = arith.addf %parallel_loop3A_472, %parallel_loop3A_482 : vector<16xf32>
        %parallel_loop3A_485 = arith.mulf %parallel_loop3A_479, %parallel_loop3A_479 : vector<16xf32>
        %parallel_loop3A_486 = arith.addf %parallel_loop3A_474, %parallel_loop3A_485 : vector<16xf32>
        %parallel_loop3A_487 = arith.mulf %parallel_loop3A_482, %parallel_loop3A_482 : vector<16xf32>
        %parallel_loop3A_488 = arith.addf %parallel_loop3A_476, %parallel_loop3A_487 : vector<16xf32>
        %parallel_loop3A_489 = arith.addf %parallel_loop3A_483, %parallel_loop3A_484 : vector<16xf32>
        %parallel_loop3A_490 = arith.constant 16 : i32
        %parallel_loop3A_491 = arith.muli %parallel_loop3A_382, %parallel_loop3A_490 : i32
        %parallel_loop3A_492 = arith.index_cast %parallel_loop3A_380 : i32 to index
        %parallel_loop3A_493 = arith.index_cast %parallel_loop3A_491 : i32 to index
        %parallel_loop3A_494 = tpu.vector_load %arg11[%parallel_loop3A_492, %parallel_loop3A_493] {strides = array<i32>} : memref<8x64xf32, #tpu.memory_space<vmem>>, vector<16xf32>,
        tpu.vector_store %arg11[%parallel_loop3A_492, %parallel_loop3A_493], %parallel_loop3A_489 {strides = array<i32>} : memref<8x64xf32, #tpu.memory_space<vmem>>, vector<16xf32>,
        %parallel_loop3A_495 = arith.addf %parallel_loop3A_486, %parallel_loop3A_488 : vector<16xf32>
        %parallel_loop3A_496 = arith.constant 16 : i32
        %parallel_loop3A_497 = arith.muli %parallel_loop3A_382, %parallel_loop3A_496 : i32
        %parallel_loop3A_498 = arith.index_cast %parallel_loop3A_380 : i32 to index
        %parallel_loop3A_499 = arith.index_cast %parallel_loop3A_497 : i32 to index
        %parallel_loop3A_500 = tpu.vector_load %arg12[%parallel_loop3A_498, %parallel_loop3A_499] {strides = array<i32>} : memref<8x64xf32, #tpu.memory_space<vmem>>, vector<16xf32>,
        tpu.vector_store %arg12[%parallel_loop3A_498, %parallel_loop3A_499], %parallel_loop3A_495 {strides = array<i32>} : memref<8x64xf32, #tpu.memory_space<vmem>>, vector<16xf32>,
      } {sc.loop_unroll_factor = 2 : i64, sc.parallel_access}
      %parallel_loop3A_164 = arith.constant 0 : i32
      %parallel_loop3A_165 = arith.constant 8 : i32
      %parallel_loop3A_166 = arith.constant 1 : i32
      scf.for %parallel_loop3A_378 = %parallel_loop3A_164 to %parallel_loop3A_165 step %parallel_loop3A_166  : i32 {
        %parallel_loop3A_379 = arith.index_cast %parallel_loop3A_378 : i32 to index
        %parallel_loop3A_380 = arith.constant 0 : index
        %parallel_loop3A_381 = tpu.vector_load %arg11[%parallel_loop3A_379, %parallel_loop3A_380] {strides = array<i32>} : memref<8x64xf32, #tpu.memory_space<vmem>>, vector<16xf32>,
        %parallel_loop3A_382 = arith.index_cast %parallel_loop3A_378 : i32 to index
        %parallel_loop3A_383 = arith.constant 16 : index
        %parallel_loop3A_384 = tpu.vector_load %arg11[%parallel_loop3A_382, %parallel_loop3A_383] {strides = array<i32>} : memref<8x64xf32, #tpu.memory_space<vmem>>, vector<16xf32>,
        %parallel_loop3A_385 = arith.addf %parallel_loop3A_381, %parallel_loop3A_384 : vector<16xf32>
        %parallel_loop3A_386 = arith.index_cast %parallel_loop3A_378 : i32 to index
        %parallel_loop3A_387 = arith.constant 32 : index
        %parallel_loop3A_388 = tpu.vector_load %arg11[%parallel_loop3A_386, %parallel_loop3A_387] {strides = array<i32>} : memref<8x64xf32, #tpu.memory_space<vmem>>, vector<16xf32>,
        %parallel_loop3A_389 = arith.index_cast %parallel_loop3A_378 : i32 to index
        %parallel_loop3A_390 = arith.constant 48 : index
        %parallel_loop3A_391 = tpu.vector_load %arg11[%parallel_loop3A_389, %parallel_loop3A_390] {strides = array<i32>} : memref<8x64xf32, #tpu.memory_space<vmem>>, vector<16xf32>,
        %parallel_loop3A_392 = arith.addf %parallel_loop3A_388, %parallel_loop3A_391 : vector<16xf32>
        %parallel_loop3A_393 = arith.addf %parallel_loop3A_385, %parallel_loop3A_392 : vector<16xf32>
        %parallel_loop3A_394 = arith.index_cast %parallel_loop3A_378 : i32 to index
        %parallel_loop3A_395 = arith.constant 0 : index
        %parallel_loop3A_396 = tpu.vector_load %arg12[%parallel_loop3A_394, %parallel_loop3A_395] {strides = array<i32>} : memref<8x64xf32, #tpu.memory_space<vmem>>, vector<16xf32>,
        %parallel_loop3A_397 = arith.index_cast %parallel_loop3A_378 : i32 to index
        %parallel_loop3A_398 = arith.constant 16 : index
        %parallel_loop3A_399 = tpu.vector_load %arg12[%parallel_loop3A_397, %parallel_loop3A_398] {strides = array<i32>} : memref<8x64xf32, #tpu.memory_space<vmem>>, vector<16xf32>,
        %parallel_loop3A_400 = arith.addf %parallel_loop3A_396, %parallel_loop3A_399 : vector<16xf32>
        %parallel_loop3A_401 = arith.index_cast %parallel_loop3A_378 : i32 to index
        %parallel_loop3A_402 = arith.constant 32 : index
        %parallel_loop3A_403 = tpu.vector_load %arg12[%parallel_loop3A_401, %parallel_loop3A_402] {strides = array<i32>} : memref<8x64xf32, #tpu.memory_space<vmem>>, vector<16xf32>,
        %parallel_loop3A_404 = arith.index_cast %parallel_loop3A_378 : i32 to index
        %parallel_loop3A_405 = arith.constant 48 : index
        %parallel_loop3A_406 = tpu.vector_load %arg12[%parallel_loop3A_404, %parallel_loop3A_405] {strides = array<i32>} : memref<8x64xf32, #tpu.memory_space<vmem>>, vector<16xf32>,
        %parallel_loop3A_407 = arith.addf %parallel_loop3A_403, %parallel_loop3A_406 : vector<16xf32>
        %parallel_loop3A_408 = arith.addf %parallel_loop3A_400, %parallel_loop3A_407 : vector<16xf32>
        %parallel_loop3A_409 = arith.constant 1.562500e-02 : f32
        %parallel_loop3A_410 = vector.broadcast %parallel_loop3A_409 : f32 to vector<16xf32>
        %parallel_loop3A_411 = arith.mulf %parallel_loop3A_393, %parallel_loop3A_410 : vector<16xf32>
        %parallel_loop3A_412 = arith.constant 1.562500e-02 : f32
        %parallel_loop3A_413 = vector.broadcast %parallel_loop3A_412 : f32 to vector<16xf32>
        %parallel_loop3A_414 = arith.mulf %parallel_loop3A_408, %parallel_loop3A_413 : vector<16xf32>
        %parallel_loop3A_415 = arith.mulf %parallel_loop3A_411, %parallel_loop3A_411 : vector<16xf32>
        %parallel_loop3A_416 = arith.subf %parallel_loop3A_414, %parallel_loop3A_415 : vector<16xf32>
        %parallel_loop3A_417 = arith.constant 9.99999996E-13 : f32
        %parallel_loop3A_418 = vector.broadcast %parallel_loop3A_417 : f32 to vector<16xf32>
        %parallel_loop3A_419 = arith.addf %parallel_loop3A_416, %parallel_loop3A_418 : vector<16xf32>
        %parallel_loop3A_420 = tpu.bitcast %parallel_loop3A_419 : vector<16xf32> -> vector<16xi32>
        %parallel_loop3A_421 = arith.constant 1597463007 : i32
        %parallel_loop3A_422 = vector.broadcast %parallel_loop3A_421 : i32 to vector<16xi32>
        %parallel_loop3A_423 = arith.constant 1 : i32
        %parallel_loop3A_424 = vector.broadcast %parallel_loop3A_423 : i32 to vector<16xi32>
        %parallel_loop3A_425 = arith.shrui %parallel_loop3A_420, %parallel_loop3A_424 : vector<16xi32>
        %parallel_loop3A_426 = arith.subi %parallel_loop3A_422, %parallel_loop3A_425 : vector<16xi32>
        %parallel_loop3A_427 = tpu.bitcast %parallel_loop3A_426 : vector<16xi32> -> vector<16xf32>
        %parallel_loop3A_428 = arith.constant 5.000000e-01 : f32
        %parallel_loop3A_429 = vector.broadcast %parallel_loop3A_428 : f32 to vector<16xf32>
        %parallel_loop3A_430 = arith.mulf %parallel_loop3A_419, %parallel_loop3A_429 : vector<16xf32>
        %parallel_loop3A_431 = arith.mulf %parallel_loop3A_430, %parallel_loop3A_427 : vector<16xf32>
        %parallel_loop3A_432 = arith.mulf %parallel_loop3A_431, %parallel_loop3A_427 : vector<16xf32>
        %parallel_loop3A_433 = arith.constant 1.500000e+00 : f32
        %parallel_loop3A_434 = vector.broadcast %parallel_loop3A_433 : f32 to vector<16xf32>
        %parallel_loop3A_435 = arith.subf %parallel_loop3A_434, %parallel_loop3A_432 : vector<16xf32>
        %parallel_loop3A_436 = arith.mulf %parallel_loop3A_427, %parallel_loop3A_435 : vector<16xf32>
        %parallel_loop3A_437 = arith.mulf %parallel_loop3A_430, %parallel_loop3A_436 : vector<16xf32>
        %parallel_loop3A_438 = arith.mulf %parallel_loop3A_437, %parallel_loop3A_436 : vector<16xf32>
        %parallel_loop3A_439 = arith.constant 1.500000e+00 : f32
        %parallel_loop3A_440 = vector.broadcast %parallel_loop3A_439 : f32 to vector<16xf32>
        %parallel_loop3A_441 = arith.subf %parallel_loop3A_440, %parallel_loop3A_438 : vector<16xf32>
        %parallel_loop3A_442 = arith.mulf %parallel_loop3A_436, %parallel_loop3A_441 : vector<16xf32>
        %parallel_loop3A_443 = arith.mulf %parallel_loop3A_430, %parallel_loop3A_442 : vector<16xf32>
        %parallel_loop3A_444 = arith.mulf %parallel_loop3A_443, %parallel_loop3A_442 : vector<16xf32>
        %parallel_loop3A_445 = arith.constant 1.500000e+00 : f32
        %parallel_loop3A_446 = vector.broadcast %parallel_loop3A_445 : f32 to vector<16xf32>
        %parallel_loop3A_447 = arith.subf %parallel_loop3A_446, %parallel_loop3A_444 : vector<16xf32>
        %parallel_loop3A_448 = arith.mulf %parallel_loop3A_442, %parallel_loop3A_447 : vector<16xf32>
        %parallel_loop3A_449 = arith.constant 16 : i32
        %parallel_loop3A_450 = arith.muli %parallel_loop3A_378, %parallel_loop3A_449 : i32
        %parallel_loop3A_451 = arith.index_cast %parallel_loop3A_450 : i32 to index
        %parallel_loop3A_452 = tpu.vector_load %arg9[%parallel_loop3A_451] {strides = array<i32>} : memref<128xf32, #tpu.memory_space<vmem>>, vector<16xf32>,
        tpu.vector_store %arg9[%parallel_loop3A_451], %parallel_loop3A_448 {strides = array<i32>} : memref<128xf32, #tpu.memory_space<vmem>>, vector<16xf32>,
        %parallel_loop3A_453 = arith.mulf %parallel_loop3A_411, %parallel_loop3A_448 : vector<16xf32>
        %parallel_loop3A_454 = arith.constant 0.000000e+00 : f32
        %parallel_loop3A_455 = vector.broadcast %parallel_loop3A_454 : f32 to vector<16xf32>
        %parallel_loop3A_456 = arith.subf %parallel_loop3A_455, %parallel_loop3A_453 : vector<16xf32>
        %parallel_loop3A_457 = arith.constant 16 : i32
        %parallel_loop3A_458 = arith.muli %parallel_loop3A_378, %parallel_loop3A_457 : i32
        %parallel_loop3A_459 = arith.index_cast %parallel_loop3A_458 : i32 to index
        %parallel_loop3A_460 = tpu.vector_load %arg10[%parallel_loop3A_459] {strides = array<i32>} : memref<128xf32, #tpu.memory_space<vmem>>, vector<16xf32>,
        tpu.vector_store %arg10[%parallel_loop3A_459], %parallel_loop3A_456 {strides = array<i32>} : memref<128xf32, #tpu.memory_space<vmem>>, vector<16xf32>,
      } {sc.loop_unroll_factor = 1 : i64, sc.parallel_access}
      %get3A = arith.constant 0 : index
      %get3A_167 = tpu.vector_load %arg9[%get3A] {strides = array<i32>} : memref<128xf32, #tpu.memory_space<vmem>>, vector<16xf32>,
      %get3A_168 = arith.constant 16 : index
      %get3A_169 = tpu.vector_load %arg9[%get3A_168] {strides = array<i32>} : memref<128xf32, #tpu.memory_space<vmem>>, vector<16xf32>,
      %get3A_170 = arith.constant 32 : index
      %get3A_171 = tpu.vector_load %arg9[%get3A_170] {strides = array<i32>} : memref<128xf32, #tpu.memory_space<vmem>>, vector<16xf32>,
      %get3A_172 = arith.constant 48 : index
      %get3A_173 = tpu.vector_load %arg9[%get3A_172] {strides = array<i32>} : memref<128xf32, #tpu.memory_space<vmem>>, vector<16xf32>,
      %get3A_174 = arith.constant 64 : index
      %get3A_175 = tpu.vector_load %arg9[%get3A_174] {strides = array<i32>} : memref<128xf32, #tpu.memory_space<vmem>>, vector<16xf32>,
      %get3A_176 = arith.constant 80 : index
      %get3A_177 = tpu.vector_load %arg9[%get3A_176] {strides = array<i32>} : memref<128xf32, #tpu.memory_space<vmem>>, vector<16xf32>,
      %get3A_178 = arith.constant 96 : index
      %get3A_179 = tpu.vector_load %arg9[%get3A_178] {strides = array<i32>} : memref<128xf32, #tpu.memory_space<vmem>>, vector<16xf32>,
      %get3A_180 = arith.constant 112 : index
      %get3A_181 = tpu.vector_load %arg9[%get3A_180] {strides = array<i32>} : memref<128xf32, #tpu.memory_space<vmem>>, vector<16xf32>,
      %get3A_182 = arith.constant 0 : index
      %get3A_183 = tpu.vector_load %arg10[%get3A_182] {strides = array<i32>} : memref<128xf32, #tpu.memory_space<vmem>>, vector<16xf32>,
      %get3A_184 = arith.constant 16 : index
      %get3A_185 = tpu.vector_load %arg10[%get3A_184] {strides = array<i32>} : memref<128xf32, #tpu.memory_space<vmem>>, vector<16xf32>,
      %get3A_186 = arith.constant 32 : index
      %get3A_187 = tpu.vector_load %arg10[%get3A_186] {strides = array<i32>} : memref<128xf32, #tpu.memory_space<vmem>>, vector<16xf32>,
      %get3A_188 = arith.constant 48 : index
      %get3A_189 = tpu.vector_load %arg10[%get3A_188] {strides = array<i32>} : memref<128xf32, #tpu.memory_space<vmem>>, vector<16xf32>,
      %get3A_190 = arith.constant 64 : index
      %get3A_191 = tpu.vector_load %arg10[%get3A_190] {strides = array<i32>} : memref<128xf32, #tpu.memory_space<vmem>>, vector<16xf32>,
      %get3A_192 = arith.constant 80 : index
      %get3A_193 = tpu.vector_load %arg10[%get3A_192] {strides = array<i32>} : memref<128xf32, #tpu.memory_space<vmem>>, vector<16xf32>,
      %get3A_194 = arith.constant 96 : index
      %get3A_195 = tpu.vector_load %arg10[%get3A_194] {strides = array<i32>} : memref<128xf32, #tpu.memory_space<vmem>>, vector<16xf32>,
      %get3A_196 = arith.constant 112 : index
      %get3A_197 = tpu.vector_load %arg10[%get3A_196] {strides = array<i32>} : memref<128xf32, #tpu.memory_space<vmem>>, vector<16xf32>,
      %parallel_loop3A_198 = arith.constant 0 : i32
      %parallel_loop3A_199 = arith.constant 64 : i32
      %parallel_loop3A_200 = arith.constant 1 : i32
      scf.for %parallel_loop3A_378 = %parallel_loop3A_198 to %parallel_loop3A_199 step %parallel_loop3A_200  : i32 {
        %parallel_loop3A_379 = arith.constant 4 : i32
        %parallel_loop3A_380 = arith.shrsi %parallel_loop3A_378, %parallel_loop3A_379 : i32
        %parallel_loop3A_381 = arith.constant 15 : i32
        %parallel_loop3A_382 = arith.andi %parallel_loop3A_378, %parallel_loop3A_381 : i32
        %parallel_loop3A_383 = vector.broadcast %parallel_loop3A_382 : i32 to vector<16xi32>
        %parallel_loop3A_384 = arith.addi %iota3A, %parallel_loop3A_383 : vector<16xi32>
        %parallel_loop3A_385 = arith.constant 15 : i32
        %parallel_loop3A_386 = vector.broadcast %parallel_loop3A_385 : i32 to vector<16xi32>
        %parallel_loop3A_387 = arith.andi %parallel_loop3A_384, %parallel_loop3A_386 : vector<16xi32>
        %parallel_loop3A_388 = arith.constant 16 : i32
        %parallel_loop3A_389 = arith.muli %parallel_loop3A_380, %parallel_loop3A_388 : i32
        %parallel_loop3A_390 = vector.broadcast %parallel_loop3A_389 : i32 to vector<16xi32>
        %parallel_loop3A_391 = arith.addi %parallel_loop3A_390, %parallel_loop3A_387 : vector<16xi32>
        %parallel_loop3A_392 = arith.constant 3 : i32
        %parallel_loop3A_393 = vector.broadcast %parallel_loop3A_392 : i32 to vector<16xi32>
        %parallel_loop3A_394 = arith.shrui %parallel_loop3A_387, %parallel_loop3A_393 : vector<16xi32>
        %parallel_loop3A_395 = arith.constant 7 : i32
        %parallel_loop3A_396 = vector.broadcast %parallel_loop3A_395 : i32 to vector<16xi32>
        %parallel_loop3A_397 = arith.andi %parallel_loop3A_387, %parallel_loop3A_396 : vector<16xi32>
        %parallel_loop3A_398 = arith.constant 2 : i32
        %parallel_loop3A_399 = arith.muli %parallel_loop3A_398, %parallel_loop3A_380 : i32
        %parallel_loop3A_400 = vector.broadcast %parallel_loop3A_399 : i32 to vector<16xi32>
        %parallel_loop3A_401 = arith.addi %parallel_loop3A_400, %parallel_loop3A_394 : vector<16xi32>
        %parallel_loop3A_402 = arith.constant 128 : i32
        %parallel_loop3A_403 = vector.broadcast %parallel_loop3A_402 : i32 to vector<16xi32>
        %parallel_loop3A_404 = arith.muli %parallel_loop3A_397, %parallel_loop3A_403 : vector<16xi32>
        %parallel_loop3A_405 = arith.addi %parallel_loop3A_404, %iota3A : vector<16xi32>
        %parallel_loop3A_406 = arith.constant 16 : i32
        %parallel_loop3A_407 = arith.muli %parallel_loop3A_380, %parallel_loop3A_406 : i32
        %parallel_loop3A_408 = arith.index_cast %parallel_loop3A_407 : i32 to index
        %parallel_loop3A_409 = tpu.vector_load %arg7[%parallel_loop3A_408] {strides = array<i32>} : memref<64xf32, #tpu.memory_space<vmem>>, vector<16xf32>,
        %parallel_loop3A_410 = arith.constant 0 : i32
        %parallel_loop3A_411 = vector.broadcast %parallel_loop3A_410 : i32 to vector<16xi32>
        %parallel_loop3A_412 = arith.cmpi slt, %parallel_loop3A_387, %parallel_loop3A_411 : vector<16xi32>
        %parallel_loop3A_413 = arith.constant 16 : i32
        %parallel_loop3A_414 = vector.broadcast %parallel_loop3A_413 : i32 to vector<16xi32>
        %parallel_loop3A_415 = arith.addi %parallel_loop3A_387, %parallel_loop3A_414 : vector<16xi32>
        %parallel_loop3A_416 = arith.select %parallel_loop3A_412, %parallel_loop3A_415, %parallel_loop3A_387 : vector<16xi1>, vector<16xi32>
        %parallel_loop3A_417 = vector.shape_cast %parallel_loop3A_416 : vector<16xi32> to vector<16x1xi32>
        %parallel_loop3A_418 = vector.shape_cast %parallel_loop3A_417 : vector<16x1xi32> to vector<16xi32>
        %parallel_loop3A_419 = tpu.dynamic_gather %parallel_loop3A_409[%parallel_loop3A_418] in [0] : vector<16xf32>, vector<16xi32> -> vector<16xf32>
        %parallel_loop3A_420 = arith.constant 16 : i32
        %parallel_loop3A_421 = arith.muli %parallel_loop3A_380, %parallel_loop3A_420 : i32
        %parallel_loop3A_422 = arith.index_cast %parallel_loop3A_421 : i32 to index
        %parallel_loop3A_423 = tpu.vector_load %arg8[%parallel_loop3A_422] {strides = array<i32>} : memref<64xf32, #tpu.memory_space<vmem>>, vector<16xf32>,
        %parallel_loop3A_424 = arith.constant 0 : i32
        %parallel_loop3A_425 = vector.broadcast %parallel_loop3A_424 : i32 to vector<16xi32>
        %parallel_loop3A_426 = arith.cmpi slt, %parallel_loop3A_387, %parallel_loop3A_425 : vector<16xi32>
        %parallel_loop3A_427 = arith.constant 16 : i32
        %parallel_loop3A_428 = vector.broadcast %parallel_loop3A_427 : i32 to vector<16xi32>
        %parallel_loop3A_429 = arith.addi %parallel_loop3A_387, %parallel_loop3A_428 : vector<16xi32>
        %parallel_loop3A_430 = arith.select %parallel_loop3A_426, %parallel_loop3A_429, %parallel_loop3A_387 : vector<16xi1>, vector<16xi32>
        %parallel_loop3A_431 = vector.shape_cast %parallel_loop3A_430 : vector<16xi32> to vector<16x1xi32>
        %parallel_loop3A_432 = vector.shape_cast %parallel_loop3A_431 : vector<16x1xi32> to vector<16xi32>
        %parallel_loop3A_433 = tpu.dynamic_gather %parallel_loop3A_423[%parallel_loop3A_432] in [0] : vector<16xf32>, vector<16xi32> -> vector<16xf32>
        %parallel_loop3A_434 = arith.constant 0 : i32
        %parallel_loop3A_435 = vector.broadcast %parallel_loop3A_434 : i32 to vector<16xi32>
        %parallel_loop3A_436 = arith.addi %parallel_loop3A_435, %iota3A : vector<16xi32>
        %parallel_loop3A_437 = tpu.vector_load_idx %arg15[%parallel_loop3A_436, %parallel_loop3A_391] : memref<128x128xf32, #tpu.memory_space<vmem>>[vector<16xi32>, vector<16xi32>], vector<16xf32>,
        %parallel_loop3A_438 = arith.constant 16 : i32
        %parallel_loop3A_439 = vector.broadcast %parallel_loop3A_438 : i32 to vector<16xi32>
        %parallel_loop3A_440 = arith.addi %parallel_loop3A_439, %iota3A : vector<16xi32>
        %parallel_loop3A_441 = tpu.vector_load_idx %arg15[%parallel_loop3A_440, %parallel_loop3A_391] : memref<128x128xf32, #tpu.memory_space<vmem>>[vector<16xi32>, vector<16xi32>], vector<16xf32>,
        %parallel_loop3A_442 = arith.constant 32 : i32
        %parallel_loop3A_443 = vector.broadcast %parallel_loop3A_442 : i32 to vector<16xi32>
        %parallel_loop3A_444 = arith.addi %parallel_loop3A_443, %iota3A : vector<16xi32>
        %parallel_loop3A_445 = tpu.vector_load_idx %arg15[%parallel_loop3A_444, %parallel_loop3A_391] : memref<128x128xf32, #tpu.memory_space<vmem>>[vector<16xi32>, vector<16xi32>], vector<16xf32>,
        %parallel_loop3A_446 = arith.constant 48 : i32
        %parallel_loop3A_447 = vector.broadcast %parallel_loop3A_446 : i32 to vector<16xi32>
        %parallel_loop3A_448 = arith.addi %parallel_loop3A_447, %iota3A : vector<16xi32>
        %parallel_loop3A_449 = tpu.vector_load_idx %arg15[%parallel_loop3A_448, %parallel_loop3A_391] : memref<128x128xf32, #tpu.memory_space<vmem>>[vector<16xi32>, vector<16xi32>], vector<16xf32>,
        %parallel_loop3A_450 = arith.constant 64 : i32
        %parallel_loop3A_451 = vector.broadcast %parallel_loop3A_450 : i32 to vector<16xi32>
        %parallel_loop3A_452 = arith.addi %parallel_loop3A_451, %iota3A : vector<16xi32>
        %parallel_loop3A_453 = tpu.vector_load_idx %arg15[%parallel_loop3A_452, %parallel_loop3A_391] : memref<128x128xf32, #tpu.memory_space<vmem>>[vector<16xi32>, vector<16xi32>], vector<16xf32>,
        %parallel_loop3A_454 = arith.constant 80 : i32
        %parallel_loop3A_455 = vector.broadcast %parallel_loop3A_454 : i32 to vector<16xi32>
        %parallel_loop3A_456 = arith.addi %parallel_loop3A_455, %iota3A : vector<16xi32>
        %parallel_loop3A_457 = tpu.vector_load_idx %arg15[%parallel_loop3A_456, %parallel_loop3A_391] : memref<128x128xf32, #tpu.memory_space<vmem>>[vector<16xi32>, vector<16xi32>], vector<16xf32>,
        %parallel_loop3A_458 = arith.constant 96 : i32
        %parallel_loop3A_459 = vector.broadcast %parallel_loop3A_458 : i32 to vector<16xi32>
        %parallel_loop3A_460 = arith.addi %parallel_loop3A_459, %iota3A : vector<16xi32>
        %parallel_loop3A_461 = tpu.vector_load_idx %arg15[%parallel_loop3A_460, %parallel_loop3A_391] : memref<128x128xf32, #tpu.memory_space<vmem>>[vector<16xi32>, vector<16xi32>], vector<16xf32>,
        %parallel_loop3A_462 = arith.constant 112 : i32
        %parallel_loop3A_463 = vector.broadcast %parallel_loop3A_462 : i32 to vector<16xi32>
        %parallel_loop3A_464 = arith.addi %parallel_loop3A_463, %iota3A : vector<16xi32>
        %parallel_loop3A_465 = tpu.vector_load_idx %arg15[%parallel_loop3A_464, %parallel_loop3A_391] : memref<128x128xf32, #tpu.memory_space<vmem>>[vector<16xi32>, vector<16xi32>], vector<16xf32>,
        %parallel_loop3A_466 = arith.mulf %parallel_loop3A_437, %get3A_167 : vector<16xf32>
        %parallel_loop3A_467 = arith.addf %parallel_loop3A_466, %get3A_183 : vector<16xf32>
        %parallel_loop3A_468 = arith.mulf %parallel_loop3A_467, %parallel_loop3A_419 : vector<16xf32>
        %parallel_loop3A_469 = arith.addf %parallel_loop3A_468, %parallel_loop3A_433 : vector<16xf32>
        %parallel_loop3A_470 = arith.mulf %parallel_loop3A_441, %get3A_169 : vector<16xf32>
        %parallel_loop3A_471 = arith.addf %parallel_loop3A_470, %get3A_185 : vector<16xf32>
        %parallel_loop3A_472 = arith.mulf %parallel_loop3A_471, %parallel_loop3A_419 : vector<16xf32>
        %parallel_loop3A_473 = arith.addf %parallel_loop3A_472, %parallel_loop3A_433 : vector<16xf32>
        %parallel_loop3A_474 = arith.mulf %parallel_loop3A_445, %get3A_171 : vector<16xf32>
        %parallel_loop3A_475 = arith.addf %parallel_loop3A_474, %get3A_187 : vector<16xf32>
        %parallel_loop3A_476 = arith.mulf %parallel_loop3A_475, %parallel_loop3A_419 : vector<16xf32>
        %parallel_loop3A_477 = arith.addf %parallel_loop3A_476, %parallel_loop3A_433 : vector<16xf32>
        %parallel_loop3A_478 = arith.mulf %parallel_loop3A_449, %get3A_173 : vector<16xf32>
        %parallel_loop3A_479 = arith.addf %parallel_loop3A_478, %get3A_189 : vector<16xf32>
        %parallel_loop3A_480 = arith.mulf %parallel_loop3A_479, %parallel_loop3A_419 : vector<16xf32>
        %parallel_loop3A_481 = arith.addf %parallel_loop3A_480, %parallel_loop3A_433 : vector<16xf32>
        %parallel_loop3A_482 = arith.mulf %parallel_loop3A_453, %get3A_175 : vector<16xf32>
        %parallel_loop3A_483 = arith.addf %parallel_loop3A_482, %get3A_191 : vector<16xf32>
        %parallel_loop3A_484 = arith.mulf %parallel_loop3A_483, %parallel_loop3A_419 : vector<16xf32>
        %parallel_loop3A_485 = arith.addf %parallel_loop3A_484, %parallel_loop3A_433 : vector<16xf32>
        %parallel_loop3A_486 = arith.mulf %parallel_loop3A_457, %get3A_177 : vector<16xf32>
        %parallel_loop3A_487 = arith.addf %parallel_loop3A_486, %get3A_193 : vector<16xf32>
        %parallel_loop3A_488 = arith.mulf %parallel_loop3A_487, %parallel_loop3A_419 : vector<16xf32>
        %parallel_loop3A_489 = arith.addf %parallel_loop3A_488, %parallel_loop3A_433 : vector<16xf32>
        %parallel_loop3A_490 = arith.mulf %parallel_loop3A_461, %get3A_179 : vector<16xf32>
        %parallel_loop3A_491 = arith.addf %parallel_loop3A_490, %get3A_195 : vector<16xf32>
        %parallel_loop3A_492 = arith.mulf %parallel_loop3A_491, %parallel_loop3A_419 : vector<16xf32>
        %parallel_loop3A_493 = arith.addf %parallel_loop3A_492, %parallel_loop3A_433 : vector<16xf32>
        %parallel_loop3A_494 = arith.mulf %parallel_loop3A_465, %get3A_181 : vector<16xf32>
        %parallel_loop3A_495 = arith.addf %parallel_loop3A_494, %get3A_197 : vector<16xf32>
        %parallel_loop3A_496 = arith.mulf %parallel_loop3A_495, %parallel_loop3A_419 : vector<16xf32>
        %parallel_loop3A_497 = arith.addf %parallel_loop3A_496, %parallel_loop3A_433 : vector<16xf32>
        %parallel_loop3A_498 = arith.constant 0 : i32
        %parallel_loop3A_499 = vector.broadcast %parallel_loop3A_498 : i32 to vector<16xi32>
        %parallel_loop3A_500 = arith.addi %parallel_loop3A_405, %parallel_loop3A_499 : vector<16xi32>
        tpu.vector_store_idx %arg17[%parallel_loop3A_401, %parallel_loop3A_500], %parallel_loop3A_469 : memref<8x1024xf32, #tpu.memory_space<vmem>>[vector<16xi32>, vector<16xi32>], vector<16xf32>,
        %parallel_loop3A_501 = arith.constant 16 : i32
        %parallel_loop3A_502 = vector.broadcast %parallel_loop3A_501 : i32 to vector<16xi32>
        %parallel_loop3A_503 = arith.addi %parallel_loop3A_405, %parallel_loop3A_502 : vector<16xi32>
        tpu.vector_store_idx %arg17[%parallel_loop3A_401, %parallel_loop3A_503], %parallel_loop3A_473 : memref<8x1024xf32, #tpu.memory_space<vmem>>[vector<16xi32>, vector<16xi32>], vector<16xf32>,
        %parallel_loop3A_504 = arith.constant 32 : i32
        %parallel_loop3A_505 = vector.broadcast %parallel_loop3A_504 : i32 to vector<16xi32>
        %parallel_loop3A_506 = arith.addi %parallel_loop3A_405, %parallel_loop3A_505 : vector<16xi32>
        tpu.vector_store_idx %arg17[%parallel_loop3A_401, %parallel_loop3A_506], %parallel_loop3A_477 : memref<8x1024xf32, #tpu.memory_space<vmem>>[vector<16xi32>, vector<16xi32>], vector<16xf32>,
        %parallel_loop3A_507 = arith.constant 48 : i32
        %parallel_loop3A_508 = vector.broadcast %parallel_loop3A_507 : i32 to vector<16xi32>
        %parallel_loop3A_509 = arith.addi %parallel_loop3A_405, %parallel_loop3A_508 : vector<16xi32>
        tpu.vector_store_idx %arg17[%parallel_loop3A_401, %parallel_loop3A_509], %parallel_loop3A_481 : memref<8x1024xf32, #tpu.memory_space<vmem>>[vector<16xi32>, vector<16xi32>], vector<16xf32>,
        %parallel_loop3A_510 = arith.constant 64 : i32
        %parallel_loop3A_511 = vector.broadcast %parallel_loop3A_510 : i32 to vector<16xi32>
        %parallel_loop3A_512 = arith.addi %parallel_loop3A_405, %parallel_loop3A_511 : vector<16xi32>
        tpu.vector_store_idx %arg17[%parallel_loop3A_401, %parallel_loop3A_512], %parallel_loop3A_485 : memref<8x1024xf32, #tpu.memory_space<vmem>>[vector<16xi32>, vector<16xi32>], vector<16xf32>,
        %parallel_loop3A_513 = arith.constant 80 : i32
        %parallel_loop3A_514 = vector.broadcast %parallel_loop3A_513 : i32 to vector<16xi32>
        %parallel_loop3A_515 = arith.addi %parallel_loop3A_405, %parallel_loop3A_514 : vector<16xi32>
        tpu.vector_store_idx %arg17[%parallel_loop3A_401, %parallel_loop3A_515], %parallel_loop3A_489 : memref<8x1024xf32, #tpu.memory_space<vmem>>[vector<16xi32>, vector<16xi32>], vector<16xf32>,
        %parallel_loop3A_516 = arith.constant 96 : i32
        %parallel_loop3A_517 = vector.broadcast %parallel_loop3A_516 : i32 to vector<16xi32>
        %parallel_loop3A_518 = arith.addi %parallel_loop3A_405, %parallel_loop3A_517 : vector<16xi32>
        tpu.vector_store_idx %arg17[%parallel_loop3A_401, %parallel_loop3A_518], %parallel_loop3A_493 : memref<8x1024xf32, #tpu.memory_space<vmem>>[vector<16xi32>, vector<16xi32>], vector<16xf32>,
        %parallel_loop3A_519 = arith.constant 112 : i32
        %parallel_loop3A_520 = vector.broadcast %parallel_loop3A_519 : i32 to vector<16xi32>
        %parallel_loop3A_521 = arith.addi %parallel_loop3A_405, %parallel_loop3A_520 : vector<16xi32>
        tpu.vector_store_idx %arg17[%parallel_loop3A_401, %parallel_loop3A_521], %parallel_loop3A_497 : memref<8x1024xf32, #tpu.memory_space<vmem>>[vector<16xi32>, vector<16xi32>], vector<16xf32>,
      } {sc.loop_unroll_factor = 2 : i64, sc.parallel_access}
      %dma_start3A_201 = arith.constant 0 : i32
      %dma_start3A_202 = arith.constant 0 : i32
      %dma_start3A_203 = tpu.memref_slice %arg6[%mul3A_48, %dma_start3A_201, %add3A, %dma_start3A_202] : memref<200x8x32x1024xf32, #tpu.memory_space<hbm>> -> memref<1x8x1x1024xf32, #tpu.memory_space<hbm>>
      %dma_start3A_204 = tpu.memref_squeeze %dma_start3A_203 : memref<1x8x1x1024xf32, #tpu.memory_space<hbm>> -> memref<8x1024xf32, #tpu.memory_space<hbm>>
      %dma_start3A_205 = arith.constant 0 : i32
      %dma_start3A_206 = arith.constant 0 : i32
      %dma_start3A_207 = tpu.memref_slice %arg6[%mul3A_48, %dma_start3A_205, %add3A, %dma_start3A_206] : memref<200x8x32x1024xf32, #tpu.memory_space<hbm>> -> memref<1x8x1x1024xf32, #tpu.memory_space<hbm>>
      %dma_start3A_208 = tpu.memref_squeeze %dma_start3A_207 : memref<1x8x1x1024xf32, #tpu.memory_space<hbm>> -> memref<8x1024xf32, #tpu.memory_space<hbm>>
      tpu.enqueue_dma source(%arg17 : memref<8x1024xf32, #tpu.memory_space<vmem>>) target(%dma_start3A_208 : memref<8x1024xf32, #tpu.memory_space<hbm>>) target_semaphore(%arg23 : memref<!tpu.dma_semaphore, #tpu.memory_space<semaphore_mem>>)
      %add3A_209 = arith.constant 1 : i32
      %add3A_210 = arith.addi %mul3A_48, %add3A_209 : i32
      %dma_wait3A_211 = arith.constant 0 : i32
      %dma_wait3A_212 = arith.constant 0 : i32
      %dma_wait3A_213 = tpu.memref_slice %arg3[%dma_wait3A_211, %dma_wait3A_212] : memref<1000000x128xf32, #tpu.memory_space<hbm>> -> memref<1000000x128xf32, #tpu.memory_space<hbm>>
      tpu.wait_indirect_dma semaphore(%arg22 : memref<!tpu.dma_semaphore, #tpu.memory_space<semaphore_mem>>) src(%dma_wait3A_213 : memref<1000000x128xf32, #tpu.memory_space<hbm>>) dst(%arg16 : memref<128x128xf32, #tpu.memory_space<vmem>>)
      %add3A_214 = arith.constant 2 : i32
      %add3A_215 = arith.addi %add3A_210, %add3A_214 : i32
      %lt3A_216 = arith.constant 200 : i32
      %lt3A_217 = arith.cmpi slt, %add3A_215, %lt3A_216 : i32
      %convert_element_type3A_218 = arith.extui %lt3A_217 : i1 to i32
      %cond3A_219 = arith.constant 0 : i32
      %cond3A_220 = arith.cmpi ne, %convert_element_type3A_218, %cond3A_219 : i32
      scf.if %cond3A_220 {
        %add3A_378 = arith.constant 2 : i32
        %add3A_379 = arith.addi %add3A_210, %add3A_378 : i32
        %mul3A_380 = arith.constant 4096 : i32
        %mul3A_381 = arith.muli %add3A_379, %mul3A_380 : i32
        %mul3A_382 = arith.constant 128 : i32
        %mul3A_383 = arith.muli %add3A, %mul3A_382 : i32
        %add3A_384 = arith.addi %mul3A_381, %mul3A_383 : i32
        %dma_start3A_385 = tpu.memref_slice %arg2[%add3A_384] : memref<819200xi32, #tpu.memory_space<hbm>> -> memref<128xi32, #tpu.memory_space<hbm>>
        %dma_start3A_386 = tpu.memref_slice %arg2[%add3A_384] : memref<819200xi32, #tpu.memory_space<hbm>> -> memref<128xi32, #tpu.memory_space<hbm>>
        tpu.enqueue_dma source(%dma_start3A_386 : memref<128xi32, #tpu.memory_space<hbm>>) target(%arg14 : memref<128xi32, #tpu.memory_space<vmem>>) target_semaphore(%arg20 : memref<!tpu.dma_semaphore, #tpu.memory_space<semaphore_mem>>)
      } else {
      }
      %add3A_221 = arith.constant 1 : i32
      %add3A_222 = arith.addi %add3A_210, %add3A_221 : i32
      %lt3A_223 = arith.constant 200 : i32
      %lt3A_224 = arith.cmpi slt, %add3A_222, %lt3A_223 : i32
      %convert_element_type3A_225 = arith.extui %lt3A_224 : i1 to i32
      %cond3A_226 = arith.constant 0 : i32
      %cond3A_227 = arith.cmpi ne, %convert_element_type3A_225, %cond3A_226 : i32
      scf.if %cond3A_227 {
        %add3A_378 = arith.constant 1 : i32
        %add3A_379 = arith.addi %add3A_210, %add3A_378 : i32
        %mul3A_380 = arith.constant 4096 : i32
        %mul3A_381 = arith.muli %add3A_379, %mul3A_380 : i32
        %mul3A_382 = arith.constant 128 : i32
        %mul3A_383 = arith.muli %add3A, %mul3A_382 : i32
        %add3A_384 = arith.addi %mul3A_381, %mul3A_383 : i32
        %dma_wait3A_385 = tpu.memref_slice %arg2[%add3A_384] : memref<819200xi32, #tpu.memory_space<hbm>> -> memref<128xi32, #tpu.memory_space<hbm>>
        %dma_wait3A_386 = tpu.memref_slice %arg2[%add3A_384] : memref<819200xi32, #tpu.memory_space<hbm>> -> memref<128xi32, #tpu.memory_space<hbm>>
        tpu.wait_dma2 semaphore(%arg19 : memref<!tpu.dma_semaphore, #tpu.memory_space<semaphore_mem>>) src(%dma_wait3A_386 : memref<128xi32, #tpu.memory_space<hbm>>) dst(%arg13 : memref<128xi32, #tpu.memory_space<vmem>>)
        %dma_start3A_387 = arith.constant 0 : i32
        %dma_start3A_388 = arith.constant 0 : i32
        %dma_start3A_389 = tpu.memref_slice %arg3[%dma_start3A_387, %dma_start3A_388] : memref<1000000x128xf32, #tpu.memory_space<hbm>> -> memref<1000000x128xf32, #tpu.memory_space<hbm>>
        tpu.enqueue_indirect_dma source(%dma_start3A_389 : memref<1000000x128xf32, #tpu.memory_space<hbm>>) target(%arg15 : memref<128x128xf32, #tpu.memory_space<vmem>>) offsets(%arg13 : memref<128xi32, #tpu.memory_space<vmem>>) semaphore(%arg21 : memref<!tpu.dma_semaphore, #tpu.memory_space<semaphore_mem>>)
      } else {
      }
      %ge3A_228 = arith.constant 2 : i32
      %ge3A_229 = arith.cmpi sge, %add3A_210, %ge3A_228 : i32
      %convert_element_type3A_230 = arith.extui %ge3A_229 : i1 to i32
      %cond3A_231 = arith.constant 0 : i32
      %cond3A_232 = arith.cmpi ne, %convert_element_type3A_230, %cond3A_231 : i32
      scf.if %cond3A_232 {
        %dma_wait3A_378 = arith.constant 0 : i32
        %dma_wait3A_379 = arith.constant 0 : i32
        %dma_wait3A_380 = tpu.memref_slice %arg6[%add3A_210, %dma_wait3A_378, %add3A, %dma_wait3A_379] : memref<200x8x32x1024xf32, #tpu.memory_space<hbm>> -> memref<1x8x1x1024xf32, #tpu.memory_space<hbm>>
        %dma_wait3A_381 = tpu.memref_squeeze %dma_wait3A_380 : memref<1x8x1x1024xf32, #tpu.memory_space<hbm>> -> memref<8x1024xf32, #tpu.memory_space<hbm>>
        %dma_wait3A_382 = arith.constant 0 : i32
        %dma_wait3A_383 = arith.constant 0 : i32
        %dma_wait3A_384 = tpu.memref_slice %arg6[%add3A_210, %dma_wait3A_382, %add3A, %dma_wait3A_383] : memref<200x8x32x1024xf32, #tpu.memory_space<hbm>> -> memref<1x8x1x1024xf32, #tpu.memory_space<hbm>>
        %dma_wait3A_385 = tpu.memref_squeeze %dma_wait3A_384 : memref<1x8x1x1024xf32, #tpu.memory_space<hbm>> -> memref<8x1024xf32, #tpu.memory_space<hbm>>
        tpu.wait_dma2 semaphore(%arg24 : memref<!tpu.dma_semaphore, #tpu.memory_space<semaphore_mem>>) src(%arg18 : memref<8x1024xf32, #tpu.memory_space<vmem>>) dst(%dma_wait3A_385 : memref<8x1024xf32, #tpu.memory_space<hbm>>)
      } else {
      }
      %add3A_233 = arith.constant 0 : i32
      %add3A_234 = vector.broadcast %add3A_233 : i32 to vector<16xi32>
      %add3A_235 = arith.addi %iota3A, %add3A_234 : vector<16xi32>
      %and3A_236 = arith.constant 15 : i32
      %and3A_237 = vector.broadcast %and3A_236 : i32 to vector<16xi32>
      %and3A_238 = arith.andi %add3A_235, %and3A_237 : vector<16xi32>
      %add3A_239 = arith.constant 1 : i32
      %add3A_240 = vector.broadcast %add3A_239 : i32 to vector<16xi32>
      %add3A_241 = arith.addi %iota3A, %add3A_240 : vector<16xi32>
      %and3A_242 = arith.constant 15 : i32
      %and3A_243 = vector.broadcast %and3A_242 : i32 to vector<16xi32>
      %and3A_244 = arith.andi %add3A_241, %and3A_243 : vector<16xi32>
      %add3A_245 = arith.constant 2 : i32
      %add3A_246 = vector.broadcast %add3A_245 : i32 to vector<16xi32>
      %add3A_247 = arith.addi %iota3A, %add3A_246 : vector<16xi32>
      %and3A_248 = arith.constant 15 : i32
      %and3A_249 = vector.broadcast %and3A_248 : i32 to vector<16xi32>
      %and3A_250 = arith.andi %add3A_247, %and3A_249 : vector<16xi32>
      %add3A_251 = arith.constant 3 : i32
      %add3A_252 = vector.broadcast %add3A_251 : i32 to vector<16xi32>
      %add3A_253 = arith.addi %iota3A, %add3A_252 : vector<16xi32>
      %and3A_254 = arith.constant 15 : i32
      %and3A_255 = vector.broadcast %and3A_254 : i32 to vector<16xi32>
      %and3A_256 = arith.andi %add3A_253, %and3A_255 : vector<16xi32>
      %add3A_257 = arith.constant 4 : i32
      %add3A_258 = vector.broadcast %add3A_257 : i32 to vector<16xi32>
      %add3A_259 = arith.addi %iota3A, %add3A_258 : vector<16xi32>
      %and3A_260 = arith.constant 15 : i32
      %and3A_261 = vector.broadcast %and3A_260 : i32 to vector<16xi32>
      %and3A_262 = arith.andi %add3A_259, %and3A_261 : vector<16xi32>
      %add3A_263 = arith.constant 5 : i32
      %add3A_264 = vector.broadcast %add3A_263 : i32 to vector<16xi32>
      %add3A_265 = arith.addi %iota3A, %add3A_264 : vector<16xi32>
      %and3A_266 = arith.constant 15 : i32
      %and3A_267 = vector.broadcast %and3A_266 : i32 to vector<16xi32>
      %and3A_268 = arith.andi %add3A_265, %and3A_267 : vector<16xi32>
      %add3A_269 = arith.constant 6 : i32
      %add3A_270 = vector.broadcast %add3A_269 : i32 to vector<16xi32>
      %add3A_271 = arith.addi %iota3A, %add3A_270 : vector<16xi32>
      %and3A_272 = arith.constant 15 : i32
      %and3A_273 = vector.broadcast %and3A_272 : i32 to vector<16xi32>
      %and3A_274 = arith.andi %add3A_271, %and3A_273 : vector<16xi32>
      %add3A_275 = arith.constant 7 : i32
      %add3A_276 = vector.broadcast %add3A_275 : i32 to vector<16xi32>
      %add3A_277 = arith.addi %iota3A, %add3A_276 : vector<16xi32>
      %and3A_278 = arith.constant 15 : i32
      %and3A_279 = vector.broadcast %and3A_278 : i32 to vector<16xi32>
      %and3A_280 = arith.andi %add3A_277, %and3A_279 : vector<16xi32>
      %add3A_281 = arith.constant 8 : i32
      %add3A_282 = vector.broadcast %add3A_281 : i32 to vector<16xi32>
      %add3A_283 = arith.addi %iota3A, %add3A_282 : vector<16xi32>
      %and3A_284 = arith.constant 15 : i32
      %and3A_285 = vector.broadcast %and3A_284 : i32 to vector<16xi32>
      %and3A_286 = arith.andi %add3A_283, %and3A_285 : vector<16xi32>
      %add3A_287 = arith.constant 9 : i32
      %add3A_288 = vector.broadcast %add3A_287 : i32 to vector<16xi32>
      %add3A_289 = arith.addi %iota3A, %add3A_288 : vector<16xi32>
      %and3A_290 = arith.constant 15 : i32
      %and3A_291 = vector.broadcast %and3A_290 : i32 to vector<16xi32>
      %and3A_292 = arith.andi %add3A_289, %and3A_291 : vector<16xi32>
      %add3A_293 = arith.constant 10 : i32
      %add3A_294 = vector.broadcast %add3A_293 : i32 to vector<16xi32>
      %add3A_295 = arith.addi %iota3A, %add3A_294 : vector<16xi32>
      %and3A_296 = arith.constant 15 : i32
      %and3A_297 = vector.broadcast %and3A_296 : i32 to vector<16xi32>
      %and3A_298 = arith.andi %add3A_295, %and3A_297 : vector<16xi32>
      %add3A_299 = arith.constant 11 : i32
      %add3A_300 = vector.broadcast %add3A_299 : i32 to vector<16xi32>
      %add3A_301 = arith.addi %iota3A, %add3A_300 : vector<16xi32>
      %and3A_302 = arith.constant 15 : i32
      %and3A_303 = vector.broadcast %and3A_302 : i32 to vector<16xi32>
      %and3A_304 = arith.andi %add3A_301, %and3A_303 : vector<16xi32>
      %add3A_305 = arith.constant 12 : i32
      %add3A_306 = vector.broadcast %add3A_305 : i32 to vector<16xi32>
      %add3A_307 = arith.addi %iota3A, %add3A_306 : vector<16xi32>
      %and3A_308 = arith.constant 15 : i32
      %and3A_309 = vector.broadcast %and3A_308 : i32 to vector<16xi32>
      %and3A_310 = arith.andi %add3A_307, %and3A_309 : vector<16xi32>
      %add3A_311 = arith.constant 13 : i32
      %add3A_312 = vector.broadcast %add3A_311 : i32 to vector<16xi32>
      %add3A_313 = arith.addi %iota3A, %add3A_312 : vector<16xi32>
      %and3A_314 = arith.constant 15 : i32
      %and3A_315 = vector.broadcast %and3A_314 : i32 to vector<16xi32>
      %and3A_316 = arith.andi %add3A_313, %and3A_315 : vector<16xi32>
      %add3A_317 = arith.constant 14 : i32
      %add3A_318 = vector.broadcast %add3A_317 : i32 to vector<16xi32>
      %add3A_319 = arith.addi %iota3A, %add3A_318 : vector<16xi32>
      %and3A_320 = arith.constant 15 : i32
      %and3A_321 = vector.broadcast %and3A_320 : i32 to vector<16xi32>
      %and3A_322 = arith.andi %add3A_319, %and3A_321 : vector<16xi32>
      %add3A_323 = arith.constant 15 : i32
      %add3A_324 = vector.broadcast %add3A_323 : i32 to vector<16xi32>
      %add3A_325 = arith.addi %iota3A, %add3A_324 : vector<16xi32>
      %and3A_326 = arith.constant 15 : i32
      %and3A_327 = vector.broadcast %and3A_326 : i32 to vector<16xi32>
      %and3A_328 = arith.andi %add3A_325, %and3A_327 : vector<16xi32>
      %parallel_loop3A_329 = arith.constant 0 : i32
      %parallel_loop3A_330 = arith.constant 32 : i32
      %parallel_loop3A_331 = arith.constant 1 : i32
      scf.for %parallel_loop3A_378 = %parallel_loop3A_329 to %parallel_loop3A_330 step %parallel_loop3A_331  : i32 {
        %parallel_loop3A_379 = arith.constant 2 : i32
        %parallel_loop3A_380 = arith.shrsi %parallel_loop3A_378, %parallel_loop3A_379 : i32
        %parallel_loop3A_381 = arith.constant 3 : i32
        %parallel_loop3A_382 = arith.andi %parallel_loop3A_378, %parallel_loop3A_381 : i32
        %parallel_loop3A_383 = arith.constant 16 : i32
        %parallel_loop3A_384 = arith.muli %parallel_loop3A_380, %parallel_loop3A_383 : i32
        %parallel_loop3A_385 = vector.broadcast %parallel_loop3A_384 : i32 to vector<16xi32>
        %parallel_loop3A_386 = arith.addi %parallel_loop3A_385, %iota3A : vector<16xi32>
        %parallel_loop3A_387 = arith.constant 16 : i32
        %parallel_loop3A_388 = arith.muli %parallel_loop3A_382, %parallel_loop3A_387 : i32
        %parallel_loop3A_389 = arith.sitofp %mul3A_3 : vector<16xi32> to vector<16xf32>
        %parallel_loop3A_390 = arith.constant 0.000000e+00 : f32
        %parallel_loop3A_391 = vector.broadcast %parallel_loop3A_390 : f32 to vector<16xf32>
        %parallel_loop3A_392 = arith.mulf %parallel_loop3A_389, %parallel_loop3A_391 : vector<16xf32>
        %parallel_loop3A_393 = vector.broadcast %parallel_loop3A_388 : i32 to vector<16xi32>
        %parallel_loop3A_394 = arith.addi %parallel_loop3A_393, %and3A_238 : vector<16xi32>
        %parallel_loop3A_395 = tpu.vector_load_idx %arg16[%parallel_loop3A_386, %parallel_loop3A_394] : memref<128x128xf32, #tpu.memory_space<vmem>>[vector<16xi32>, vector<16xi32>], vector<16xf32>,
        %parallel_loop3A_396 = vector.broadcast %parallel_loop3A_388 : i32 to vector<16xi32>
        %parallel_loop3A_397 = arith.addi %parallel_loop3A_396, %and3A_244 : vector<16xi32>
        %parallel_loop3A_398 = tpu.vector_load_idx %arg16[%parallel_loop3A_386, %parallel_loop3A_397] : memref<128x128xf32, #tpu.memory_space<vmem>>[vector<16xi32>, vector<16xi32>], vector<16xf32>,
        %parallel_loop3A_399 = arith.addf %parallel_loop3A_392, %parallel_loop3A_395 : vector<16xf32>
        %parallel_loop3A_400 = arith.addf %parallel_loop3A_392, %parallel_loop3A_398 : vector<16xf32>
        %parallel_loop3A_401 = arith.mulf %parallel_loop3A_395, %parallel_loop3A_395 : vector<16xf32>
        %parallel_loop3A_402 = arith.addf %parallel_loop3A_392, %parallel_loop3A_401 : vector<16xf32>
        %parallel_loop3A_403 = arith.mulf %parallel_loop3A_398, %parallel_loop3A_398 : vector<16xf32>
        %parallel_loop3A_404 = arith.addf %parallel_loop3A_392, %parallel_loop3A_403 : vector<16xf32>
        %parallel_loop3A_405 = vector.broadcast %parallel_loop3A_388 : i32 to vector<16xi32>
        %parallel_loop3A_406 = arith.addi %parallel_loop3A_405, %and3A_250 : vector<16xi32>
        %parallel_loop3A_407 = tpu.vector_load_idx %arg16[%parallel_loop3A_386, %parallel_loop3A_406] : memref<128x128xf32, #tpu.memory_space<vmem>>[vector<16xi32>, vector<16xi32>], vector<16xf32>,
        %parallel_loop3A_408 = vector.broadcast %parallel_loop3A_388 : i32 to vector<16xi32>
        %parallel_loop3A_409 = arith.addi %parallel_loop3A_408, %and3A_256 : vector<16xi32>
        %parallel_loop3A_410 = tpu.vector_load_idx %arg16[%parallel_loop3A_386, %parallel_loop3A_409] : memref<128x128xf32, #tpu.memory_space<vmem>>[vector<16xi32>, vector<16xi32>], vector<16xf32>,
        %parallel_loop3A_411 = arith.addf %parallel_loop3A_399, %parallel_loop3A_407 : vector<16xf32>
        %parallel_loop3A_412 = arith.addf %parallel_loop3A_400, %parallel_loop3A_410 : vector<16xf32>
        %parallel_loop3A_413 = arith.mulf %parallel_loop3A_407, %parallel_loop3A_407 : vector<16xf32>
        %parallel_loop3A_414 = arith.addf %parallel_loop3A_402, %parallel_loop3A_413 : vector<16xf32>
        %parallel_loop3A_415 = arith.mulf %parallel_loop3A_410, %parallel_loop3A_410 : vector<16xf32>
        %parallel_loop3A_416 = arith.addf %parallel_loop3A_404, %parallel_loop3A_415 : vector<16xf32>
        %parallel_loop3A_417 = vector.broadcast %parallel_loop3A_388 : i32 to vector<16xi32>
        %parallel_loop3A_418 = arith.addi %parallel_loop3A_417, %and3A_262 : vector<16xi32>
        %parallel_loop3A_419 = tpu.vector_load_idx %arg16[%parallel_loop3A_386, %parallel_loop3A_418] : memref<128x128xf32, #tpu.memory_space<vmem>>[vector<16xi32>, vector<16xi32>], vector<16xf32>,
        %parallel_loop3A_420 = vector.broadcast %parallel_loop3A_388 : i32 to vector<16xi32>
        %parallel_loop3A_421 = arith.addi %parallel_loop3A_420, %and3A_268 : vector<16xi32>
        %parallel_loop3A_422 = tpu.vector_load_idx %arg16[%parallel_loop3A_386, %parallel_loop3A_421] : memref<128x128xf32, #tpu.memory_space<vmem>>[vector<16xi32>, vector<16xi32>], vector<16xf32>,
        %parallel_loop3A_423 = arith.addf %parallel_loop3A_411, %parallel_loop3A_419 : vector<16xf32>
        %parallel_loop3A_424 = arith.addf %parallel_loop3A_412, %parallel_loop3A_422 : vector<16xf32>
        %parallel_loop3A_425 = arith.mulf %parallel_loop3A_419, %parallel_loop3A_419 : vector<16xf32>
        %parallel_loop3A_426 = arith.addf %parallel_loop3A_414, %parallel_loop3A_425 : vector<16xf32>
        %parallel_loop3A_427 = arith.mulf %parallel_loop3A_422, %parallel_loop3A_422 : vector<16xf32>
        %parallel_loop3A_428 = arith.addf %parallel_loop3A_416, %parallel_loop3A_427 : vector<16xf32>
        %parallel_loop3A_429 = vector.broadcast %parallel_loop3A_388 : i32 to vector<16xi32>
        %parallel_loop3A_430 = arith.addi %parallel_loop3A_429, %and3A_274 : vector<16xi32>
        %parallel_loop3A_431 = tpu.vector_load_idx %arg16[%parallel_loop3A_386, %parallel_loop3A_430] : memref<128x128xf32, #tpu.memory_space<vmem>>[vector<16xi32>, vector<16xi32>], vector<16xf32>,
        %parallel_loop3A_432 = vector.broadcast %parallel_loop3A_388 : i32 to vector<16xi32>
        %parallel_loop3A_433 = arith.addi %parallel_loop3A_432, %and3A_280 : vector<16xi32>
        %parallel_loop3A_434 = tpu.vector_load_idx %arg16[%parallel_loop3A_386, %parallel_loop3A_433] : memref<128x128xf32, #tpu.memory_space<vmem>>[vector<16xi32>, vector<16xi32>], vector<16xf32>,
        %parallel_loop3A_435 = arith.addf %parallel_loop3A_423, %parallel_loop3A_431 : vector<16xf32>
        %parallel_loop3A_436 = arith.addf %parallel_loop3A_424, %parallel_loop3A_434 : vector<16xf32>
        %parallel_loop3A_437 = arith.mulf %parallel_loop3A_431, %parallel_loop3A_431 : vector<16xf32>
        %parallel_loop3A_438 = arith.addf %parallel_loop3A_426, %parallel_loop3A_437 : vector<16xf32>
        %parallel_loop3A_439 = arith.mulf %parallel_loop3A_434, %parallel_loop3A_434 : vector<16xf32>
        %parallel_loop3A_440 = arith.addf %parallel_loop3A_428, %parallel_loop3A_439 : vector<16xf32>
        %parallel_loop3A_441 = vector.broadcast %parallel_loop3A_388 : i32 to vector<16xi32>
        %parallel_loop3A_442 = arith.addi %parallel_loop3A_441, %and3A_286 : vector<16xi32>
        %parallel_loop3A_443 = tpu.vector_load_idx %arg16[%parallel_loop3A_386, %parallel_loop3A_442] : memref<128x128xf32, #tpu.memory_space<vmem>>[vector<16xi32>, vector<16xi32>], vector<16xf32>,
        %parallel_loop3A_444 = vector.broadcast %parallel_loop3A_388 : i32 to vector<16xi32>
        %parallel_loop3A_445 = arith.addi %parallel_loop3A_444, %and3A_292 : vector<16xi32>
        %parallel_loop3A_446 = tpu.vector_load_idx %arg16[%parallel_loop3A_386, %parallel_loop3A_445] : memref<128x128xf32, #tpu.memory_space<vmem>>[vector<16xi32>, vector<16xi32>], vector<16xf32>,
        %parallel_loop3A_447 = arith.addf %parallel_loop3A_435, %parallel_loop3A_443 : vector<16xf32>
        %parallel_loop3A_448 = arith.addf %parallel_loop3A_436, %parallel_loop3A_446 : vector<16xf32>
        %parallel_loop3A_449 = arith.mulf %parallel_loop3A_443, %parallel_loop3A_443 : vector<16xf32>
        %parallel_loop3A_450 = arith.addf %parallel_loop3A_438, %parallel_loop3A_449 : vector<16xf32>
        %parallel_loop3A_451 = arith.mulf %parallel_loop3A_446, %parallel_loop3A_446 : vector<16xf32>
        %parallel_loop3A_452 = arith.addf %parallel_loop3A_440, %parallel_loop3A_451 : vector<16xf32>
        %parallel_loop3A_453 = vector.broadcast %parallel_loop3A_388 : i32 to vector<16xi32>
        %parallel_loop3A_454 = arith.addi %parallel_loop3A_453, %and3A_298 : vector<16xi32>
        %parallel_loop3A_455 = tpu.vector_load_idx %arg16[%parallel_loop3A_386, %parallel_loop3A_454] : memref<128x128xf32, #tpu.memory_space<vmem>>[vector<16xi32>, vector<16xi32>], vector<16xf32>,
        %parallel_loop3A_456 = vector.broadcast %parallel_loop3A_388 : i32 to vector<16xi32>
        %parallel_loop3A_457 = arith.addi %parallel_loop3A_456, %and3A_304 : vector<16xi32>
        %parallel_loop3A_458 = tpu.vector_load_idx %arg16[%parallel_loop3A_386, %parallel_loop3A_457] : memref<128x128xf32, #tpu.memory_space<vmem>>[vector<16xi32>, vector<16xi32>], vector<16xf32>,
        %parallel_loop3A_459 = arith.addf %parallel_loop3A_447, %parallel_loop3A_455 : vector<16xf32>
        %parallel_loop3A_460 = arith.addf %parallel_loop3A_448, %parallel_loop3A_458 : vector<16xf32>
        %parallel_loop3A_461 = arith.mulf %parallel_loop3A_455, %parallel_loop3A_455 : vector<16xf32>
        %parallel_loop3A_462 = arith.addf %parallel_loop3A_450, %parallel_loop3A_461 : vector<16xf32>
        %parallel_loop3A_463 = arith.mulf %parallel_loop3A_458, %parallel_loop3A_458 : vector<16xf32>
        %parallel_loop3A_464 = arith.addf %parallel_loop3A_452, %parallel_loop3A_463 : vector<16xf32>
        %parallel_loop3A_465 = vector.broadcast %parallel_loop3A_388 : i32 to vector<16xi32>
        %parallel_loop3A_466 = arith.addi %parallel_loop3A_465, %and3A_310 : vector<16xi32>
        %parallel_loop3A_467 = tpu.vector_load_idx %arg16[%parallel_loop3A_386, %parallel_loop3A_466] : memref<128x128xf32, #tpu.memory_space<vmem>>[vector<16xi32>, vector<16xi32>], vector<16xf32>,
        %parallel_loop3A_468 = vector.broadcast %parallel_loop3A_388 : i32 to vector<16xi32>
        %parallel_loop3A_469 = arith.addi %parallel_loop3A_468, %and3A_316 : vector<16xi32>
        %parallel_loop3A_470 = tpu.vector_load_idx %arg16[%parallel_loop3A_386, %parallel_loop3A_469] : memref<128x128xf32, #tpu.memory_space<vmem>>[vector<16xi32>, vector<16xi32>], vector<16xf32>,
        %parallel_loop3A_471 = arith.addf %parallel_loop3A_459, %parallel_loop3A_467 : vector<16xf32>
        %parallel_loop3A_472 = arith.addf %parallel_loop3A_460, %parallel_loop3A_470 : vector<16xf32>
        %parallel_loop3A_473 = arith.mulf %parallel_loop3A_467, %parallel_loop3A_467 : vector<16xf32>
        %parallel_loop3A_474 = arith.addf %parallel_loop3A_462, %parallel_loop3A_473 : vector<16xf32>
        %parallel_loop3A_475 = arith.mulf %parallel_loop3A_470, %parallel_loop3A_470 : vector<16xf32>
        %parallel_loop3A_476 = arith.addf %parallel_loop3A_464, %parallel_loop3A_475 : vector<16xf32>
        %parallel_loop3A_477 = vector.broadcast %parallel_loop3A_388 : i32 to vector<16xi32>
        %parallel_loop3A_478 = arith.addi %parallel_loop3A_477, %and3A_322 : vector<16xi32>
        %parallel_loop3A_479 = tpu.vector_load_idx %arg16[%parallel_loop3A_386, %parallel_loop3A_478] : memref<128x128xf32, #tpu.memory_space<vmem>>[vector<16xi32>, vector<16xi32>], vector<16xf32>,
        %parallel_loop3A_480 = vector.broadcast %parallel_loop3A_388 : i32 to vector<16xi32>
        %parallel_loop3A_481 = arith.addi %parallel_loop3A_480, %and3A_328 : vector<16xi32>
        %parallel_loop3A_482 = tpu.vector_load_idx %arg16[%parallel_loop3A_386, %parallel_loop3A_481] : memref<128x128xf32, #tpu.memory_space<vmem>>[vector<16xi32>, vector<16xi32>], vector<16xf32>,
        %parallel_loop3A_483 = arith.addf %parallel_loop3A_471, %parallel_loop3A_479 : vector<16xf32>
        %parallel_loop3A_484 = arith.addf %parallel_loop3A_472, %parallel_loop3A_482 : vector<16xf32>
        %parallel_loop3A_485 = arith.mulf %parallel_loop3A_479, %parallel_loop3A_479 : vector<16xf32>
        %parallel_loop3A_486 = arith.addf %parallel_loop3A_474, %parallel_loop3A_485 : vector<16xf32>
        %parallel_loop3A_487 = arith.mulf %parallel_loop3A_482, %parallel_loop3A_482 : vector<16xf32>
        %parallel_loop3A_488 = arith.addf %parallel_loop3A_476, %parallel_loop3A_487 : vector<16xf32>
        %parallel_loop3A_489 = arith.addf %parallel_loop3A_483, %parallel_loop3A_484 : vector<16xf32>
        %parallel_loop3A_490 = arith.constant 16 : i32
        %parallel_loop3A_491 = arith.muli %parallel_loop3A_382, %parallel_loop3A_490 : i32
        %parallel_loop3A_492 = arith.index_cast %parallel_loop3A_380 : i32 to index
        %parallel_loop3A_493 = arith.index_cast %parallel_loop3A_491 : i32 to index
        %parallel_loop3A_494 = tpu.vector_load %arg11[%parallel_loop3A_492, %parallel_loop3A_493] {strides = array<i32>} : memref<8x64xf32, #tpu.memory_space<vmem>>, vector<16xf32>,
        tpu.vector_store %arg11[%parallel_loop3A_492, %parallel_loop3A_493], %parallel_loop3A_489 {strides = array<i32>} : memref<8x64xf32, #tpu.memory_space<vmem>>, vector<16xf32>,
        %parallel_loop3A_495 = arith.addf %parallel_loop3A_486, %parallel_loop3A_488 : vector<16xf32>
        %parallel_loop3A_496 = arith.constant 16 : i32
        %parallel_loop3A_497 = arith.muli %parallel_loop3A_382, %parallel_loop3A_496 : i32
        %parallel_loop3A_498 = arith.index_cast %parallel_loop3A_380 : i32 to index
        %parallel_loop3A_499 = arith.index_cast %parallel_loop3A_497 : i32 to index
        %parallel_loop3A_500 = tpu.vector_load %arg12[%parallel_loop3A_498, %parallel_loop3A_499] {strides = array<i32>} : memref<8x64xf32, #tpu.memory_space<vmem>>, vector<16xf32>,
        tpu.vector_store %arg12[%parallel_loop3A_498, %parallel_loop3A_499], %parallel_loop3A_495 {strides = array<i32>} : memref<8x64xf32, #tpu.memory_space<vmem>>, vector<16xf32>,
      } {sc.loop_unroll_factor = 2 : i64, sc.parallel_access}
      %parallel_loop3A_332 = arith.constant 0 : i32
      %parallel_loop3A_333 = arith.constant 8 : i32
      %parallel_loop3A_334 = arith.constant 1 : i32
      scf.for %parallel_loop3A_378 = %parallel_loop3A_332 to %parallel_loop3A_333 step %parallel_loop3A_334  : i32 {
        %parallel_loop3A_379 = arith.index_cast %parallel_loop3A_378 : i32 to index
        %parallel_loop3A_380 = arith.constant 0 : index
        %parallel_loop3A_381 = tpu.vector_load %arg11[%parallel_loop3A_379, %parallel_loop3A_380] {strides = array<i32>} : memref<8x64xf32, #tpu.memory_space<vmem>>, vector<16xf32>,
        %parallel_loop3A_382 = arith.index_cast %parallel_loop3A_378 : i32 to index
        %parallel_loop3A_383 = arith.constant 16 : index
        %parallel_loop3A_384 = tpu.vector_load %arg11[%parallel_loop3A_382, %parallel_loop3A_383] {strides = array<i32>} : memref<8x64xf32, #tpu.memory_space<vmem>>, vector<16xf32>,
        %parallel_loop3A_385 = arith.addf %parallel_loop3A_381, %parallel_loop3A_384 : vector<16xf32>
        %parallel_loop3A_386 = arith.index_cast %parallel_loop3A_378 : i32 to index
        %parallel_loop3A_387 = arith.constant 32 : index
        %parallel_loop3A_388 = tpu.vector_load %arg11[%parallel_loop3A_386, %parallel_loop3A_387] {strides = array<i32>} : memref<8x64xf32, #tpu.memory_space<vmem>>, vector<16xf32>,
        %parallel_loop3A_389 = arith.index_cast %parallel_loop3A_378 : i32 to index
        %parallel_loop3A_390 = arith.constant 48 : index
        %parallel_loop3A_391 = tpu.vector_load %arg11[%parallel_loop3A_389, %parallel_loop3A_390] {strides = array<i32>} : memref<8x64xf32, #tpu.memory_space<vmem>>, vector<16xf32>,
        %parallel_loop3A_392 = arith.addf %parallel_loop3A_388, %parallel_loop3A_391 : vector<16xf32>
        %parallel_loop3A_393 = arith.addf %parallel_loop3A_385, %parallel_loop3A_392 : vector<16xf32>
        %parallel_loop3A_394 = arith.index_cast %parallel_loop3A_378 : i32 to index
        %parallel_loop3A_395 = arith.constant 0 : index
        %parallel_loop3A_396 = tpu.vector_load %arg12[%parallel_loop3A_394, %parallel_loop3A_395] {strides = array<i32>} : memref<8x64xf32, #tpu.memory_space<vmem>>, vector<16xf32>,
        %parallel_loop3A_397 = arith.index_cast %parallel_loop3A_378 : i32 to index
        %parallel_loop3A_398 = arith.constant 16 : index
        %parallel_loop3A_399 = tpu.vector_load %arg12[%parallel_loop3A_397, %parallel_loop3A_398] {strides = array<i32>} : memref<8x64xf32, #tpu.memory_space<vmem>>, vector<16xf32>,
        %parallel_loop3A_400 = arith.addf %parallel_loop3A_396, %parallel_loop3A_399 : vector<16xf32>
        %parallel_loop3A_401 = arith.index_cast %parallel_loop3A_378 : i32 to index
        %parallel_loop3A_402 = arith.constant 32 : index
        %parallel_loop3A_403 = tpu.vector_load %arg12[%parallel_loop3A_401, %parallel_loop3A_402] {strides = array<i32>} : memref<8x64xf32, #tpu.memory_space<vmem>>, vector<16xf32>,
        %parallel_loop3A_404 = arith.index_cast %parallel_loop3A_378 : i32 to index
        %parallel_loop3A_405 = arith.constant 48 : index
        %parallel_loop3A_406 = tpu.vector_load %arg12[%parallel_loop3A_404, %parallel_loop3A_405] {strides = array<i32>} : memref<8x64xf32, #tpu.memory_space<vmem>>, vector<16xf32>,
        %parallel_loop3A_407 = arith.addf %parallel_loop3A_403, %parallel_loop3A_406 : vector<16xf32>
        %parallel_loop3A_408 = arith.addf %parallel_loop3A_400, %parallel_loop3A_407 : vector<16xf32>
        %parallel_loop3A_409 = arith.constant 1.562500e-02 : f32
        %parallel_loop3A_410 = vector.broadcast %parallel_loop3A_409 : f32 to vector<16xf32>
        %parallel_loop3A_411 = arith.mulf %parallel_loop3A_393, %parallel_loop3A_410 : vector<16xf32>
        %parallel_loop3A_412 = arith.constant 1.562500e-02 : f32
        %parallel_loop3A_413 = vector.broadcast %parallel_loop3A_412 : f32 to vector<16xf32>
        %parallel_loop3A_414 = arith.mulf %parallel_loop3A_408, %parallel_loop3A_413 : vector<16xf32>
        %parallel_loop3A_415 = arith.mulf %parallel_loop3A_411, %parallel_loop3A_411 : vector<16xf32>
        %parallel_loop3A_416 = arith.subf %parallel_loop3A_414, %parallel_loop3A_415 : vector<16xf32>
        %parallel_loop3A_417 = arith.constant 9.99999996E-13 : f32
        %parallel_loop3A_418 = vector.broadcast %parallel_loop3A_417 : f32 to vector<16xf32>
        %parallel_loop3A_419 = arith.addf %parallel_loop3A_416, %parallel_loop3A_418 : vector<16xf32>
        %parallel_loop3A_420 = tpu.bitcast %parallel_loop3A_419 : vector<16xf32> -> vector<16xi32>
        %parallel_loop3A_421 = arith.constant 1597463007 : i32
        %parallel_loop3A_422 = vector.broadcast %parallel_loop3A_421 : i32 to vector<16xi32>
        %parallel_loop3A_423 = arith.constant 1 : i32
        %parallel_loop3A_424 = vector.broadcast %parallel_loop3A_423 : i32 to vector<16xi32>
        %parallel_loop3A_425 = arith.shrui %parallel_loop3A_420, %parallel_loop3A_424 : vector<16xi32>
        %parallel_loop3A_426 = arith.subi %parallel_loop3A_422, %parallel_loop3A_425 : vector<16xi32>
        %parallel_loop3A_427 = tpu.bitcast %parallel_loop3A_426 : vector<16xi32> -> vector<16xf32>
        %parallel_loop3A_428 = arith.constant 5.000000e-01 : f32
        %parallel_loop3A_429 = vector.broadcast %parallel_loop3A_428 : f32 to vector<16xf32>
        %parallel_loop3A_430 = arith.mulf %parallel_loop3A_419, %parallel_loop3A_429 : vector<16xf32>
        %parallel_loop3A_431 = arith.mulf %parallel_loop3A_430, %parallel_loop3A_427 : vector<16xf32>
        %parallel_loop3A_432 = arith.mulf %parallel_loop3A_431, %parallel_loop3A_427 : vector<16xf32>
        %parallel_loop3A_433 = arith.constant 1.500000e+00 : f32
        %parallel_loop3A_434 = vector.broadcast %parallel_loop3A_433 : f32 to vector<16xf32>
        %parallel_loop3A_435 = arith.subf %parallel_loop3A_434, %parallel_loop3A_432 : vector<16xf32>
        %parallel_loop3A_436 = arith.mulf %parallel_loop3A_427, %parallel_loop3A_435 : vector<16xf32>
        %parallel_loop3A_437 = arith.mulf %parallel_loop3A_430, %parallel_loop3A_436 : vector<16xf32>
        %parallel_loop3A_438 = arith.mulf %parallel_loop3A_437, %parallel_loop3A_436 : vector<16xf32>
        %parallel_loop3A_439 = arith.constant 1.500000e+00 : f32
        %parallel_loop3A_440 = vector.broadcast %parallel_loop3A_439 : f32 to vector<16xf32>
        %parallel_loop3A_441 = arith.subf %parallel_loop3A_440, %parallel_loop3A_438 : vector<16xf32>
        %parallel_loop3A_442 = arith.mulf %parallel_loop3A_436, %parallel_loop3A_441 : vector<16xf32>
        %parallel_loop3A_443 = arith.mulf %parallel_loop3A_430, %parallel_loop3A_442 : vector<16xf32>
        %parallel_loop3A_444 = arith.mulf %parallel_loop3A_443, %parallel_loop3A_442 : vector<16xf32>
        %parallel_loop3A_445 = arith.constant 1.500000e+00 : f32
        %parallel_loop3A_446 = vector.broadcast %parallel_loop3A_445 : f32 to vector<16xf32>
        %parallel_loop3A_447 = arith.subf %parallel_loop3A_446, %parallel_loop3A_444 : vector<16xf32>
        %parallel_loop3A_448 = arith.mulf %parallel_loop3A_442, %parallel_loop3A_447 : vector<16xf32>
        %parallel_loop3A_449 = arith.constant 16 : i32
        %parallel_loop3A_450 = arith.muli %parallel_loop3A_378, %parallel_loop3A_449 : i32
        %parallel_loop3A_451 = arith.index_cast %parallel_loop3A_450 : i32 to index
        %parallel_loop3A_452 = tpu.vector_load %arg9[%parallel_loop3A_451] {strides = array<i32>} : memref<128xf32, #tpu.memory_space<vmem>>, vector<16xf32>,
        tpu.vector_store %arg9[%parallel_loop3A_451], %parallel_loop3A_448 {strides = array<i32>} : memref<128xf32, #tpu.memory_space<vmem>>, vector<16xf32>,
        %parallel_loop3A_453 = arith.mulf %parallel_loop3A_411, %parallel_loop3A_448 : vector<16xf32>
        %parallel_loop3A_454 = arith.constant 0.000000e+00 : f32
        %parallel_loop3A_455 = vector.broadcast %parallel_loop3A_454 : f32 to vector<16xf32>
        %parallel_loop3A_456 = arith.subf %parallel_loop3A_455, %parallel_loop3A_453 : vector<16xf32>
        %parallel_loop3A_457 = arith.constant 16 : i32
        %parallel_loop3A_458 = arith.muli %parallel_loop3A_378, %parallel_loop3A_457 : i32
        %parallel_loop3A_459 = arith.index_cast %parallel_loop3A_458 : i32 to index
        %parallel_loop3A_460 = tpu.vector_load %arg10[%parallel_loop3A_459] {strides = array<i32>} : memref<128xf32, #tpu.memory_space<vmem>>, vector<16xf32>,
        tpu.vector_store %arg10[%parallel_loop3A_459], %parallel_loop3A_456 {strides = array<i32>} : memref<128xf32, #tpu.memory_space<vmem>>, vector<16xf32>,
      } {sc.loop_unroll_factor = 1 : i64, sc.parallel_access}
      %get3A_335 = arith.constant 0 : index
      %get3A_336 = tpu.vector_load %arg9[%get3A_335] {strides = array<i32>} : memref<128xf32, #tpu.memory_space<vmem>>, vector<16xf32>,
      %get3A_337 = arith.constant 16 : index
      %get3A_338 = tpu.vector_load %arg9[%get3A_337] {strides = array<i32>} : memref<128xf32, #tpu.memory_space<vmem>>, vector<16xf32>,
      %get3A_339 = arith.constant 32 : index
      %get3A_340 = tpu.vector_load %arg9[%get3A_339] {strides = array<i32>} : memref<128xf32, #tpu.memory_space<vmem>>, vector<16xf32>,
      %get3A_341 = arith.constant 48 : index
      %get3A_342 = tpu.vector_load %arg9[%get3A_341] {strides = array<i32>} : memref<128xf32, #tpu.memory_space<vmem>>, vector<16xf32>,
      %get3A_343 = arith.constant 64 : index
      %get3A_344 = tpu.vector_load %arg9[%get3A_343] {strides = array<i32>} : memref<128xf32, #tpu.memory_space<vmem>>, vector<16xf32>,
      %get3A_345 = arith.constant 80 : index
      %get3A_346 = tpu.vector_load %arg9[%get3A_345] {strides = array<i32>} : memref<128xf32, #tpu.memory_space<vmem>>, vector<16xf32>,
      %get3A_347 = arith.constant 96 : index
      %get3A_348 = tpu.vector_load %arg9[%get3A_347] {strides = array<i32>} : memref<128xf32, #tpu.memory_space<vmem>>, vector<16xf32>,
      %get3A_349 = arith.constant 112 : index
      %get3A_350 = tpu.vector_load %arg9[%get3A_349] {strides = array<i32>} : memref<128xf32, #tpu.memory_space<vmem>>, vector<16xf32>,
      %get3A_351 = arith.constant 0 : index
      %get3A_352 = tpu.vector_load %arg10[%get3A_351] {strides = array<i32>} : memref<128xf32, #tpu.memory_space<vmem>>, vector<16xf32>,
      %get3A_353 = arith.constant 16 : index
      %get3A_354 = tpu.vector_load %arg10[%get3A_353] {strides = array<i32>} : memref<128xf32, #tpu.memory_space<vmem>>, vector<16xf32>,
      %get3A_355 = arith.constant 32 : index
      %get3A_356 = tpu.vector_load %arg10[%get3A_355] {strides = array<i32>} : memref<128xf32, #tpu.memory_space<vmem>>, vector<16xf32>,
      %get3A_357 = arith.constant 48 : index
      %get3A_358 = tpu.vector_load %arg10[%get3A_357] {strides = array<i32>} : memref<128xf32, #tpu.memory_space<vmem>>, vector<16xf32>,
      %get3A_359 = arith.constant 64 : index
      %get3A_360 = tpu.vector_load %arg10[%get3A_359] {strides = array<i32>} : memref<128xf32, #tpu.memory_space<vmem>>, vector<16xf32>,
      %get3A_361 = arith.constant 80 : index
      %get3A_362 = tpu.vector_load %arg10[%get3A_361] {strides = array<i32>} : memref<128xf32, #tpu.memory_space<vmem>>, vector<16xf32>,
      %get3A_363 = arith.constant 96 : index
      %get3A_364 = tpu.vector_load %arg10[%get3A_363] {strides = array<i32>} : memref<128xf32, #tpu.memory_space<vmem>>, vector<16xf32>,
      %get3A_365 = arith.constant 112 : index
      %get3A_366 = tpu.vector_load %arg10[%get3A_365] {strides = array<i32>} : memref<128xf32, #tpu.memory_space<vmem>>, vector<16xf32>,
      %parallel_loop3A_367 = arith.constant 0 : i32
      %parallel_loop3A_368 = arith.constant 64 : i32
      %parallel_loop3A_369 = arith.constant 1 : i32
      scf.for %parallel_loop3A_378 = %parallel_loop3A_367 to %parallel_loop3A_368 step %parallel_loop3A_369  : i32 {
        %parallel_loop3A_379 = arith.constant 4 : i32
        %parallel_loop3A_380 = arith.shrsi %parallel_loop3A_378, %parallel_loop3A_379 : i32
        %parallel_loop3A_381 = arith.constant 15 : i32
        %parallel_loop3A_382 = arith.andi %parallel_loop3A_378, %parallel_loop3A_381 : i32
        %parallel_loop3A_383 = vector.broadcast %parallel_loop3A_382 : i32 to vector<16xi32>
        %parallel_loop3A_384 = arith.addi %iota3A, %parallel_loop3A_383 : vector<16xi32>
        %parallel_loop3A_385 = arith.constant 15 : i32
        %parallel_loop3A_386 = vector.broadcast %parallel_loop3A_385 : i32 to vector<16xi32>
        %parallel_loop3A_387 = arith.andi %parallel_loop3A_384, %parallel_loop3A_386 : vector<16xi32>
        %parallel_loop3A_388 = arith.constant 16 : i32
        %parallel_loop3A_389 = arith.muli %parallel_loop3A_380, %parallel_loop3A_388 : i32
        %parallel_loop3A_390 = vector.broadcast %parallel_loop3A_389 : i32 to vector<16xi32>
        %parallel_loop3A_391 = arith.addi %parallel_loop3A_390, %parallel_loop3A_387 : vector<16xi32>
        %parallel_loop3A_392 = arith.constant 3 : i32
        %parallel_loop3A_393 = vector.broadcast %parallel_loop3A_392 : i32 to vector<16xi32>
        %parallel_loop3A_394 = arith.shrui %parallel_loop3A_387, %parallel_loop3A_393 : vector<16xi32>
        %parallel_loop3A_395 = arith.constant 7 : i32
        %parallel_loop3A_396 = vector.broadcast %parallel_loop3A_395 : i32 to vector<16xi32>
        %parallel_loop3A_397 = arith.andi %parallel_loop3A_387, %parallel_loop3A_396 : vector<16xi32>
        %parallel_loop3A_398 = arith.constant 2 : i32
        %parallel_loop3A_399 = arith.muli %parallel_loop3A_398, %parallel_loop3A_380 : i32
        %parallel_loop3A_400 = vector.broadcast %parallel_loop3A_399 : i32 to vector<16xi32>
        %parallel_loop3A_401 = arith.addi %parallel_loop3A_400, %parallel_loop3A_394 : vector<16xi32>
        %parallel_loop3A_402 = arith.constant 128 : i32
        %parallel_loop3A_403 = vector.broadcast %parallel_loop3A_402 : i32 to vector<16xi32>
        %parallel_loop3A_404 = arith.muli %parallel_loop3A_397, %parallel_loop3A_403 : vector<16xi32>
        %parallel_loop3A_405 = arith.addi %parallel_loop3A_404, %iota3A : vector<16xi32>
        %parallel_loop3A_406 = arith.constant 16 : i32
        %parallel_loop3A_407 = arith.muli %parallel_loop3A_380, %parallel_loop3A_406 : i32
        %parallel_loop3A_408 = arith.index_cast %parallel_loop3A_407 : i32 to index
        %parallel_loop3A_409 = tpu.vector_load %arg7[%parallel_loop3A_408] {strides = array<i32>} : memref<64xf32, #tpu.memory_space<vmem>>, vector<16xf32>,
        %parallel_loop3A_410 = arith.constant 0 : i32
        %parallel_loop3A_411 = vector.broadcast %parallel_loop3A_410 : i32 to vector<16xi32>
        %parallel_loop3A_412 = arith.cmpi slt, %parallel_loop3A_387, %parallel_loop3A_411 : vector<16xi32>
        %parallel_loop3A_413 = arith.constant 16 : i32
        %parallel_loop3A_414 = vector.broadcast %parallel_loop3A_413 : i32 to vector<16xi32>
        %parallel_loop3A_415 = arith.addi %parallel_loop3A_387, %parallel_loop3A_414 : vector<16xi32>
        %parallel_loop3A_416 = arith.select %parallel_loop3A_412, %parallel_loop3A_415, %parallel_loop3A_387 : vector<16xi1>, vector<16xi32>
        %parallel_loop3A_417 = vector.shape_cast %parallel_loop3A_416 : vector<16xi32> to vector<16x1xi32>
        %parallel_loop3A_418 = vector.shape_cast %parallel_loop3A_417 : vector<16x1xi32> to vector<16xi32>
        %parallel_loop3A_419 = tpu.dynamic_gather %parallel_loop3A_409[%parallel_loop3A_418] in [0] : vector<16xf32>, vector<16xi32> -> vector<16xf32>
        %parallel_loop3A_420 = arith.constant 16 : i32
        %parallel_loop3A_421 = arith.muli %parallel_loop3A_380, %parallel_loop3A_420 : i32
        %parallel_loop3A_422 = arith.index_cast %parallel_loop3A_421 : i32 to index
        %parallel_loop3A_423 = tpu.vector_load %arg8[%parallel_loop3A_422] {strides = array<i32>} : memref<64xf32, #tpu.memory_space<vmem>>, vector<16xf32>,
        %parallel_loop3A_424 = arith.constant 0 : i32
        %parallel_loop3A_425 = vector.broadcast %parallel_loop3A_424 : i32 to vector<16xi32>
        %parallel_loop3A_426 = arith.cmpi slt, %parallel_loop3A_387, %parallel_loop3A_425 : vector<16xi32>
        %parallel_loop3A_427 = arith.constant 16 : i32
        %parallel_loop3A_428 = vector.broadcast %parallel_loop3A_427 : i32 to vector<16xi32>
        %parallel_loop3A_429 = arith.addi %parallel_loop3A_387, %parallel_loop3A_428 : vector<16xi32>
        %parallel_loop3A_430 = arith.select %parallel_loop3A_426, %parallel_loop3A_429, %parallel_loop3A_387 : vector<16xi1>, vector<16xi32>
        %parallel_loop3A_431 = vector.shape_cast %parallel_loop3A_430 : vector<16xi32> to vector<16x1xi32>
        %parallel_loop3A_432 = vector.shape_cast %parallel_loop3A_431 : vector<16x1xi32> to vector<16xi32>
        %parallel_loop3A_433 = tpu.dynamic_gather %parallel_loop3A_423[%parallel_loop3A_432] in [0] : vector<16xf32>, vector<16xi32> -> vector<16xf32>
        %parallel_loop3A_434 = arith.constant 0 : i32
        %parallel_loop3A_435 = vector.broadcast %parallel_loop3A_434 : i32 to vector<16xi32>
        %parallel_loop3A_436 = arith.addi %parallel_loop3A_435, %iota3A : vector<16xi32>
        %parallel_loop3A_437 = tpu.vector_load_idx %arg16[%parallel_loop3A_436, %parallel_loop3A_391] : memref<128x128xf32, #tpu.memory_space<vmem>>[vector<16xi32>, vector<16xi32>], vector<16xf32>,
        %parallel_loop3A_438 = arith.constant 16 : i32
        %parallel_loop3A_439 = vector.broadcast %parallel_loop3A_438 : i32 to vector<16xi32>
        %parallel_loop3A_440 = arith.addi %parallel_loop3A_439, %iota3A : vector<16xi32>
        %parallel_loop3A_441 = tpu.vector_load_idx %arg16[%parallel_loop3A_440, %parallel_loop3A_391] : memref<128x128xf32, #tpu.memory_space<vmem>>[vector<16xi32>, vector<16xi32>], vector<16xf32>,
        %parallel_loop3A_442 = arith.constant 32 : i32
        %parallel_loop3A_443 = vector.broadcast %parallel_loop3A_442 : i32 to vector<16xi32>
        %parallel_loop3A_444 = arith.addi %parallel_loop3A_443, %iota3A : vector<16xi32>
        %parallel_loop3A_445 = tpu.vector_load_idx %arg16[%parallel_loop3A_444, %parallel_loop3A_391] : memref<128x128xf32, #tpu.memory_space<vmem>>[vector<16xi32>, vector<16xi32>], vector<16xf32>,
        %parallel_loop3A_446 = arith.constant 48 : i32
        %parallel_loop3A_447 = vector.broadcast %parallel_loop3A_446 : i32 to vector<16xi32>
        %parallel_loop3A_448 = arith.addi %parallel_loop3A_447, %iota3A : vector<16xi32>
        %parallel_loop3A_449 = tpu.vector_load_idx %arg16[%parallel_loop3A_448, %parallel_loop3A_391] : memref<128x128xf32, #tpu.memory_space<vmem>>[vector<16xi32>, vector<16xi32>], vector<16xf32>,
        %parallel_loop3A_450 = arith.constant 64 : i32
        %parallel_loop3A_451 = vector.broadcast %parallel_loop3A_450 : i32 to vector<16xi32>
        %parallel_loop3A_452 = arith.addi %parallel_loop3A_451, %iota3A : vector<16xi32>
        %parallel_loop3A_453 = tpu.vector_load_idx %arg16[%parallel_loop3A_452, %parallel_loop3A_391] : memref<128x128xf32, #tpu.memory_space<vmem>>[vector<16xi32>, vector<16xi32>], vector<16xf32>,
        %parallel_loop3A_454 = arith.constant 80 : i32
        %parallel_loop3A_455 = vector.broadcast %parallel_loop3A_454 : i32 to vector<16xi32>
        %parallel_loop3A_456 = arith.addi %parallel_loop3A_455, %iota3A : vector<16xi32>
        %parallel_loop3A_457 = tpu.vector_load_idx %arg16[%parallel_loop3A_456, %parallel_loop3A_391] : memref<128x128xf32, #tpu.memory_space<vmem>>[vector<16xi32>, vector<16xi32>], vector<16xf32>,
        %parallel_loop3A_458 = arith.constant 96 : i32
        %parallel_loop3A_459 = vector.broadcast %parallel_loop3A_458 : i32 to vector<16xi32>
        %parallel_loop3A_460 = arith.addi %parallel_loop3A_459, %iota3A : vector<16xi32>
        %parallel_loop3A_461 = tpu.vector_load_idx %arg16[%parallel_loop3A_460, %parallel_loop3A_391] : memref<128x128xf32, #tpu.memory_space<vmem>>[vector<16xi32>, vector<16xi32>], vector<16xf32>,
        %parallel_loop3A_462 = arith.constant 112 : i32
        %parallel_loop3A_463 = vector.broadcast %parallel_loop3A_462 : i32 to vector<16xi32>
        %parallel_loop3A_464 = arith.addi %parallel_loop3A_463, %iota3A : vector<16xi32>
        %parallel_loop3A_465 = tpu.vector_load_idx %arg16[%parallel_loop3A_464, %parallel_loop3A_391] : memref<128x128xf32, #tpu.memory_space<vmem>>[vector<16xi32>, vector<16xi32>], vector<16xf32>,
        %parallel_loop3A_466 = arith.mulf %parallel_loop3A_437, %get3A_336 : vector<16xf32>
        %parallel_loop3A_467 = arith.addf %parallel_loop3A_466, %get3A_352 : vector<16xf32>
        %parallel_loop3A_468 = arith.mulf %parallel_loop3A_467, %parallel_loop3A_419 : vector<16xf32>
        %parallel_loop3A_469 = arith.addf %parallel_loop3A_468, %parallel_loop3A_433 : vector<16xf32>
        %parallel_loop3A_470 = arith.mulf %parallel_loop3A_441, %get3A_338 : vector<16xf32>
        %parallel_loop3A_471 = arith.addf %parallel_loop3A_470, %get3A_354 : vector<16xf32>
        %parallel_loop3A_472 = arith.mulf %parallel_loop3A_471, %parallel_loop3A_419 : vector<16xf32>
        %parallel_loop3A_473 = arith.addf %parallel_loop3A_472, %parallel_loop3A_433 : vector<16xf32>
        %parallel_loop3A_474 = arith.mulf %parallel_loop3A_445, %get3A_340 : vector<16xf32>
        %parallel_loop3A_475 = arith.addf %parallel_loop3A_474, %get3A_356 : vector<16xf32>
        %parallel_loop3A_476 = arith.mulf %parallel_loop3A_475, %parallel_loop3A_419 : vector<16xf32>
        %parallel_loop3A_477 = arith.addf %parallel_loop3A_476, %parallel_loop3A_433 : vector<16xf32>
        %parallel_loop3A_478 = arith.mulf %parallel_loop3A_449, %get3A_342 : vector<16xf32>
        %parallel_loop3A_479 = arith.addf %parallel_loop3A_478, %get3A_358 : vector<16xf32>
        %parallel_loop3A_480 = arith.mulf %parallel_loop3A_479, %parallel_loop3A_419 : vector<16xf32>
        %parallel_loop3A_481 = arith.addf %parallel_loop3A_480, %parallel_loop3A_433 : vector<16xf32>
        %parallel_loop3A_482 = arith.mulf %parallel_loop3A_453, %get3A_344 : vector<16xf32>
        %parallel_loop3A_483 = arith.addf %parallel_loop3A_482, %get3A_360 : vector<16xf32>
        %parallel_loop3A_484 = arith.mulf %parallel_loop3A_483, %parallel_loop3A_419 : vector<16xf32>
        %parallel_loop3A_485 = arith.addf %parallel_loop3A_484, %parallel_loop3A_433 : vector<16xf32>
        %parallel_loop3A_486 = arith.mulf %parallel_loop3A_457, %get3A_346 : vector<16xf32>
        %parallel_loop3A_487 = arith.addf %parallel_loop3A_486, %get3A_362 : vector<16xf32>
        %parallel_loop3A_488 = arith.mulf %parallel_loop3A_487, %parallel_loop3A_419 : vector<16xf32>
        %parallel_loop3A_489 = arith.addf %parallel_loop3A_488, %parallel_loop3A_433 : vector<16xf32>
        %parallel_loop3A_490 = arith.mulf %parallel_loop3A_461, %get3A_348 : vector<16xf32>
        %parallel_loop3A_491 = arith.addf %parallel_loop3A_490, %get3A_364 : vector<16xf32>
        %parallel_loop3A_492 = arith.mulf %parallel_loop3A_491, %parallel_loop3A_419 : vector<16xf32>
        %parallel_loop3A_493 = arith.addf %parallel_loop3A_492, %parallel_loop3A_433 : vector<16xf32>
        %parallel_loop3A_494 = arith.mulf %parallel_loop3A_465, %get3A_350 : vector<16xf32>
        %parallel_loop3A_495 = arith.addf %parallel_loop3A_494, %get3A_366 : vector<16xf32>
        %parallel_loop3A_496 = arith.mulf %parallel_loop3A_495, %parallel_loop3A_419 : vector<16xf32>
        %parallel_loop3A_497 = arith.addf %parallel_loop3A_496, %parallel_loop3A_433 : vector<16xf32>
        %parallel_loop3A_498 = arith.constant 0 : i32
        %parallel_loop3A_499 = vector.broadcast %parallel_loop3A_498 : i32 to vector<16xi32>
        %parallel_loop3A_500 = arith.addi %parallel_loop3A_405, %parallel_loop3A_499 : vector<16xi32>
        tpu.vector_store_idx %arg18[%parallel_loop3A_401, %parallel_loop3A_500], %parallel_loop3A_469 : memref<8x1024xf32, #tpu.memory_space<vmem>>[vector<16xi32>, vector<16xi32>], vector<16xf32>,
        %parallel_loop3A_501 = arith.constant 16 : i32
        %parallel_loop3A_502 = vector.broadcast %parallel_loop3A_501 : i32 to vector<16xi32>
        %parallel_loop3A_503 = arith.addi %parallel_loop3A_405, %parallel_loop3A_502 : vector<16xi32>
        tpu.vector_store_idx %arg18[%parallel_loop3A_401, %parallel_loop3A_503], %parallel_loop3A_473 : memref<8x1024xf32, #tpu.memory_space<vmem>>[vector<16xi32>, vector<16xi32>], vector<16xf32>,
        %parallel_loop3A_504 = arith.constant 32 : i32
        %parallel_loop3A_505 = vector.broadcast %parallel_loop3A_504 : i32 to vector<16xi32>
        %parallel_loop3A_506 = arith.addi %parallel_loop3A_405, %parallel_loop3A_505 : vector<16xi32>
        tpu.vector_store_idx %arg18[%parallel_loop3A_401, %parallel_loop3A_506], %parallel_loop3A_477 : memref<8x1024xf32, #tpu.memory_space<vmem>>[vector<16xi32>, vector<16xi32>], vector<16xf32>,
        %parallel_loop3A_507 = arith.constant 48 : i32
        %parallel_loop3A_508 = vector.broadcast %parallel_loop3A_507 : i32 to vector<16xi32>
        %parallel_loop3A_509 = arith.addi %parallel_loop3A_405, %parallel_loop3A_508 : vector<16xi32>
        tpu.vector_store_idx %arg18[%parallel_loop3A_401, %parallel_loop3A_509], %parallel_loop3A_481 : memref<8x1024xf32, #tpu.memory_space<vmem>>[vector<16xi32>, vector<16xi32>], vector<16xf32>,
        %parallel_loop3A_510 = arith.constant 64 : i32
        %parallel_loop3A_511 = vector.broadcast %parallel_loop3A_510 : i32 to vector<16xi32>
        %parallel_loop3A_512 = arith.addi %parallel_loop3A_405, %parallel_loop3A_511 : vector<16xi32>
        tpu.vector_store_idx %arg18[%parallel_loop3A_401, %parallel_loop3A_512], %parallel_loop3A_485 : memref<8x1024xf32, #tpu.memory_space<vmem>>[vector<16xi32>, vector<16xi32>], vector<16xf32>,
        %parallel_loop3A_513 = arith.constant 80 : i32
        %parallel_loop3A_514 = vector.broadcast %parallel_loop3A_513 : i32 to vector<16xi32>
        %parallel_loop3A_515 = arith.addi %parallel_loop3A_405, %parallel_loop3A_514 : vector<16xi32>
        tpu.vector_store_idx %arg18[%parallel_loop3A_401, %parallel_loop3A_515], %parallel_loop3A_489 : memref<8x1024xf32, #tpu.memory_space<vmem>>[vector<16xi32>, vector<16xi32>], vector<16xf32>,
        %parallel_loop3A_516 = arith.constant 96 : i32
        %parallel_loop3A_517 = vector.broadcast %parallel_loop3A_516 : i32 to vector<16xi32>
        %parallel_loop3A_518 = arith.addi %parallel_loop3A_405, %parallel_loop3A_517 : vector<16xi32>
        tpu.vector_store_idx %arg18[%parallel_loop3A_401, %parallel_loop3A_518], %parallel_loop3A_493 : memref<8x1024xf32, #tpu.memory_space<vmem>>[vector<16xi32>, vector<16xi32>], vector<16xf32>,
        %parallel_loop3A_519 = arith.constant 112 : i32
        %parallel_loop3A_520 = vector.broadcast %parallel_loop3A_519 : i32 to vector<16xi32>
        %parallel_loop3A_521 = arith.addi %parallel_loop3A_405, %parallel_loop3A_520 : vector<16xi32>
        tpu.vector_store_idx %arg18[%parallel_loop3A_401, %parallel_loop3A_521], %parallel_loop3A_497 : memref<8x1024xf32, #tpu.memory_space<vmem>>[vector<16xi32>, vector<16xi32>], vector<16xf32>,
      } {sc.loop_unroll_factor = 2 : i64, sc.parallel_access}
      %dma_start3A_370 = arith.constant 0 : i32
      %dma_start3A_371 = arith.constant 0 : i32
      %dma_start3A_372 = tpu.memref_slice %arg6[%add3A_210, %dma_start3A_370, %add3A, %dma_start3A_371] : memref<200x8x32x1024xf32, #tpu.memory_space<hbm>> -> memref<1x8x1x1024xf32, #tpu.memory_space<hbm>>
      %dma_start3A_373 = tpu.memref_squeeze %dma_start3A_372 : memref<1x8x1x1024xf32, #tpu.memory_space<hbm>> -> memref<8x1024xf32, #tpu.memory_space<hbm>>
      %dma_start3A_374 = arith.constant 0 : i32
      %dma_start3A_375 = arith.constant 0 : i32
      %dma_start3A_376 = tpu.memref_slice %arg6[%add3A_210, %dma_start3A_374, %add3A, %dma_start3A_375] : memref<200x8x32x1024xf32, #tpu.memory_space<hbm>> -> memref<1x8x1x1024xf32, #tpu.memory_space<hbm>>
      %dma_start3A_377 = tpu.memref_squeeze %dma_start3A_376 : memref<1x8x1x1024xf32, #tpu.memory_space<hbm>> -> memref<8x1024xf32, #tpu.memory_space<hbm>>
      tpu.enqueue_dma source(%arg18 : memref<8x1024xf32, #tpu.memory_space<vmem>>) target(%dma_start3A_377 : memref<8x1024xf32, #tpu.memory_space<hbm>>) target_semaphore(%arg24 : memref<!tpu.dma_semaphore, #tpu.memory_space<semaphore_mem>>)
    }
    %scan3A_27 = arith.constant 100 : i32
    %dma_wait3A_28 = arith.constant 198 : i32
    %dma_wait3A_29 = arith.constant 0 : i32
    %dma_wait3A_30 = arith.constant 0 : i32
    %dma_wait3A_31 = tpu.memref_slice %arg6[%dma_wait3A_28, %dma_wait3A_29, %add3A, %dma_wait3A_30] : memref<200x8x32x1024xf32, #tpu.memory_space<hbm>> -> memref<1x8x1x1024xf32, #tpu.memory_space<hbm>>
    %dma_wait3A_32 = tpu.memref_squeeze %dma_wait3A_31 : memref<1x8x1x1024xf32, #tpu.memory_space<hbm>> -> memref<8x1024xf32, #tpu.memory_space<hbm>>
    %dma_wait3A_33 = arith.constant 0 : i32
    %dma_wait3A_34 = arith.constant 0 : i32
    %dma_wait3A_35 = tpu.memref_slice %arg6[%dma_wait3A_28, %dma_wait3A_33, %add3A, %dma_wait3A_34] : memref<200x8x32x1024xf32, #tpu.memory_space<hbm>> -> memref<1x8x1x1024xf32, #tpu.memory_space<hbm>>
    %dma_wait3A_36 = tpu.memref_squeeze %dma_wait3A_35 : memref<1x8x1x1024xf32, #tpu.memory_space<hbm>> -> memref<8x1024xf32, #tpu.memory_space<hbm>>
    tpu.wait_dma2 semaphore(%arg23 : memref<!tpu.dma_semaphore, #tpu.memory_space<semaphore_mem>>) src(%arg17 : memref<8x1024xf32, #tpu.memory_space<vmem>>) dst(%dma_wait3A_36 : memref<8x1024xf32, #tpu.memory_space<hbm>>)
    %dma_wait3A_37 = arith.constant 199 : i32
    %dma_wait3A_38 = arith.constant 0 : i32
    %dma_wait3A_39 = arith.constant 0 : i32
    %dma_wait3A_40 = tpu.memref_slice %arg6[%dma_wait3A_37, %dma_wait3A_38, %add3A, %dma_wait3A_39] : memref<200x8x32x1024xf32, #tpu.memory_space<hbm>> -> memref<1x8x1x1024xf32, #tpu.memory_space<hbm>>
    %dma_wait3A_41 = tpu.memref_squeeze %dma_wait3A_40 : memref<1x8x1x1024xf32, #tpu.memory_space<hbm>> -> memref<8x1024xf32, #tpu.memory_space<hbm>>
    %dma_wait3A_42 = arith.constant 0 : i32
    %dma_wait3A_43 = arith.constant 0 : i32
    %dma_wait3A_44 = tpu.memref_slice %arg6[%dma_wait3A_37, %dma_wait3A_42, %add3A, %dma_wait3A_43] : memref<200x8x32x1024xf32, #tpu.memory_space<hbm>> -> memref<1x8x1x1024xf32, #tpu.memory_space<hbm>>
    %dma_wait3A_45 = tpu.memref_squeeze %dma_wait3A_44 : memref<1x8x1x1024xf32, #tpu.memory_space<hbm>> -> memref<8x1024xf32, #tpu.memory_space<hbm>>
    tpu.wait_dma2 semaphore(%arg24 : memref<!tpu.dma_semaphore, #tpu.memory_space<semaphore_mem>>) src(%arg18 : memref<8x1024xf32, #tpu.memory_space<vmem>>) dst(%dma_wait3A_45 : memref<8x1024xf32, #tpu.memory_space<hbm>>)
    return
  }
}

</mosaic_0001>

<sc_bundles>
// kernel: _run.3.cloned.1.call-start
scs
__scs_entry_jumppad:
0x0: {  	(pc) =	sbr.rel $0x88, $3  }
0x1: {  	(tag) =	ssettag $0x0;
	lr =	simm.s32 $0x1  }
0x2: {  	[smem:$0x3F9D] =	sst lr;
	_ =	strace $0xD0000000  }
0x3: {  	_ = 	snop  }
0x4: {  	_ = 	snop  }
0x5: {  	_ = 	snop  }
0x6: {  	_ = 	snop  }
0x7: {  	_ = 	snop  }
__scs_overlays_trampoline_lowered:
0x8: {  	[smem:$0x3FAC] =	sst s0  }
0x9: {  	[smem:$0x3FAD] =	sst s1  }
0xa: {  	[smem:$0x3FAE] =	sst s2  }
0xb: {  	[smem:$0x3FAF] =	sst s3  }
0xc: {  	[smem:$0x3FB0] =	sst s4  }
0xd: {  	[smem:$0x3FB1] =	sst s5  }
0xe: {  	[smem:$0x3FB2] =	sst s6  }
0xf: {  	[smem:$0x3FB3] =	sst s7  }
0x10: {  	[smem:$0x3FB4] =	sst s8  }
0x11: {  	[smem:$0x3FB5] =	sst s9;
	s0 =	simm.s32 @!p0 $0x0  }
0x12: {  	s1 =	sld [smem:$0x3F9B];
	s0 =	simm.s32 @p0 $0x1  }
0x13: {  	[smem:$0x3FB6] =	sst s0;
	s0 =	simm.s32 @!p1 $0x0  }
0x14: {  	s2 =	sld [smem:$0x3F9A];
	s0 =	simm.s32 @p1 $0x1  }
0x15: {  	[smem:$0x3FB7] =	sst s0;
	s0 =	simm.s32 @!p2 $0x0  }
0x16: {  	s3 =	sld [smem:$0x3FDB];
	s0 =	simm.s32 @p2 $0x1  }
0x17: {  	s4 =	simm.s32 $0x1BF5;
	[smem:$0x3FB9] =	sst s0  }
0x18: {  	s0 =	sld [smem:$0x3F9C];
	_ =	swait.ge [sflag:s4], $0x0  }
0x19: {  	s7 =	sld [smem:$0x3F9D]  }
0x1a: {  	s8 =	sadd.s32 $0xFFFFE003, lr  }
0x1b: {  	s9 =	sadd.s32 $0xFFFFFEF7, lr;
	s5 =	simm.s32 $0xFFFFFFFF;
	p2 =	slt.u32 s8, $0xFFFFF086  }
0x1c: {  	p1 =	slt.u32 s9, $0xF7A;
	s5 =	simm.s32 @!p2 $0x0  }
0x1d: {  	s5 =	simm.s32 @p1 $0x1;
	p0 =	seq.s32 s7, s2  }
0x1e: {  	s7 =	smul.u32 @!p0 $0xF7A, s2;
	p2 =	seq.s32 @!p0 s5, $0x0  }
0x1f: {  	s9 =	smul.u32 $0xF7A, s1;
	s8 =	simm.s32 @!p0 $0x1BF5;
	p2 =	por !p2, p0  }
0x20: {  	[sflag:s8] =	ssyncset.s32 @!p0 $0xFFFFF086;
	s6 =	sadd.s32 @!p0 s3, s7;
	s7 =	simm.s32 @!p0 $0x108  }
0x21: {  	s3 =	sadd.s32 s3, s9;
	s6 =	sadd.s32 @!p0 $0x88, s6;
	s7 =	simm.s32 @p2 $0x1082  }
0x22: {  	[simem:s7], [sflag:s8] =	dma.local @!p0 [hbm:s6], $0xF7A  }
0x23: {  	s9 =	sor.u32 $0xD0000000, s2;
	s6 =	simm.s32 $0x108;
	_ =	swait.ge @!p0 [sflag:s8], $0x0  }
0x24: {  	s3 =	sadd.s32 $0x88, s3;
	s6 =	simm.s32 @!p1 $0x1082;
	[sflag:s4] =	ssyncset.s32 $0xFFFFF086  }
0x25: {  	[simem:s6], [sflag:s4] =	dma.local [hbm:s3], $0xF7A  }
0x26: {  	[smem:$0x3F9D] =	sst s1;
	(tag) =	ssettag s2;
	_ =	strace s9  }
0x27: {  	s1 =	sld [smem:$0x3FAD]  }
0x28: {  	s2 =	sld [smem:$0x3FAE]  }
0x29: {  	s4 =	sld [smem:$0x3FB0]  }
0x2a: {  	p0 =	seq.s32 s5, $0x0;
	s5 =	sld [smem:$0x3FB1]  }
0x2b: {  	s6 =	sld [smem:$0x3FB2]  }
0x2c: {  	s7 =	sld [smem:$0x3FB3]  }
0x2d: {  	s3 =	simm.s32 $0x108;
	s8 =	sld [smem:$0x3FB4]  }
0x2e: {  	s3 =	simm.s32 @!p0 $0x1082;
	s9 =	sld [smem:$0x3FB5]  }
0x2f: {  	lr =	sadd.s32 s0, s3;
	s0 =	sld [smem:$0x3FAC]  }
0x30: {  	s3 =	sld [smem:$0x3FAF]  }
0x31: {  	[smem:$0x3FB8] =	sst s10  }
0x32: {  	s10 =	sld [smem:$0x3FB6];
	_ =	sdelay $0x3  }
0x33: {  	p0 =	seq.s32 s10, $0x1;
	s10 =	sld [smem:$0x3FB8];
	_ =	sdelay $0x3  }
0x34: {  	[smem:$0x3FB8] =	sst s10  }
0x35: {  	s10 =	sld [smem:$0x3FB7];
	_ =	sdelay $0x3  }
0x36: {  	p1 =	seq.s32 s10, $0x1;
	s10 =	sld [smem:$0x3FB8];
	_ =	sdelay $0x3  }
0x37: {  	[smem:$0x3FB8] =	sst s10  }
0x38: {  	s10 =	sld [smem:$0x3FB9]  }
0x39: {  	_ = 	snop;
	(pc) =	sbr.ind lr, $3  }
0x3a: {  	_ = 	snop  }
0x3b: {  	_ = 	snop  }
0x3c: {  	p2 =	seq.s32 s10, $0x1;
	s10 =	sld [smem:$0x3FB8]  }
0x3d: {  	_ =	shalt  }
0x3e: {  	_ =	shalt  }
0x3f: {  	_ =	shalt  }
0x40: {  	_ =	shalt  }
0x41: {  	_ =	shalt  }
0x42: {  	_ =	shalt  }
0x43: {  	_ =	shalt  }
0x44: {  	_ =	shalt  }
0x45: {  	_ =	shalt  }
0x46: {  	_ =	shalt  }
0x47: {  	_ =	shalt  }
0x48: {  	_ =	shalt  }
0x49: {  	_ =	shalt  }
0x4a: {  	_ =	shalt  }
0x4b: {  	_ =	shalt  }
0x4c: {  	_ =	shalt  }
0x4d: {  	_ =	shalt  }
0x4e: {  	_ =	shalt  }
0x4f: {  	_ =	shalt  }
0x50: {  	_ =	shalt  }
0x51: {  	_ =	shalt  }
0x52: {  	_ =	shalt  }
0x53: {  	_ =	shalt  }
0x54: {  	_ =	shalt  }
0x55: {  	_ =	shalt  }
0x56: {  	_ =	shalt  }
0x57: {  	_ =	shalt  }
0x58: {  	_ =	shalt  }
0x59: {  	_ =	shalt  }
0x5a: {  	_ =	shalt  }
0x5b: {  	_ =	shalt  }
0x5c: {  	_ =	shalt  }
0x5d: {  	_ =	shalt  }
0x5e: {  	_ =	shalt  }
0x5f: {  	_ =	shalt  }
0x60: {  	_ =	shalt  }
0x61: {  	_ =	shalt  }
0x62: {  	_ =	shalt  }
0x63: {  	_ =	shalt  }
0x64: {  	_ =	shalt  }
0x65: {  	_ =	shalt  }
0x66: {  	_ =	shalt  }
0x67: {  	_ =	shalt  }
0x68: {  	_ =	shalt  }
0x69: {  	_ =	shalt  }
0x6a: {  	_ =	shalt  }
0x6b: {  	_ =	shalt  }
0x6c: {  	_ =	shalt  }
0x6d: {  	_ =	shalt  }
0x6e: {  	_ =	shalt  }
0x6f: {  	_ =	shalt  }
0x70: {  	_ =	shalt  }
0x71: {  	_ =	shalt  }
0x72: {  	_ =	shalt  }
0x73: {  	_ =	shalt  }
0x74: {  	_ =	shalt  }
0x75: {  	_ =	shalt  }
0x76: {  	_ =	shalt  }
0x77: {  	_ =	shalt  }
0x78: {  	_ =	shalt  }
0x79: {  	_ =	shalt  }
0x7a: {  	_ =	shalt  }
0x7b: {  	_ =	shalt  }
0x7c: {  	_ =	shalt  }
0x7d: {  	_ =	shalt  }
0x7e: {  	_ =	shalt  }
0x7f: {  	_ =	shalt  }
0x80: {  	_ =	shalt  }
0x81: {  	_ =	shalt  }
0x82: {  	_ =	shalt  }
0x83: {  	_ =	shalt  }
0x84: {  	_ =	shalt  }
0x85: {  	_ =	shalt  }
0x86: {  	_ =	shalt  }
0x87: {  	_ =	shalt  }
.Lfunc_end0:
.L_simem_size_0:
called_computation_lowered:
.L_overlay_start_0:
0x88: {  	s2 =	sld [smem:$0x3FD9]  }
0x89: {  	s3 =	sld [smem:$0x3FFE];
	_ =	sdelay $0x1  }
0x8a: {  	s1 =	srdreg.scid  }
0x8b: {  	s0 =	sand.u32 $0x1, s1  }
0x8c: {  	s17 =	sshll.u32 s0, $0xA;
	s2 =	sadd.s32 s3, s2  }
0x8d: {  	s2 =	sadd.s32 s2, s17  }
0x8e: {  	[smem:$0x3FC4] =	sst s2  }
0x8f: {  	_ = 	snop  }
0x90: {  	s2 =	sld [smem:$0x3FC9]  }
0x91: {  	s18 =	sld [smem:$0x3FC8]  }
0x92: {  	s4 =	sld [smem:$0x3FC7]  }
0x93: {  	s5 =	sld [smem:$0x3FC6];
	(tm) =	ssettm $0x1  }
0x94: {  	s6 =	sld [smem:$0x3FFB];
	_ =	sdelay $0x3  }
0x95: {  	_ =	strace s6  }
0x96: {  	s6 =	sld [smem:$0x3FFC];
	_ =	sdelay $0x3  }
0x97: {  	_ =	strace s6  }
0x98: {  	s6 =	sld [smem:$0x3FFD];
	_ =	sdelay $0x3  }
0x99: {  	_ =	strace s6  }
0x9a: {  	_ =	strace $0x8FFFFFFF  }
0x9b: {  	s19 =	sld [smem:$0x3FDB];
	_ =	sdelay $0x1  }
0x9c: {  	s7 =	simm.s32 $_scs_section_size  }
0x9d: {  	s8 =	simm.s32 $_size__tile_overlayer_lowered;
	s9 =	simm.s32 $_tile_overlayer_lowered  }
0x9e: {  	s22 =	simm.s32 $0x1BFF;
	s21 =	sshll.u32 s9, $0x1;
	s6 =	sadd.s32 s7, s19  }
0x9f: {  	s10 =	simm.s32 $0x0;
	s20 =	sshll.u32 s8, $0x1;
	s8 =	sadd.s32 s21, s6  }
0xa0: {  	[timem:s10], [sflag:s22] =	dma.local [hbm:s8], s20  }
0xa1: {  	_ =	swait.ge [sflag:s22], s20  }
0xa2: {  	s7 =	ssub.s32 $0x0, s20;
	[sflag:s22] =	ssyncset.done $0x0  }
0xa3: {  	[sflag:s22] =	ssyncadd.s32 s7;
	_ =	sdelay $0x1  }
0xa4: {  	s23 =	simm.s32 $0x1B8B  }
0xa5: {  	_ =	swait.ge [sflag:s23], $0x1  }
0xa6: {  	[sflag:s23] =	ssyncset.done $0x0  }
0xa7: {  	s25 =	simm.s32 $0x1B8E;
	s24 =	sld [smem:$0x3FFE];
	[sflag:s23] =	ssyncadd.s32 $0xFFFFFFFF  }
0xa8: {  	s26 =	simm.s32 $execute0_lowered;
	[smem:$0x3FD2] =	sst s25  }
0xa9: {  	s8 =	sshll.u32 s26, $0x1;
	_ =	strace $0x80000046;
	[dreg:$0x1] =	wrdreg $0xFFFFFFFF  }
0xaa: {  	s28 =	simm.s32 $_size_execute0_lowered;
	s6 =	sadd.s32 s6, s8;
	[dreg:$0x0] =	wrdreg $0x0  }
0xab: {  	s8 =	sshll.u32 s28, $0x1;
	[dreg:$0x2] =	wrdreg s6  }
0xac: {  	[dreg:$0x3] =	wrdreg s8  }
0xad: {  	[dreg:$0x4] =	wrdreg $0xC0  }
0xae: {  	_ =	task [dreg:s10], $0x5FFFF  }
0xaf: {  	[dreg:$0x1] =	wrdreg $0xFFFFFFFF  }
0xb0: {  	[dreg:$0x0] =	wrdreg $0x60  }
0xb1: {  	[dreg:$0x2] =	wrdreg s2  }
0xb2: {  	[dreg:$0x3] =	wrdreg s18  }
0xb3: {  	[dreg:$0x4] =	wrdreg s4  }
0xb4: {  	[dreg:$0x5] =	wrdreg s5  }
0xb5: {  	[dreg:$0x6] =	wrdreg s24  }
0xb6: {  	[dreg:$0x7] =	wrdreg $0x9  }
0xb7: {  	_ =	task.clear_ibuf [dreg:s10], $0x8FFFF;
	_ =	strace $0x90000046  }
0xb8: {  	s29 =	simm.s32 $0x9;
	_ =	strace $0x80000048  }
0xb9: {  	_ =	swait.ge [sflag:s29], $0x1  }
0xba: {  	[sflag:s29] =	ssyncadd.s32 $0xFFFFFFFF  }
0xbb: {  	_ =	strace $0x90000048  }
0xbc: {  	_ =	sfence  }
0xbd: {  	s30 =	sld [smem:$0x0];
	_ =	sdelay $0x2  }
0xbe: {  	s31 =	sshll.u32 s1, $0xD;
	s1 =	sshrl.u32 s1, $0x2  }
0xbf: {  	s3 =	sand.u32 $0x4000, s31;
	s1 =	sadd.s32 s1, s30  }
0xc0: {  	s0 =	sor.u32 s3, s0;
	s1 =	sshll.u32 s1, $0x11  }
0xc1: {  	s0 =	sor.u32 s1, s0  }
0xc2: {  	s0 =	sadd.s32 $0x8F2B, s0  }
0xc3: {  	[sflag:s0] =	ssyncadd.remote.s32 $0x1  }
0xc4: {  	_ =	sfence.sel $0xFFFF  }
0xc5: {  	[dreg:$0x0] =	wrdreg $0xFFFFFFFF;
	(pc) =	sbr.abs _section_cstart, $3  }
0xc6: {  	[dreg:$0x1] =	wrdreg $0xFFFFFFFF  }
0xc7: {  	_ =	task.clear_ibuf [dreg:s10], $0x2FFFF;
	_ =	strace $0x9FFFFFFF  }
0xc8: {  	(tm) =	ssettm $0x7FFFFFFF  }
0xc9: {  	_ =	shalt  }
tec
execute0_lowered:
.L_overlay_start_1:
0x0: {  	(tag) =	ssettag $0x1  }
0x1: {  	v1 =	vimm.s32 $0xFEDCBA9;
	v0 =	vlaneseq.u32  }
0x2: {  	v3 =	vimm.s32 $0x87654321;
	v4 =	vimm.s32 $0x10FEDCBA;
	v5 =	vimm.s32 $0x98765432  }
0x3: {  	v6 =	vimm.s32 $0x210FEDCB;
	v7 =	vimm.s32 $0xA9876543;
	v8 =	vimm.s32 $0x3210FEDC  }
0x4: {  	v15 =	vimm.s32 $0x6543210F;
	v16 =	vimm.s32 $0xEDCBA987;
	v17 =	vimm.s32 $0xFEDCBA98  }
0x5: {  	v18 =	vimm.s32 $0x76543210;
	v2 =	vunpack.c.l.s4.s8 v1;
	v3 =	vunpack.c.l.s4.s8 v3  }
0x6: {  	v4 =	vunpack.c.l.s4.s8 v4;
	v5 =	vunpack.c.l.s4.s8 v5;
	v6 =	vunpack.c.l.s4.s8 v6  }
0x7: {  	v7 =	vunpack.c.l.s4.s8 v7;
	v15 =	vunpack.c.l.s4.s8 v15;
	v16 =	vunpack.c.l.s4.s8 v16  }
0x8: {  	v17 =	vunpack.c.l.s4.s8 v17;
	v2 =	vunpack.c.0.s8.s32 v2;
	v3 =	vunpack.c.0.s8.s32 v3  }
0x9: {  	v4 =	vunpack.c.0.s8.s32 v4;
	v5 =	vunpack.c.0.s8.s32 v5;
	v6 =	vunpack.c.0.s8.s32 v6  }
0xa: {  	v9 =	vunpack.c.0.s8.s32 v7;
	v7 =	vunpack.c.l.s4.s8 v8;
	v8 =	vimm.s32 $0xBA987654  }
0xb: {  	v15 =	vunpack.c.0.s8.s32 v15;
	v16 =	vunpack.c.0.s8.s32 v16;
	v10 =	vcombine.low v3, v2  }
0xc: {  	v8 =	vunpack.c.l.s4.s8 v8;
	v11 =	vcombine.low v5, v4;
	v12 =	vcombine.low v9, v6  }
0xd: {  	v13 =	vunpack.c.0.s8.s32 v7;
	v7 =	vimm.s32 $0x43210FED;
	v2 =	vcombine.low v2, v3  }
0xe: {  	v3 =	vcombine.low v4, v5;
	v4 =	vcombine.low v6, v9;
	v14 =	vunpack.c.0.s8.s32 v8  }
0xf: {  	s0 =	rddreg [dreg:$0x0];
	v7 =	vunpack.c.l.s4.s8 v7;
	v8 =	vimm.s32 $0xCBA98765;
	v1 =	vand.u32 $0xF, v10  }
0x10: {  	s1 =	rddreg [dreg:$0x1];
	s5 =	simm.s32 $0x0;
	v10 =	vand.u32 $0xF, v11;
	v8 =	vunpack.c.l.s4.s8 v8;
	v21 =	vand.u32 $0xF, v12  }
0x11: {  	[smem:$0x7FF] =	sst s5;
	v50 =	vand.u32 $0xF, v2;
	[tilespmem:$0x1FF10] =	vst v10;
	v11 =	vunpack.c.0.s8.s32 v7;
	v7 =	vimm.s32 $0x543210FE  }
0x12: {  	s2 =	rddreg [dreg:$0x4];
	v51 =	vand.u32 $0xF, v4;
	v10 =	vcombine.low v14, v13;
	v7 =	vunpack.c.l.s4.s8 v7;
	_ =	strace $0x80000047;
	[tilespmem:$0x1FF20] =	vst v1  }
0x13: {  	v5 =	vcombine.low v13, v14;
	v12 =	vunpack.c.0.s8.s32 v8;
	v8 =	vimm.s32 $0xDCBA9876;
	[tilespmem:$0x1FF30] =	vst v21  }
0x14: {  	[tilespmem:$0x1FF90] =	vst v50;
	v8 =	vunpack.c.l.s4.s8 v8;
	v22 =	vand.u32 $0xF, v10;
	v19 =	vunpack.c.0.s8.s32 v7  }
0x15: {  	s3 =	srdreg.scid;
	s4 =	stileid.u32;
	[tilespmem:$0x1FFB0] =	vst v51;
	v7 =	vunpack.c.l.s4.s8 v18;
	v10 =	vcombine.low v12, v11;
	v18 =	vcombine.low v16, v15  }
0x16: {  	s20 =	simm.s32 $0x80;
	s21 =	simm.s32 $0x680;
	s22 =	simm.s32 $0x3;
	v52 =	vand.u32 $0xF, v5;
	v6 =	vcombine.low v11, v12;
	v16 =	vcombine.low v15, v16;
	[tilespmem:$0x1FF40] =	vst v22  }
0x17: {  	s23 =	simm.s32 $0x2;
	s24 =	simm.s32 $0x4680;
	s28 =	simm.s32 $0x8000;
	[tilespmem:$0x1FFC0] =	vst v52;
	v20 =	vunpack.c.0.s8.s32 v8;
	v8 =	vunpack.c.0.s8.s32 v17;
	v23 =	vand.u32 $0xF, v10  }
0x18: {  	s29 =	simm.s32 $0x4;
	v0 =	vmul.u32 $0x80, v0;
	s3 =	sand.u32 $0x1, s3;
	s4 =	sshll.u32 s4, $0x1;
	v7 =	vunpack.c.0.s8.s32 v7;
	v53 =	vand.u32 $0xF, v6;
	[tilespmem:$0x1FF50] =	vst v23  }
0x19: {  	s30 =	simm.s32 $0xA680;
	s7 =	sadd.s32 $0x400, s2;
	s4 =	sor.u32 s3, s4;
	v55 =	vand.u32 $0xF, v16;
	v17 =	vcombine.low v20, v19;
	v8 =	vand.u32 $0xF, v8;
	[tilespmem:$0x1FFD0] =	vst v53  }
0x1a: {  	s13 =	sadd.s32 $0x8400, s2;
	s3 =	ssub.s32 $0x2, s3;
	s25 =	sshll.u32 s4, $0x4;
	v2 =	vcombine.low v19, v20;
	[tilespmem:$0x1FFF0] =	vst v55;
	v10 =	vmovc v0;
	v0 =	vcombine.low v8, v7;
	v8 =	vand.u32 $0xF, v18  }
0x1b: {  	s6 =	sshrl.u32 s3, $0x1;
	s8 =	sshll.u32 s4, $0x7;
	s26 =	sadd.s32 s0, s25;
	[tilespmem:$0x1FF80] =	vst v8  }
0x1c: {  	s3 =	ssub.s32 s3, s6;
	s11 =	sor.u32 $0x2000, s8;
	s12 =	sor.u32 $0x3000, s8;
	v7 =	vand.u32 $0xF, v17;
	v54 =	vand.u32 $0xF, v2;
	[tilespmem:$0x1FF60] =	vst v0  }
0x1d: {  	s25 =	simm.s32 $0x8680;
	s4 =	sadd.s32 $0x200, s26;
	[dreg:$0x6] =	wrdreg s26;
	v15 =	vmov v7;
	[tilespmem:$0x1FFE0] =	vst v54  }
0x1e: {  	s31 =	smax.u32 s3, $0x1;
	v9 =	vlaneseq.u32;
	s3 =	simm.s32 $0x0;
	[dreg:$0x7] =	wrdreg s4;
	v7 =	vand.u32 $0xF, v3;
	[tilespmem:$0x1FF70] =	vst v15  }
0x1f: {  	[dreg:$0x8] =	wrdreg s31;
	s26 =	simm.s32 $0x400;
	s4 =	simm.s32 $0x6;
	v11 =	vmovc v21;
	v12 =	vmovc v22;
	v13 =	vmov v23;
	v16 =	vmov v8;
	v14 =	vmov v0;
	[tilespmem:$0x1FFA0] =	vst v7  }
.LBB2_1:
0x20: {  	[dreg:$0x9] =	wrdreg s3  }
0x21: {  	s2 =	rddreg [dreg:$0x2];
	s14 =	simm.s32 $0x0;
	s5 =	simm.s32 $0x7  }
0x22: {  	[tilespmem:s14], [sflag:$0x7] =	stream.linear.gather [hbm4b:s2+s14], $0x40, $0x38;
	[tilespmem:$0xC680] =	vst v63  }
0x23: {  	_ =	swait.ge [sflag:s5], $0x40  }
0x24: {  	[sflag:s5] =	ssyncset.done $0x0  }
0x25: {  	[sflag:s5] =	ssyncadd.s32 $0xFFFFFFC0  }
0x26: {  	s6 =	simm.s32 $0x40;
	s15 =	rddreg [dreg:$0x3]  }
0x27: {  	[tilespmem:s6], [sflag:$0x7] =	stream.linear.gather [hbm4b:s15+s14], $0x40, $0x38;
	[tilespmem:$0xC680] =	vst v63  }
0x28: {  	_ =	swait.ge [sflag:s5], $0x40  }
0x29: {  	[sflag:s5] =	ssyncset.done $0x0  }
0x2a: {  	s17 =	simm.s32 $0x580;
	s16 =	rddreg [dreg:$0x6];
	[sflag:s5] =	ssyncadd.s32 $0xFFFFFFC0  }
0x2b: {  	[tilespmem:s17], [sflag:$0x1] =	stream.linear.gather [hbm4b:s16+s14], $0x80, $0x38;
	[tilespmem:$0xC680] =	vst v63  }
0x2c: {  	s19 =	simm.s32 $0x600;
	s31 =	simm.s32 $0x1;
	s18 =	rddreg [dreg:$0x7]  }
0x2d: {  	[tilespmem:s19], [sflag:$0x2] =	stream.linear.gather [hbm4b:s18+s14], $0x80, $0x38;
	[tilespmem:$0xC680] =	vst v63  }
0x2e: {  	_ =	swait.ge [sflag:s31], $0x80  }
0x2f: {  	[sflag:s31] =	ssyncset.done $0x0  }
0x30: {  	s2 =	simm.s32 $0x0;
	[sflag:s31] =	ssyncadd.s32 $0xFFFFFF80  }
0x31: {  	[tilespmem:s21], [sflag:$0x3] =	stream.indirect.gather [hbm4b:s1+s20], $0x80, s17, s20, $0xb8;
	[tilespmem:$0xC680] =	vst v63  }
.LBB2_2:
0x32: {  	p0 =	seq.s32 s2, $0x63  }
0x33: {  	s3 =	sshll.u32 @!p0 s2, $0xD  }
0x34: {  	_ =	swait.ge [sflag:s22], $0x4000;
	s14 =	simm.s32 $0x0;
	s5 =	sadd.s32 @!p0 s11, s3  }
0x35: {  	[sflag:s22] =	ssyncset.done $0x0;
	s6 =	simm.s32 @!p0 $0x0;
	s5 =	sshrl.u32 @!p0 s5, $0x3  }
0x36: {  	s9 =	simm.s32 @!p0 $0x580;
	[sflag:s22] =	ssyncadd.s32 $0xFFFFC000;
	s5 =	sadd.s32 @!p0 s0, s5  }
0x37: {  	[tilespmem:s9], [sflag:$0x1] =	stream.linear.gather @!p0 [hbm4b:s5+s6], $0x80, $0x38;
	[tilespmem:$0xC680] =	vst v63  }
0x38: {  	s17 =	simm.s32 $0x0;
	s18 =	simm.s32 $0x600;
	v2 =	vmov s14;
	_ =	swait.ge [sflag:s23], $0x80  }
0x39: {  	p1 =	seq.s32 s2, $0x0;
	s15 =	sand.u32 $0x20, s17;
	v2 =	vshll.u32 v2, $0x7;
	[sflag:s23] =	ssyncset.done $0x0  }
0x3a: {  	s16 =	sor.u32 $0x10, s15;
	v2 =	vor.u32 v10, v2;
	s9 =	simm.s32 @!p1 $0x5;
	[sflag:s23] =	ssyncadd.s32 $0xFFFFFF80  }
0x3b: {  	v3 =	vor.u32 s16, v2;
	[tilespmem:s24], [sflag:$0x4] =	stream.indirect.gather [hbm4b:s1+s20], $0x80, s18, s20, $0xb8;
	[tilespmem:$0xC680] =	vst v63  }
0x3c: {  	v4 =	vor.u32 v9, v3;
	_ =	swait.ge @!p1 [sflag:s9], $0x2000  }
0x3d: {  	v5 =	vor.u32 v1, v3;
	v0 =	vld [tilespmem:$0x1FF10]  }
0x3e: {  	v17 =	vor.u32 v11, v3  }
0x3f: {  	v19 =	vor.u32 v12, v3;
	[sflag:s9] =	ssyncset.done @!p1 $0x0  }
0x40: {  	v22 =	vor.u32 v13, v3;
	[sflag:s9] =	ssyncadd.s32 @!p1 $0xFFFFE000  }
0x41: {  	v25 =	vor.u32 v15, v3;
	v4 =	vld.idx.msk [tilespmem:v4+s21+$0x0], $0xffff  }
0x42: {  	v2 =	vor.u32 s15, v2;
	v5 =	vld.idx.msk [tilespmem:v5+s21+$0x0], $0xffff;
	v6 =	vor.u32 v0, v3  }
0x43: {  	v18 =	vor.u32 v9, v2;
	v20 =	vor.u32 v1, v2;
	v28 =	vor.u32 v16, v3;
	v17 =	vld.idx.msk [tilespmem:v17+s21+$0x0], $0xffff  }
0x44: {  	v23 =	vor.u32 v11, v2;
	v24 =	vor.u32 v12, v2;
	v31 =	vor.u32 v14, v3;
	v19 =	vld.idx.msk [tilespmem:v19+s21+$0x0], $0xffff  }
0x45: {  	v26 =	vor.u32 v13, v2;
	v27 =	vor.u32 v15, v2;
	v34 =	vor.u32 v50, v3;
	v22 =	vld.idx.msk [tilespmem:v22+s21+$0x0], $0xffff  }
0x46: {  	v29 =	vor.u32 v16, v2;
	v30 =	vor.u32 v14, v2;
	v37 =	vor.u32 v7, v3;
	v25 =	vld.idx.msk [tilespmem:v25+s21+$0x0], $0xffff  }
0x47: {  	v32 =	vor.u32 v50, v2;
	v33 =	vor.u32 v7, v2;
	v40 =	vor.u32 v51, v3;
	v6 =	vld.idx.msk [tilespmem:v6+s21+$0x0], $0xffff  }
0x48: {  	v35 =	vor.u32 v51, v2;
	v36 =	vor.u32 v52, v2;
	v43 =	vor.u32 v52, v3;
	v28 =	vld.idx.msk [tilespmem:v28+s21+$0x0], $0xffff  }
0x49: {  	v38 =	vor.u32 v53, v2;
	v44 =	vor.u32 v53, v3;
	v47 =	vor.u32 v54, v3;
	v31 =	vld.idx.msk [tilespmem:v31+s21+$0x0], $0xffff  }
0x4a: {  	v34 =	vld.idx.msk [tilespmem:v34+s21+$0x0], $0xffff;
	v42 =	vadd.f32 $0.0e+00, v5;
	v5 =	vmul.f32 v5, v5;
	v46 =	vmul.f32 v17, v17  }
0x4b: {  	v37 =	vld.idx.msk [tilespmem:v37+s21+$0x0], $0xffff;
	v3 =	vor.u32 v55, v3;
	v41 =	vadd.f32 $0.0e+00, v4;
	v4 =	vmul.f32 v4, v4  }
0x4c: {  	v40 =	vld.idx.msk [tilespmem:v40+s21+$0x0], $0xffff;
	v59 =	vmul.f32 v22, v22;
	v5 =	vadd.f32 v46, v5;
	v45 =	vmul.f32 v6, v6  }
0x4d: {  	v60 =	vld.idx.msk [tilespmem:v43+s21+$0x0], $0xffff;
	v58 =	vmul.f32 v19, v19;
	v17 =	vadd.f32 v17, v42;
	v6 =	vadd.f32 v6, v41  }
0x4e: {  	v20 =	vld.idx.msk [tilespmem:v20+s21+$0x0], $0xffff;
	v61 =	vmul.f32 v28, v28;
	v5 =	vadd.f32 v59, v5;
	v4 =	vadd.f32 v45, v4  }
0x4f: {  	v62 =	vld.idx.msk [tilespmem:v44+s21+$0x0], $0xffff;
	v21 =	vor.u32 v0, v2;
	v22 =	vadd.f32 v22, v17;
	v6 =	vadd.f32 v19, v6  }
0x50: {  	v17 =	vld.idx.msk [tilespmem:v3+s21+$0x0], $0xffff;
	v5 =	vadd.f32 v61, v5;
	v19 =	vmul.f32 v25, v25;
	v4 =	vadd.f32 v58, v4  }
0x51: {  	v3 =	vld.idx.msk [tilespmem:v18+s21+$0x0], $0xffff;
	v18 =	vadd.f32 v28, v22;
	v22 =	vmul.f32 v37, v37;
	v6 =	vadd.f32 v25, v6  }
0x52: {  	v63 =	vld.idx.msk [tilespmem:v47+s21+$0x0], $0xffff;
	v25 =	vmul.f32 v31, v31;
	v4 =	vadd.f32 v19, v4;
	v19 =	vmul.f32 v34, v34  }
0x53: {  	v28 =	vmul.f32 v20, v20;
	v20 =	vadd.f32 $0.0e+00, v20;
	v18 =	vadd.f32 v34, v18  }
0x54: {  	v4 =	vadd.f32 v25, v4;
	v5 =	vadd.f32 v19, v5;
	v19 =	vmul.f32 v40, v40  }
0x55: {  	v23 =	vld.idx.msk [tilespmem:v23+s21+$0x0], $0xffff;
	v18 =	vadd.f32 v40, v18;
	v6 =	vadd.f32 v31, v6;
	v25 =	vmul.f32 v60, v60  }
0x56: {  	v21 =	vld.idx.msk [tilespmem:v21+s21+$0x0], $0xffff;
	v4 =	vadd.f32 v22, v4;
	v5 =	vadd.f32 v19, v5;
	v19 =	vmul.f32 v62, v62  }
0x57: {  	v18 =	vadd.f32 v62, v18;
	v6 =	vadd.f32 v37, v6;
	v22 =	vld.idx.msk [tilespmem:v24+s21+$0x0], $0xffff;
	v24 =	vmul.f32 v63, v63  }
0x58: {  	v26 =	vld.idx.msk [tilespmem:v26+s21+$0x0], $0xffff;
	v4 =	vadd.f32 v25, v4;
	v5 =	vadd.f32 v19, v5;
	v19 =	vmul.f32 v17, v17  }
0x59: {  	v39 =	vor.u32 v54, v2;
	v27 =	vld.idx.msk [tilespmem:v27+s21+$0x0], $0xffff;
	v6 =	vadd.f32 v60, v6;
	v25 =	vadd.f32 $0.0e+00, v3  }
0x5a: {  	v29 =	vld.idx.msk [tilespmem:v29+s21+$0x0], $0xffff;
	v3 =	vmul.f32 v3, v3;
	v4 =	vadd.f32 v24, v4;
	v5 =	vadd.f32 v19, v5  }
0x5b: {  	v30 =	vld.idx.msk [tilespmem:v30+s21+$0x0], $0xffff;
	v31 =	vadd.f32 v21, v25;
	v21 =	vmul.f32 v21, v21;
	v24 =	vmul.f32 v23, v23  }
0x5c: {  	v32 =	vld.idx.msk [tilespmem:v32+s21+$0x0], $0xffff;
	v19 =	vadd.f32 v63, v6;
	v6 =	vor.u32 v55, v2;
	v2 =	vadd.f32 v23, v20  }
0x5d: {  	s19 =	simm.s32 $0x0;
	v25 =	vld.idx.msk [tilespmem:v33+s21+$0x0], $0xffff;
	v4 =	vadd.f32 v5, v4;
	v3 =	vadd.f32 v21, v3  }
0x5e: {  	s10 =	sor.u32 s19, s16;
	v5 =	vmul.f32 v22, v22;
	v20 =	vadd.f32 v24, v28;
	v21 =	vmul.f32 v26, v26;
	v24 =	vld.idx.msk [tilespmem:v35+s21+$0x0], $0xffff  }
0x5f: {  	v2 =	vadd.f32 v26, v2;
	v26 =	vmul.f32 v27, v27;
	[tilespmem:s10+$0x380] =	vst v4;
	v4 =	vadd.f32 v22, v31  }
0x60: {  	v23 =	vld.idx.msk [tilespmem:v36+s21+$0x0], $0xffff;
	v3 =	vadd.f32 v5, v3;
	v5 =	vadd.f32 v21, v20;
	v20 =	vmul.f32 v29, v29  }
0x61: {  	v22 =	vld.idx.msk [tilespmem:v38+s21+$0x0], $0xffff;
	v29 =	vadd.f32 v29, v2;
	v2 =	vmul.f32 v30, v30;
	v28 =	vadd.f32 v27, v4  }
0x62: {  	s31 =	simm.s32 $0x0;
	s14 =	simm.s32 $0x3A0;
	s19 =	sor.u32 s15, s19;
	v21 =	vld.idx.msk [tilespmem:v39+s21+$0x0], $0xffff;
	v4 =	vadd.f32 v26, v3;
	v5 =	vadd.f32 v20, v5;
	v26 =	vmul.f32 v32, v32  }
0x63: {  	s16 =	sshll.u32 s2, $0x10;
	s6 =	simm.s32 $0x0;
	s9 =	simm.s32 $0x1A0;
	v27 =	vld.idx.msk [tilespmem:v6+s21+$0x0], $0xffff;
	v3 =	vmul.f32 v25, v25;
	v20 =	vadd.f32 v30, v28;
	v28 =	vadd.f32 v32, v29  }
.LBB2_3:
0x64: {  	s31 =	sadd.s32 $0x2, s31;
	v2 =	vadd.f32 v2, v4;
	v4 =	vadd.f32 v26, v5;
	v5 =	vmul.f32 v24, v24  }
0x65: {  	s15 =	sshrl.u32 s31, $0x2;
	v6 =	vadd.f32 v25, v20;
	v20 =	vadd.f32 v24, v28;
	v24 =	vmul.f32 v23, v23  }
0x66: {  	s5 =	sshll.u32 s15, $0x4;
	v2 =	vadd.f32 v3, v2;
	v3 =	vadd.f32 v5, v4;
	v4 =	vmul.f32 v22, v22  }
0x67: {  	s6 =	sadd.s32 $0x20, s6;
	p1 =	slt.u32 s31, $0x1E;
	v5 =	vmov s5;
	v6 =	vadd.f32 v23, v6;
	v28 =	vadd.f32 v22, v20  }
0x68: {  	s5 =	sand.u32 $0x20, s6;
	v5 =	vshll.u32 v5, $0x7;
	v2 =	vadd.f32 v24, v2;
	v3 =	vadd.f32 v4, v3  }
0x69: {  	v29 =	vmul.f32 v27, v27;
	s18 =	sor.u32 $0x10, s5;
	v4 =	vor.u32 v10, v5;
	v5 =	vmul.f32 v21, v21  }
0x6a: {  	v6 =	vadd.f32 v21, v6;
	v20 =	vor.u32 s5, v4;
	v4 =	vor.u32 s18, v4  }
0x6b: {  	v30 =	vor.u32 v9, v20;
	v31 =	vor.u32 v1, v20;
	v21 =	vor.u32 v9, v4  }
0x6c: {  	v32 =	vor.u32 v0, v20;
	v33 =	vor.u32 v11, v20;
	v34 =	vor.u32 v1, v4  }
0x6d: {  	v35 =	vor.u32 v12, v20;
	v36 =	vor.u32 v13, v20;
	v37 =	vor.u32 v0, v4  }
0x6e: {  	v38 =	vor.u32 v15, v20;
	v39 =	vor.u32 v16, v20;
	v40 =	vor.u32 v11, v4  }
0x6f: {  	v41 =	vor.u32 v14, v20;
	v26 =	vor.u32 v50, v20;
	v42 =	vor.u32 v12, v4  }
0x70: {  	v25 =	vor.u32 v7, v20;
	v24 =	vor.u32 v51, v20;
	v44 =	vor.u32 v13, v4;
	v43 =	vld.idx.msk [tilespmem:v21+s21+$0x0], $0xffff  }
0x71: {  	v23 =	vor.u32 v52, v20;
	v22 =	vor.u32 v53, v20;
	v45 =	vor.u32 v15, v4;
	v34 =	vld.idx.msk [tilespmem:v34+s21+$0x0], $0xffff  }
0x72: {  	v46 =	vor.u32 v16, v4;
	v21 =	vor.u32 v54, v20;
	v20 =	vor.u32 v55, v20;
	v37 =	vld.idx.msk [tilespmem:v37+s21+$0x0], $0xffff  }
0x73: {  	v27 =	vadd.f32 v27, v28;
	v47 =	vor.u32 v14, v4;
	v2 =	vadd.f32 v5, v2;
	v40 =	vld.idx.msk [tilespmem:v40+s21+$0x0], $0xffff  }
0x74: {  	v17 =	vadd.f32 v17, v18;
	v3 =	vadd.f32 v29, v3;
	v28 =	vor.u32 v50, v4;
	v5 =	vld.idx.msk [tilespmem:v42+s21+$0x0], $0xffff  }
0x75: {  	v29 =	vor.u32 v7, v4;
	v6 =	vadd.f32 v27, v6;
	v18 =	vld.idx.msk [tilespmem:v44+s21+$0x0], $0xffff  }
0x76: {  	v2 =	vadd.f32 v3, v2;
	v27 =	vadd.f32 $0.0e+00, v43;
	v44 =	vor.u32 v51, v4;
	v42 =	vld.idx.msk [tilespmem:v45+s21+$0x0], $0xffff  }
0x77: {  	v3 =	vadd.f32 $0.0e+00, v34;
	v45 =	vld.idx.msk [tilespmem:v46+s21+$0x0], $0xffff;
	v46 =	vor.u32 v52, v4;
	[tilespmem:s19+$0x180] =	vst v6;
	v6 =	vadd.f32 v17, v19  }
0x78: {  	v17 =	vmul.f32 v43, v43;
	v19 =	vmul.f32 v34, v34;
	v43 =	vor.u32 v53, v4;
	v34 =	vld.idx.msk [tilespmem:v47+s21+$0x0], $0xffff  }
0x79: {  	v49 =	vor.u32 v54, v4;
	v47 =	vmul.f32 v37, v37;
	v48 =	vmul.f32 v40, v40;
	v28 =	vld.idx.msk [tilespmem:v28+s21+$0x0], $0xffff  }
0x7a: {  	v27 =	vadd.f32 v37, v27;
	v4 =	vor.u32 v55, v4;
	v37 =	vmul.f32 v5, v5;
	v29 =	vld.idx.msk [tilespmem:v29+s21+$0x0], $0xffff  }
0x7b: {  	v17 =	vadd.f32 v47, v17;
	v19 =	vadd.f32 v48, v19;
	v47 =	vmul.f32 v18, v18;
	v44 =	vld.idx.msk [tilespmem:v44+s21+$0x0], $0xffff  }
0x7c: {  	v3 =	vadd.f32 v40, v3;
	v5 =	vadd.f32 v5, v27;
	v27 =	vmul.f32 v42, v42;
	v40 =	vld.idx.msk [tilespmem:v46+s21+$0x0], $0xffff  }
0x7d: {  	v17 =	vadd.f32 v37, v17;
	v19 =	vadd.f32 v47, v19;
	v37 =	vmul.f32 v45, v45;
	v43 =	vld.idx.msk [tilespmem:v43+s21+$0x0], $0xffff  }
0x7e: {  	v3 =	vadd.f32 v18, v3;
	v5 =	vadd.f32 v42, v5;
	v18 =	vmul.f32 v34, v34;
	v42 =	vld.idx.msk [tilespmem:v49+s21+$0x0], $0xffff  }
0x7f: {  	v27 =	vadd.f32 v27, v17;
	v19 =	vadd.f32 v37, v19;
	v37 =	vmul.f32 v28, v28;
	v17 =	vld.idx.msk [tilespmem:v4+s21+$0x0], $0xffff  }
0x80: {  	v3 =	vadd.f32 v45, v3;
	v5 =	vadd.f32 v34, v5;
	v4 =	vld.idx.msk [tilespmem:v30+s21+$0x0], $0xffff;
	v30 =	vmul.f32 v29, v29  }
0x81: {  	v18 =	vadd.f32 v18, v27;
	v19 =	vadd.f32 v37, v19;
	v27 =	vmul.f32 v44, v44;
	v31 =	vld.idx.msk [tilespmem:v31+s21+$0x0], $0xffff  }
0x82: {  	v3 =	vadd.f32 v28, v3;
	v5 =	vadd.f32 v29, v5;
	v28 =	vmul.f32 v40, v40;
	v32 =	vld.idx.msk [tilespmem:v32+s21+$0x0], $0xffff  }
0x83: {  	v18 =	vadd.f32 v30, v18;
	v19 =	vadd.f32 v27, v19;
	v27 =	vmul.f32 v43, v43;
	v29 =	vld.idx.msk [tilespmem:v33+s21+$0x0], $0xffff  }
0x84: {  	v3 =	vadd.f32 v44, v3;
	v5 =	vadd.f32 v40, v5;
	v33 =	vmul.f32 v42, v42;
	v30 =	vld.idx.msk [tilespmem:v35+s21+$0x0], $0xffff  }
0x85: {  	v28 =	vadd.f32 v28, v18;
	v19 =	vadd.f32 v27, v19;
	v27 =	vmul.f32 v17, v17;
	v34 =	vld.idx.msk [tilespmem:v36+s21+$0x0], $0xffff  }
0x86: {  	v18 =	vadd.f32 v43, v3;
	v35 =	vadd.f32 $0.0e+00, v4;
	v4 =	vmul.f32 v4, v4;
	v36 =	vld.idx.msk [tilespmem:v38+s21+$0x0], $0xffff;
	[tilespmem:s19+$0x380] =	vst v2  }
0x87: {  	v2 =	vmul.f32 v31, v31;
	v28 =	vadd.f32 v33, v28;
	v27 =	vadd.f32 v27, v19;
	v3 =	vld.idx.msk [tilespmem:v39+s21+$0x0], $0xffff  }
0x88: {  	v31 =	vadd.f32 $0.0e+00, v31;
	v33 =	vadd.f32 v32, v35;
	v32 =	vmul.f32 v32, v32;
	v35 =	vld.idx.msk [tilespmem:v41+s21+$0x0], $0xffff;
	[tilespmem:s10+$0x180] =	vst v6  }
0x89: {  	v19 =	vadd.f32 v42, v5;
	v6 =	vmul.f32 v29, v29;
	s10 =	sshll.u32 s15, $0x6;
	v5 =	vadd.f32 v27, v28;
	v37 =	vld.idx.msk [tilespmem:v26+s21+$0x0], $0xffff  }
0x8a: {  	v26 =	vadd.f32 v29, v31;
	v4 =	vadd.f32 v32, v4;
	v27 =	vmul.f32 v30, v30;
	s19 =	sor.u32 s5, s10;
	s10 =	sor.u32 s10, s18;
	v25 =	vld.idx.msk [tilespmem:v25+s21+$0x0], $0xffff  }
0x8b: {  	v2 =	vadd.f32 v6, v2;
	v6 =	vmul.f32 v34, v34;
	v24 =	vld.idx.msk [tilespmem:v24+s21+$0x0], $0xffff;
	[tilespmem:s10+$0x380] =	vst v5  }
.Ltmp0:
0x8c: {  	v5 =	vadd.f32 v30, v33;
	v26 =	vadd.f32 v34, v26;
	v28 =	vmul.f32 v36, v36;
	v23 =	vld.idx.msk [tilespmem:v23+s21+$0x0], $0xffff;
	(pc) =	sbr.rel @p1 .LBB2_3-.Ltmp0, $4  }
0x8d: {  	v4 =	vadd.f32 v27, v4;
	v6 =	vadd.f32 v6, v2;
	v27 =	vmul.f32 v3, v3;
	v22 =	vld.idx.msk [tilespmem:v22+s21+$0x0], $0xffff  }
0x8e: {  	v29 =	vadd.f32 v36, v5;
	v3 =	vadd.f32 v3, v26;
	v2 =	vmul.f32 v35, v35;
	v21 =	vld.idx.msk [tilespmem:v21+s21+$0x0], $0xffff  }
0x8f: {  	v4 =	vadd.f32 v28, v4;
	v5 =	vadd.f32 v27, v6;
	v26 =	vmul.f32 v37, v37;
	v27 =	vld.idx.msk [tilespmem:v20+s21+$0x0], $0xffff  }
0x90: {  	v20 =	vadd.f32 v35, v29;
	v28 =	vadd.f32 v37, v3;
	v3 =	vmul.f32 v25, v25  }
0x91: {  	v2 =	vadd.f32 v2, v4;
	v4 =	vadd.f32 v26, v5;
	v5 =	vmul.f32 v24, v24  }
0x92: {  	v6 =	vadd.f32 v25, v20;
	v20 =	vadd.f32 v24, v28;
	v24 =	vmul.f32 v23, v23  }
0x93: {  	v2 =	vadd.f32 v3, v2;
	v3 =	vadd.f32 v5, v4;
	v4 =	vmul.f32 v22, v22  }
0x94: {  	v5 =	vadd.f32 v23, v6;
	v6 =	vadd.f32 v22, v20;
	v20 =	vmul.f32 v27, v27  }
0x95: {  	v2 =	vadd.f32 v24, v2;
	v3 =	vadd.f32 v4, v3;
	v4 =	vmul.f32 v21, v21  }
0x96: {  	v5 =	vadd.f32 v21, v5;
	v6 =	vadd.f32 v27, v6  }
0x97: {  	v2 =	vadd.f32 v4, v2;
	v3 =	vadd.f32 v20, v3  }
0x98: {  	v4 =	vadd.f32 v17, v18;
	v5 =	vadd.f32 v6, v5  }
0x99: {  	v2 =	vadd.f32 v3, v2  }
0x9a: {  	v3 =	vadd.f32 v4, v19;
	[tilespmem:s19+$0x180] =	vst v5  }
0x9b: {  	[tilespmem:s19+$0x380] =	vst v2  }
0x9c: {  	[tilespmem:s10+$0x180] =	vst v3  }
0x9d: {  	v2 =	vld [tilespmem:s14+$0xFFFFFFE0]  }
0x9e: {  	v3 =	vld [tilespmem:s14+$0xFFFFFFF0]  }
0x9f: {  	v4 =	vld [tilespmem:s9+$0xFFFFFFE0]  }
0xa0: {  	v5 =	vld [tilespmem:s9+$0xFFFFFFF0]  }
0xa1: {  	v6 =	vld [tilespmem:s9+$0x0]  }
0xa2: {  	v17 =	vld [tilespmem:s9+$0x10]  }
0xa3: {  	v18 =	vld [tilespmem:s14+$0x0]  }
0xa4: {  	v19 =	vld [tilespmem:s14+$0x10]  }
0xa5: {  	s5 =	simm.s32 $0x3E0  }
0xa6: {  	v20 =	vld [tilespmem:s5+$0xFFFFFFE0]  }
0xa7: {  	v22 =	vld [tilespmem:s5+$0x10];
	v4 =	vadd.f32 v5, v4;
	v5 =	vadd.f32 v17, v6  }
0xa8: {  	s6 =	simm.s32 $0x1E0;
	v6 =	vld [tilespmem:s5+$0xFFFFFFF0];
	v2 =	vadd.f32 v3, v2  }
0xa9: {  	v3 =	vld [tilespmem:s6+$0xFFFFFFE0];
	v4 =	vadd.f32 v5, v4;
	v5 =	vadd.f32 v19, v18  }
0xaa: {  	v18 =	vld [tilespmem:s6+$0xFFFFFFF0]  }
0xab: {  	v19 =	vld [tilespmem:s6+$0x0];
	v2 =	vadd.f32 v5, v2;
	v17 =	vmul.f32 $1.562500000e-02, v4  }
0xac: {  	v4 =	vld [tilespmem:s6+$0x10]  }
0xad: {  	v5 =	vld [tilespmem:s5+$0x0];
	v2 =	vmul.f32 $1.562500000e-02, v2;
	v21 =	vmul.f32 v17, v17;
	_ =	sdelay $0x1  }
0xae: {  	s18 =	simm.s32 $0x220;
	v2 =	vsub.f32 v2, v21  }
0xaf: {  	s15 =	simm.s32 $0x420;
	v23 =	vld [tilespmem:s18+$0x0];
	v3 =	vadd.f32 v18, v3  }
0xb0: {  	v24 =	vld [tilespmem:s15+$0x0];
	v4 =	vadd.f32 v4, v19;
	v2 =	vadd.f32 $9.999999960e-13, v2  }
0xb1: {  	v6 =	vadd.f32 v6, v20;
	v20 =	vld [tilespmem:s18+$0xFFFFFFE0];
	v5 =	vadd.f32 v22, v5  }
0xb2: {  	v21 =	vld [tilespmem:s15+$0xFFFFFFE0];
	v3 =	vadd.f32 v4, v3;
	v4 =	vmul.f32 $5.000000000e-01, v2;
	v2 =	vshrl.u32 v2, $0x1  }
0xb3: {  	v22 =	vld [tilespmem:s18+$0xFFFFFFF0];
	v5 =	vadd.f32 v5, v6;
	v2 =	vsub.s32 $0x5F3759DF, v2  }
0xb4: {  	v18 =	vmul.f32 $1.562500000e-02, v3;
	v3 =	vld [tilespmem:s18+$0x10];
	v6 =	vmul.f32 v2, v4  }
0xb5: {  	v19 =	vld [tilespmem:s15+$0xFFFFFFF0];
	v5 =	vmul.f32 $1.562500000e-02, v5  }
0xb6: {  	v26 =	vld [tilespmem:s15+$0x10];
	v25 =	vmul.f32 v18, v18;
	v6 =	vmul.f32 v2, v6;
	_ =	sdelay $0x1  }
0xb7: {  	s19 =	simm.s32 $0x460;
	v5 =	vsub.f32 v5, v25;
	v6 =	vsub.f32 $1.500000000e+00, v6  }
0xb8: {  	v28 =	vld [tilespmem:s19+$0x0];
	v20 =	vadd.f32 v22, v20;
	v3 =	vadd.f32 v3, v23  }
0xb9: {  	s31 =	simm.s32 $0x260;
	v22 =	vld [tilespmem:s19+$0xFFFFFFE0];
	v19 =	vadd.f32 v19, v21;
	v5 =	vadd.f32 $9.999999960e-13, v5;
	v2 =	vmul.f32 v2, v6  }
0xba: {  	v21 =	vadd.f32 v26, v24;
	v24 =	vld [tilespmem:s31+$0xFFFFFFF0];
	v3 =	vadd.f32 v3, v20  }
0xbb: {  	v26 =	vld [tilespmem:s31+$0x0];
	v20 =	vmul.f32 $5.000000000e-01, v5;
	v5 =	vshrl.u32 v5, $0x1;
	v25 =	vmul.f32 v2, v4  }
0xbc: {  	v21 =	vadd.f32 v21, v19;
	v6 =	vld [tilespmem:s31+$0xFFFFFFE0];
	v19 =	vmul.f32 $1.562500000e-02, v3;
	v3 =	vsub.s32 $0x5F3759DF, v5  }
0xbd: {  	v5 =	vld [tilespmem:s31+$0x10];
	v27 =	vmul.f32 v3, v20;
	v25 =	vmul.f32 v25, v2  }
0xbe: {  	v23 =	vld [tilespmem:s19+$0xFFFFFFF0];
	v21 =	vmul.f32 $1.562500000e-02, v21;
	v29 =	vmul.f32 v19, v19  }
0xbf: {  	v30 =	vld [tilespmem:s19+$0x10];
	v27 =	vmul.f32 v3, v27;
	v25 =	vsub.f32 $1.500000000e+00, v25  }
0xc0: {  	v29 =	vsub.f32 v21, v29  }
0xc1: {  	s14 =	simm.s32 $0x4A0;
	v6 =	vadd.f32 v24, v6;
	v24 =	vsub.f32 $1.500000000e+00, v27;
	v21 =	vmul.f32 v25, v2  }
0xc2: {  	v32 =	vld [tilespmem:s14+$0xFFFFFFE0];
	v2 =	vadd.f32 v5, v26;
	v5 =	vadd.f32 $9.999999960e-13, v29  }
0xc3: {  	v33 =	vld [tilespmem:s14+$0xFFFFFFF0];
	s15 =	simm.s32 $0x2A0;
	v23 =	vadd.f32 v23, v22;
	v24 =	vmul.f32 v3, v24;
	v3 =	vmul.f32 v21, v4  }
0xc4: {  	v27 =	vld [tilespmem:s15+$0xFFFFFFE0];
	v4 =	vadd.f32 v2, v6;
	v6 =	vadd.f32 v30, v28;
	v22 =	vmul.f32 $5.000000000e-01, v5  }
0xc5: {  	v2 =	vld [tilespmem:s15+$0xFFFFFFF0];
	v5 =	vshrl.u32 v5, $0x1;
	v26 =	vmul.f32 v24, v20;
	v28 =	vmul.f32 v3, v21  }
0xc6: {  	v29 =	vld [tilespmem:s15+$0x0];
	v25 =	vsub.s32 $0x5F3759DF, v5;
	v6 =	vadd.f32 v6, v23;
	v23 =	vmul.f32 $1.562500000e-02, v4  }
0xc7: {  	s10 =	simm.s32 $0x40;
	s9 =	simm.s32 $0x100;
	v30 =	vld [tilespmem:s15+$0x10];
	v31 =	vmul.f32 v25, v22;
	v3 =	vmul.f32 v26, v24;
	v26 =	vsub.f32 $1.500000000e+00, v28  }
0xc8: {  	s5 =	simm.s32 $0x80;
	s6 =	simm.s32 $0xC0;
	s18 =	simm.s32 $0x140;
	v4 =	vld [tilespmem:s14+$0x0];
	v28 =	vadd.f32 v33, v32;
	v5 =	vmul.f32 $1.562500000e-02, v6;
	v32 =	vmul.f32 v23, v23  }
.LBB2_5:
0xc9: {  	p1 =	sne.s32 s18, $0x1C0;
	v6 =	vld [tilespmem:s14+$0x10];
	v31 =	vmul.f32 v25, v31;
	v3 =	vsub.f32 $1.500000000e+00, v3;
	v26 =	vmul.f32 v26, v21  }
0xca: {  	v2 =	vadd.f32 v2, v27;
	v5 =	vsub.f32 v5, v32  }
0xcb: {  	s14 =	sadd.s32 $0x40, s14;
	v27 =	vsub.f32 $1.500000000e+00, v31;
	v21 =	vmul.f32 v3, v24;
	v3 =	vmul.f32 v26, v17;
	v17 =	vmovc v18;
	v18 =	vmovc v19  }
0xcc: {  	v19 =	vmov v23;
	v32 =	vld [tilespmem:s14+$0xFFFFFFE0];
	v29 =	vadd.f32 v30, v29;
	v5 =	vadd.f32 $9.999999960e-13, v5  }
0xcd: {  	s15 =	sadd.s32 $0x40, s15;
	v33 =	vld [tilespmem:s14+$0xFFFFFFF0];
	v24 =	vmul.f32 v25, v27;
	v23 =	vmul.f32 v21, v20;
	v3 =	vsub.f32 $0.0e+00, v3;
	v20 =	vmovc v22  }
.Ltmp1:
0xce: {  	s19 =	sshra.s32 s17, $0x2;
	s17 =	smov.u32 s10;
	v27 =	vld [tilespmem:s15+$0xFFFFFFE0];
	v25 =	vadd.f32 v29, v2;
	v4 =	vadd.f32 v6, v4;
	v22 =	vmul.f32 $5.000000000e-01, v5;
	(pc) =	sbr.rel @p1 .LBB2_5-.Ltmp1, $4  }
0xcf: {  	s10 =	smov.u32 s5;
	s5 =	smov.u32 s6;
	s6 =	smov.u32 s9;
	v5 =	vshrl.u32 v5, $0x1;
	v2 =	vld [tilespmem:s15+$0xFFFFFFF0];
	v6 =	vmul.f32 v24, v20;
	v34 =	vmul.f32 v23, v21;
	[tilespmem:s19+$0x100] =	vst v3  }
0xd0: {  	s9 =	smov.u32 s18;
	v29 =	vld [tilespmem:s15+$0x0];
	v35 =	vadd.f32 v4, v28;
	v23 =	vmul.f32 $1.562500000e-02, v25;
	v25 =	vsub.s32 $0x5F3759DF, v5;
	[tilespmem:s19+$0x80] =	vst v26  }
0xd1: {  	v30 =	vld [tilespmem:s15+$0x10];
	v31 =	vmul.f32 v25, v22;
	v3 =	vmul.f32 v6, v24;
	v26 =	vsub.f32 $1.500000000e+00, v34  }
0xd2: {  	s18 =	sadd.s32 $0x40, s18;
	v28 =	vadd.f32 v33, v32;
	v4 =	vld [tilespmem:s14+$0x0];
	v5 =	vmul.f32 $1.562500000e-02, v35;
	v32 =	vmul.f32 v23, v23  }
0xd3: {  	v6 =	vld [tilespmem:s14+$0x10];
	_ =	sdelay $0x2  }
0xd4: {  	v2 =	vadd.f32 v2, v27;
	v27 =	vadd.f32 v30, v29;
	_ =	sdelay $0x1  }
0xd5: {  	v2 =	vadd.f32 v27, v2;
	v4 =	vadd.f32 v6, v4;
	_ =	sdelay $0x1  }
0xd6: {  	v4 =	vadd.f32 v4, v28;
	v2 =	vmul.f32 $1.562500000e-02, v2;
	_ =	sdelay $0x1  }
0xd7: {  	v5 =	vsub.f32 v5, v32;
	v4 =	vmul.f32 $1.562500000e-02, v4;
	v6 =	vmul.f32 v2, v2;
	_ =	sdelay $0x1  }
0xd8: {  	v5 =	vadd.f32 $9.999999960e-13, v5;
	v4 =	vsub.f32 v4, v6;
	_ =	sdelay $0x1  }
0xd9: {  	v6 =	vmul.f32 $5.000000000e-01, v5;
	v5 =	vshrl.u32 v5, $0x1;
	v4 =	vadd.f32 $9.999999960e-13, v4  }
0xda: {  	v27 =	vmul.f32 v25, v31;
	v5 =	vsub.s32 $0x5F3759DF, v5  }
0xdb: {  	v28 =	vmul.f32 v5, v6;
	v29 =	vmul.f32 $5.000000000e-01, v4;
	v4 =	vshrl.u32 v4, $0x1  }
0xdc: {  	v27 =	vsub.f32 $1.500000000e+00, v27;
	v4 =	vsub.s32 $0x5F3759DF, v4  }
0xdd: {  	v28 =	vmul.f32 v5, v28;
	v30 =	vmul.f32 v4, v29  }
0xde: {  	v25 =	vmul.f32 v25, v27  }
0xdf: {  	v27 =	vsub.f32 $1.500000000e+00, v28;
	v28 =	vmul.f32 v4, v30  }
0xe0: {  	v30 =	vmul.f32 v25, v22  }
0xe1: {  	v5 =	vmul.f32 v5, v27;
	v27 =	vsub.f32 $1.500000000e+00, v28  }
0xe2: {  	v3 =	vsub.f32 $1.500000000e+00, v3;
	v28 =	vmul.f32 v30, v25  }
0xe3: {  	v30 =	vmul.f32 v5, v6;
	v4 =	vmul.f32 v4, v27  }
0xe4: {  	v3 =	vmul.f32 v3, v24;
	v24 =	vsub.f32 $1.500000000e+00, v28  }
0xe5: {  	v27 =	vmul.f32 v30, v5;
	v28 =	vmul.f32 v4, v29  }
0xe6: {  	v20 =	vmul.f32 v3, v20;
	v24 =	vmul.f32 v24, v25  }
0xe7: {  	v25 =	vsub.f32 $1.500000000e+00, v27;
	v27 =	vmul.f32 v28, v4  }
0xe8: {  	v20 =	vmul.f32 v20, v3;
	v22 =	vmul.f32 v24, v22  }
0xe9: {  	v5 =	vmul.f32 v25, v5;
	v25 =	vsub.f32 $1.500000000e+00, v27  }
0xea: {  	v21 =	vmul.f32 v26, v21;
	v20 =	vsub.f32 $1.500000000e+00, v20;
	v22 =	vmul.f32 v22, v24  }
0xeb: {  	v6 =	vmul.f32 v5, v6;
	v4 =	vmul.f32 v25, v4  }
0xec: {  	v17 =	vmul.f32 v21, v17;
	v3 =	vmul.f32 v20, v3  }
0xed: {  	v20 =	vsub.f32 $1.500000000e+00, v22;
	v6 =	vmul.f32 v6, v5;
	v22 =	vmul.f32 v4, v29  }
0xee: {  	v17 =	vsub.f32 $0.0e+00, v17  }
0xef: {  	s31 =	sshra.s32 s17, $0x2;
	v18 =	vmul.f32 v3, v18;
	v6 =	vsub.f32 $1.500000000e+00, v6;
	v22 =	vmul.f32 v22, v4  }
0xf0: {  	[tilespmem:s31+$0x80] =	vst v21;
	v20 =	vmul.f32 v20, v24  }
0xf1: {  	s10 =	sshra.s32 s10, $0x2;
	[tilespmem:s31+$0x100] =	vst v17;
	v18 =	vsub.f32 $0.0e+00, v18;
	v5 =	vmul.f32 v6, v5;
	v6 =	vsub.f32 $1.500000000e+00, v22  }
0xf2: {  	[tilespmem:s10+$0x80] =	vst v3;
	v17 =	vmul.f32 v20, v19  }
0xf3: {  	s5 =	sshra.s32 s5, $0x2;
	[tilespmem:s10+$0x100] =	vst v18;
	v18 =	vmul.f32 v5, v23;
	v4 =	vmul.f32 v6, v4  }
0xf4: {  	s15 =	sshra.s32 s6, $0x2;
	[tilespmem:s5+$0x80] =	vst v20;
	v17 =	vsub.f32 $0.0e+00, v17  }
0xf5: {  	[tilespmem:s15+$0x80] =	vst v5;
	v3 =	vsub.f32 $0.0e+00, v18;
	v2 =	vmul.f32 v4, v2  }
0xf6: {  	[tilespmem:s5+$0x100] =	vst v17  }
0xf7: {  	s17 =	sshra.s32 s9, $0x2;
	[tilespmem:s15+$0x100] =	vst v3;
	v2 =	vsub.f32 $0.0e+00, v2  }
0xf8: {  	[tilespmem:s17+$0x80] =	vst v4  }
0xf9: {  	[tilespmem:s17+$0x100] =	vst v2  }
0xfa: {  	v32 =	vld [tilespmem:$0x80]  }
0xfb: {  	v33 =	vld [tilespmem:$0x90]  }
0xfc: {  	v34 =	vld [tilespmem:$0xA0]  }
0xfd: {  	s17 =	simm.s32 $0x0;
	v35 =	vld [tilespmem:$0xB0]  }
0xfe: {  	v26 =	vor.u32 $0x20, v9;
	v21 =	vor.u32 $0x2800, v10;
	s18 =	sand.u32 $0xE, s17;
	v36 =	vld [tilespmem:$0xC0]  }
0xff: {  	v31 =	vor.u32 $0x1000, v10;
	v30 =	vor.u32 $0x70, v9;
	v28 =	vor.u32 $0x40, v9;
	v37 =	vld [tilespmem:$0xD0];
	s5 =	sor.u32 $0x1, s18  }
0x100: {  	v27 =	vor.u32 $0x30, v9;
	v25 =	vor.u32 $0x10, v9;
	v38 =	vld [tilespmem:$0xE0];
	v3 =	vadd.s32 s5, v9  }
0x101: {  	v24 =	vand.u32 $0x7, v9;
	v29 =	vor.u32 $0x800, v10;
	s19 =	sand.u32 $0x30, s17;
	v39 =	vld [tilespmem:$0xF0];
	v4 =	vand.u32 $0xF, v3  }
0x102: {  	v19 =	vor.u32 $0x1800, v10;
	v20 =	vor.u32 $0x2000, v10;
	v40 =	vld [tilespmem:$0x100];
	v5 =	vor.u32 s19, v4  }
0x103: {  	v22 =	vor.u32 $0x3000, v10;
	v23 =	vor.u32 $0x3800, v10;
	v41 =	vld [tilespmem:$0x110];
	v6 =	vor.u32 v10, v5  }
0x104: {  	v18 =	vor.u32 $0x50, v9;
	v17 =	vor.u32 $0x60, v9;
	v42 =	vld [tilespmem:$0x120];
	v44 =	vor.u32 v29, v5  }
0x105: {  	v7 =	vadd.s32 s18, v9;
	v48 =	vld [tilespmem:s19+$0x40];
	v3 =	vshll.u32 v3, $0x7;
	v45 =	vor.u32 v31, v5  }
0x106: {  	v52 =	vld [tilespmem:s19+$0x0];
	v47 =	vand.u32 $0x380, v3;
	v51 =	vor.u32 v25, v3;
	v46 =	vor.u32 v19, v5  }
0x107: {  	v43 =	vld [tilespmem:$0x130];
	v53 =	vor.u32 v26, v3;
	v55 =	vor.u32 v27, v3;
	v49 =	vor.u32 v20, v5  }
0x108: {  	v56 =	vor.u32 v28, v3;
	v57 =	vor.u32 v18, v3;
	v50 =	vor.u32 v21, v5;
	v6 =	vld.idx.msk [tilespmem:v6+s21+$0x0], $0xffff  }
0x109: {  	v59 =	vshrl.u32 v4, $0x3;
	v54 =	vor.u32 v22, v5;
	v5 =	vor.u32 v23, v5;
	v58 =	vld.idx.msk [tilespmem:v44+s21+$0x0], $0xffff  }
0x10a: {  	s31 =	simm.s32 $0x0;
	v51 =	vand.u32 $0x398, v51;
	v57 =	vand.u32 $0x3D8, v57;
	v61 =	vperm.xlane v48, v4;
	v60 =	vld.idx.msk [tilespmem:v45+s21+$0x0], $0xffff  }
0x10b: {  	s6 =	sand.u32 $0x6, s31;
	v4 =	vperm.xlane v52, v4;
	v44 =	vor.u32 v17, v3;
	v45 =	vand.u32 $0x3A8, v53;
	v46 =	vld.idx.msk [tilespmem:v46+s21+$0x0], $0xffff  }
0x10c: {  	v53 =	vand.u32 $0x3B8, v55;
	v55 =	vand.u32 $0x3C8, v56;
	v56 =	vor.u32 s6, v59;
	v49 =	vld.idx.msk [tilespmem:v49+s21+$0x0], $0xffff  }
0x10d: {  	v3 =	vor.u32 v30, v3;
	v50 =	vld.idx.msk [tilespmem:v50+s21+$0x0], $0xffff;
	v59 =	vand.u32 $0x3E8, v44;
	v56 =	vshll.u32 v56, $0xA  }
0x10e: {  	v54 =	vld.idx.msk [tilespmem:v54+s21+$0x0], $0xffff;
	v3 =	vand.u32 $0x3F8, v3;
	v47 =	vor.u32 v56, v47;
	v56 =	vor.u32 v24, v56  }
0x10f: {  	v5 =	vld.idx.msk [tilespmem:v5+s21+$0x0], $0xffff;
	v62 =	vor.u32 v9, v47;
	v51 =	vor.u32 v51, v56;
	v63 =	vor.u32 v45, v56  }
0x110: {  	v44 =	vld [tilespmem:$0x140];
	v53 =	vor.u32 v53, v56;
	v55 =	vor.u32 v55, v56;
	v57 =	vor.u32 v57, v56  }
0x111: {  	v45 =	vld [tilespmem:$0x150];
	v2 =	vor.u32 v59, v56;
	v6 =	vmul.f32 v6, v32;
	v58 =	vmul.f32 v58, v33  }
0x112: {  	v8 =	vor.u32 v3, v56;
	v47 =	vld [tilespmem:$0x170];
	[tilespmem:$0x1FEE0] =	vst v2;
	v60 =	vmul.f32 v60, v34;
	v2 =	vmul.f32 v46, v35  }
0x113: {  	v46 =	vld [tilespmem:$0x160];
	v49 =	vmul.f32 v49, v36;
	v50 =	vmul.f32 v50, v37;
	v6 =	vadd.f32 v6, v40  }
0x114: {  	v54 =	vmul.f32 v54, v38;
	v56 =	vadd.f32 v58, v41;
	v60 =	vadd.f32 v60, v42  }
0x115: {  	v5 =	vmul.f32 v5, v39;
	v2 =	vadd.f32 v2, v43;
	v49 =	vadd.f32 v49, v44  }
0x116: {  	v50 =	vadd.f32 v50, v45;
	v6 =	vmul.f32 v6, v4;
	v56 =	vmul.f32 v56, v4  }
0x117: {  	v5 =	vadd.f32 v5, v47;
	v58 =	vmul.f32 v60, v4;
	v3 =	vmul.f32 v2, v4  }
0x118: {  	v49 =	vmul.f32 v49, v4;
	v54 =	vadd.f32 v54, v46;
	v6 =	vadd.f32 v6, v61  }
0x119: {  	v50 =	vmul.f32 v50, v4;
	v56 =	vadd.f32 v56, v61;
	v58 =	vadd.f32 v58, v61  }
0x11a: {  	v60 =	vand.u32 $0xF, v7;
	v3 =	vadd.f32 v3, v61;
	v49 =	vadd.f32 v49, v61  }
0x11b: {  	v2 =	vor.u32 s19, v60;
	v50 =	vadd.f32 v50, v61;
	[tilespmem:v62+s25+$0x0] =	vst.idx.msk $0xffff, v6;
	v62 =	vmul.f32 v54, v4  }
0x11c: {  	v4 =	vmul.f32 v5, v4;
	v54 =	vor.u32 v10, v2;
	[tilespmem:v51+s25+$0x0] =	vst.idx.msk $0xffff, v56  }
0x11d: {  	v51 =	vor.u32 v29, v2;
	v56 =	vor.u32 v19, v2;
	[tilespmem:v63+s25+$0x0] =	vst.idx.msk $0xffff, v58  }
0x11e: {  	v59 =	vadd.f32 v62, v61;
	v62 =	vadd.f32 v4, v61;
	[tilespmem:v53+s25+$0x0] =	vst.idx.msk $0xffff, v3  }
0x11f: {  	v58 =	vor.u32 v20, v2;
	v3 =	vor.u32 v22, v2;
	[tilespmem:v55+s25+$0x0] =	vst.idx.msk $0xffff, v49  }
0x120: {  	v61 =	vor.u32 v21, v2;
	v55 =	vor.u32 v31, v2;
	v2 =	vor.u32 v23, v2;
	[tilespmem:$0x1FEF0] =	vst v3  }
0x121: {  	[tilespmem:$0x1FF00] =	vst v2  }
0x122: {  	[tilespmem:v57+s25+$0x0] =	vst.idx.msk $0xffff, v50  }
0x123: {  	v5 =	vshll.u32 v7, $0x7;
	v7 =	vld [tilespmem:$0x1FEE0];
	_ =	sdelay $0x1  }
0x124: {  	v6 =	vshrl.u32 v60, $0x3  }
0x125: {  	v6 =	vor.u32 s6, v6  }
0x126: {  	v48 =	vperm.xlane v48, v60;
	v6 =	vshll.u32 v6, $0xA;
	v63 =	vor.u32 v27, v5  }
0x127: {  	v4 =	vor.u32 v17, v5;
	v53 =	vand.u32 $0x380, v5;
	v49 =	vperm.xlane v52, v60;
	v54 =	vld.idx.msk [tilespmem:v54+s21+$0x0], $0xffff  }
0x128: {  	v52 =	vor.u32 v25, v5;
	v60 =	vor.u32 v26, v5;
	v53 =	vor.u32 v6, v53;
	v51 =	vld.idx.msk [tilespmem:v51+s21+$0x0], $0xffff  }
0x129: {  	v2 =	vor.u32 v28, v5;
	v3 =	vor.u32 v18, v5;
	v5 =	vor.u32 v30, v5  }
0x12a: {  	v50 =	vor.u32 v24, v6;
	v6 =	vand.u32 $0x3A8, v60;
	v57 =	vld.idx.msk [tilespmem:v55+s21+$0x0], $0xffff;
	[tilespmem:v7+s25+$0x0] =	vst.idx.msk $0xffff, v59  }
0x12b: {  	v55 =	vand.u32 $0x398, v52;
	v52 =	vor.u32 v9, v53;
	v53 =	vand.u32 $0x3F8, v5;
	v5 =	vld.idx.msk [tilespmem:v61+s21+$0x0], $0xffff;
	[tilespmem:v8+s25+$0x0] =	vst.idx.msk $0xffff, v62  }
0x12c: {  	v2 =	vand.u32 $0x3C8, v2;
	v61 =	vmul.f32 v54, v32;
	v54 =	vor.u32 v6, v50;
	v6 =	vld [tilespmem:$0x1FEF0]  }
0x12d: {  	v62 =	vmul.f32 v51, v33;
	v51 =	vor.u32 v2, v50;
	v2 =	vld [tilespmem:$0x1FF00];
	_ =	sdelay $0x1  }
0x12e: {  	v60 =	vld.idx.msk [tilespmem:v58+s21+$0x0], $0xffff;
	_ =	sdelay $0x2  }
0x12f: {  	v59 =	vld.idx.msk [tilespmem:v56+s21+$0x0], $0xffff  }
0x130: {  	v4 =	vand.u32 $0x3E8, v4;
	v3 =	vand.u32 $0x3D8, v3  }
0x131: {  	v58 =	vor.u32 v55, v50;
	v60 =	vmul.f32 v60, v36;
	v61 =	vadd.f32 v61, v40;
	v6 =	vld.idx.msk [tilespmem:v6+s21+$0x0], $0xffff  }
0x132: {  	v56 =	vand.u32 $0x3B8, v63;
	v63 =	vmul.f32 v57, v34;
	v57 =	vor.u32 v4, v50;
	v2 =	vld.idx.msk [tilespmem:v2+s21+$0x0], $0xffff  }
0x133: {  	v55 =	vor.u32 v56, v50;
	v56 =	vor.u32 v3, v50;
	v3 =	vadd.f32 v62, v41  }
0x134: {  	v4 =	vmul.f32 v61, v49;
	v61 =	vadd.f32 v63, v42;
	v59 =	vmul.f32 v59, v35  }
0x135: {  	v5 =	vmul.f32 v5, v37;
	v60 =	vadd.f32 v60, v44;
	v62 =	vmul.f32 v3, v49  }
0x136: {  	v3 =	vadd.f32 v59, v43;
	v59 =	vmul.f32 v61, v49;
	v6 =	vmul.f32 v6, v38  }
0x137: {  	v61 =	vadd.f32 v5, v45;
	v5 =	vmul.f32 v60, v49;
	v2 =	vmul.f32 v2, v39  }
0x138: {  	v63 =	vmul.f32 v3, v49;
	v3 =	vadd.f32 v4, v48;
	v6 =	vadd.f32 v6, v46  }
0x139: {  	v4 =	vadd.f32 v62, v48;
	v60 =	vmul.f32 v61, v49;
	v61 =	vadd.f32 v2, v47  }
0x13a: {  	v59 =	vadd.f32 v59, v48;
	v2 =	vadd.f32 v63, v48;
	v62 =	vmul.f32 v6, v49  }
.LBB2_7:
0x13b: {  	s17 =	sadd.s32 $0x2, s17;
	v5 =	vadd.f32 v5, v48;
	v6 =	vadd.f32 v60, v48;
	v60 =	vmul.f32 v61, v49  }
0x13c: {  	s5 =	sand.u32 $0xE, s17;
	p1 =	slt.u32 s17, $0x3E;
	v61 =	vadd.f32 v62, v48;
	[tilespmem:v52+s25+$0x0] =	vst.idx.msk $0xffff, v3;
	v3 =	vor.u32 v53, v50  }
0x13d: {  	v49 =	vadd.s32 s5, v9;
	s5 =	sor.u32 $0x1, s5;
	v48 =	vadd.f32 v60, v48;
	[tilespmem:v58+s25+$0x0] =	vst.idx.msk $0xffff, v4  }
0x13e: {  	v4 =	vadd.s32 s5, v9;
	[tilespmem:v54+s25+$0x0] =	vst.idx.msk $0xffff, v59  }
0x13f: {  	s5 =	sand.u32 $0x30, s17;
	v50 =	vand.u32 $0xF, v4;
	[tilespmem:v55+s25+$0x0] =	vst.idx.msk $0xffff, v2  }
0x140: {  	v2 =	vor.u32 s5, v50;
	[tilespmem:v51+s25+$0x0] =	vst.idx.msk $0xffff, v5  }
0x141: {  	v5 =	vor.u32 v10, v2;
	[tilespmem:v56+s25+$0x0] =	vst.idx.msk $0xffff, v6  }
0x142: {  	v6 =	vor.u32 v29, v2;
	[tilespmem:v57+s25+$0x0] =	vst.idx.msk $0xffff, v61  }
0x143: {  	v51 =	vor.u32 v31, v2;
	[tilespmem:v3+s25+$0x0] =	vst.idx.msk $0xffff, v48  }
0x144: {  	v3 =	vshll.u32 v4, $0x7;
	v4 =	vor.u32 v19, v2;
	v48 =	vld [tilespmem:s5+$0x40]  }
0x145: {  	v54 =	vor.u32 v20, v2;
	v53 =	vand.u32 $0x380, v3;
	v52 =	vld [tilespmem:s5+$0x0]  }
0x146: {  	v55 =	vor.u32 v21, v2;
	v56 =	vor.u32 v25, v3;
	v57 =	vor.u32 v26, v3;
	v5 =	vld.idx.msk [tilespmem:v5+s21+$0x0], $0xffff  }
0x147: {  	v58 =	vor.u32 v22, v2;
	v59 =	vor.u32 v27, v3;
	v60 =	vor.u32 v28, v3;
	v6 =	vld.idx.msk [tilespmem:v6+s21+$0x0], $0xffff  }
0x148: {  	v2 =	vor.u32 v23, v2;
	v61 =	vor.u32 v18, v3;
	v62 =	vor.u32 v17, v3;
	v51 =	vld.idx.msk [tilespmem:v51+s21+$0x0], $0xffff  }
0x149: {  	s6 =	sshrl.u32 s17, $0x3;
	v63 =	vshrl.u32 v50, $0x3;
	v3 =	vor.u32 v30, v3;
	v56 =	vand.u32 $0x398, v56;
	v4 =	vld.idx.msk [tilespmem:v4+s21+$0x0], $0xffff  }
0x14a: {  	s6 =	sand.u32 $0x6, s6;
	v57 =	vand.u32 $0x3A8, v57;
	v59 =	vand.u32 $0x3B8, v59;
	v60 =	vand.u32 $0x3C8, v60;
	v54 =	vld.idx.msk [tilespmem:v54+s21+$0x0], $0xffff  }
0x14b: {  	v63 =	vor.u32 s6, v63;
	v61 =	vand.u32 $0x3D8, v61;
	v62 =	vand.u32 $0x3E8, v62;
	v55 =	vld.idx.msk [tilespmem:v55+s21+$0x0], $0xffff  }
0x14c: {  	v63 =	vshll.u32 v63, $0xA;
	v3 =	vand.u32 $0x3F8, v3;
	v7 =	vperm.xlane v48, v50;
	v58 =	vld.idx.msk [tilespmem:v58+s21+$0x0], $0xffff  }
0x14d: {  	v53 =	vor.u32 v63, v53;
	v63 =	vor.u32 v24, v63;
	v50 =	vperm.xlane v52, v50;
	v2 =	vld.idx.msk [tilespmem:v2+s21+$0x0], $0xffff  }
0x14e: {  	v53 =	vor.u32 v9, v53;
	v56 =	vor.u32 v56, v63;
	v57 =	vor.u32 v57, v63  }
0x14f: {  	v59 =	vor.u32 v59, v63;
	v60 =	vor.u32 v60, v63;
	v61 =	vor.u32 v61, v63  }
0x150: {  	v62 =	vor.u32 v62, v63;
	v5 =	vmul.f32 v5, v32;
	v6 =	vmul.f32 v6, v33  }
0x151: {  	v3 =	vor.u32 v3, v63;
	v51 =	vmul.f32 v51, v34;
	v4 =	vmul.f32 v4, v35  }
0x152: {  	v5 =	vadd.f32 v5, v40;
	v54 =	vmul.f32 v54, v36;
	v55 =	vmul.f32 v55, v37  }
0x153: {  	v6 =	vadd.f32 v6, v41;
	v58 =	vmul.f32 v58, v38;
	v2 =	vmul.f32 v2, v39  }
0x154: {  	v5 =	vmul.f32 v5, v50;
	v51 =	vadd.f32 v51, v42;
	v4 =	vadd.f32 v4, v43  }
0x155: {  	v6 =	vmul.f32 v6, v50;
	v54 =	vadd.f32 v54, v44;
	v55 =	vadd.f32 v55, v45  }
0x156: {  	v5 =	vadd.f32 v5, v7;
	v51 =	vmul.f32 v51, v50;
	v58 =	vadd.f32 v58, v46  }
0x157: {  	v6 =	vadd.f32 v6, v7;
	v4 =	vmul.f32 v4, v50;
	v2 =	vadd.f32 v2, v47  }
0x158: {  	v63 =	vand.u32 $0xF, v49;
	v51 =	vadd.f32 v51, v7;
	v54 =	vmul.f32 v54, v50;
	[tilespmem:v53+s25+$0x0] =	vst.idx.msk $0xffff, v5  }
0x159: {  	v4 =	vadd.f32 v4, v7;
	v5 =	vor.u32 s5, v63;
	v53 =	vmul.f32 v55, v50;
	[tilespmem:v56+s25+$0x0] =	vst.idx.msk $0xffff, v6  }
0x15a: {  	v54 =	vadd.f32 v54, v7;
	v55 =	vmul.f32 v58, v50;
	v6 =	vshrl.u32 v63, $0x3;
	[tilespmem:v57+s25+$0x0] =	vst.idx.msk $0xffff, v51  }
0x15b: {  	v2 =	vmul.f32 v2, v50;
	v6 =	vor.u32 s6, v6;
	v51 =	vadd.f32 v53, v7;
	[tilespmem:v59+s25+$0x0] =	vst.idx.msk $0xffff, v4  }
0x15c: {  	v50 =	vor.u32 v10, v5;
	v4 =	vshll.u32 v49, $0x7;
	v49 =	vadd.f32 v55, v7;
	[tilespmem:v60+s25+$0x0] =	vst.idx.msk $0xffff, v54  }
0x15d: {  	v2 =	vadd.f32 v2, v7;
	v53 =	vor.u32 v29, v5;
	v6 =	vshll.u32 v6, $0xA;
	[tilespmem:v61+s25+$0x0] =	vst.idx.msk $0xffff, v51  }
0x15e: {  	v7 =	vand.u32 $0x380, v4;
	v54 =	vor.u32 v19, v5;
	v51 =	vor.u32 v31, v5;
	[tilespmem:v62+s25+$0x0] =	vst.idx.msk $0xffff, v49  }
0x15f: {  	v56 =	vor.u32 v21, v5;
	v55 =	vor.u32 v20, v5;
	[tilespmem:v3+s25+$0x0] =	vst.idx.msk $0xffff, v2  }
0x160: {  	v49 =	vperm.xlane v52, v63;
	v2 =	vor.u32 v22, v5;
	v3 =	vor.u32 v23, v5  }
0x161: {  	v48 =	vperm.xlane v48, v63;
	v52 =	vor.u32 v26, v4;
	v5 =	vld.idx.msk [tilespmem:v50+s21+$0x0], $0xffff;
	v50 =	vor.u32 v25, v4  }
0x162: {  	v58 =	vor.u32 v28, v4;
	v59 =	vor.u32 v18, v4;
	v57 =	vld.idx.msk [tilespmem:v53+s21+$0x0], $0xffff;
	v53 =	vor.u32 v27, v4  }
0x163: {  	v7 =	vor.u32 v6, v7;
	v60 =	vld.idx.msk [tilespmem:v51+s21+$0x0], $0xffff;
	v51 =	vor.u32 v17, v4;
	v4 =	vor.u32 v30, v4  }
0x164: {  	v61 =	vld.idx.msk [tilespmem:v54+s21+$0x0], $0xffff;
	v54 =	vand.u32 $0x398, v50;
	v50 =	vor.u32 v24, v6;
	v6 =	vand.u32 $0x3A8, v52  }
0x165: {  	v59 =	vand.u32 $0x3D8, v59;
	v63 =	vand.u32 $0x3C8, v58;
	v62 =	vld.idx.msk [tilespmem:v55+s21+$0x0], $0xffff;
	v55 =	vand.u32 $0x3B8, v53  }
0x166: {  	v52 =	vor.u32 v9, v7;
	v7 =	vand.u32 $0x3E8, v51;
	v53 =	vand.u32 $0x3F8, v4;
	v8 =	vld.idx.msk [tilespmem:v56+s21+$0x0], $0xffff  }
0x167: {  	v58 =	vor.u32 v54, v50;
	v54 =	vor.u32 v6, v50;
	v4 =	vmul.f32 v5, v32;
	v2 =	vld.idx.msk [tilespmem:v2+s21+$0x0], $0xffff  }
0x168: {  	v51 =	vor.u32 v63, v50;
	v55 =	vor.u32 v55, v50;
	v5 =	vmul.f32 v57, v33;
	v3 =	vld.idx.msk [tilespmem:v3+s21+$0x0], $0xffff  }
0x169: {  	v56 =	vor.u32 v59, v50;
	v4 =	vadd.f32 v4, v40;
	v6 =	vmul.f32 v60, v34  }
0x16a: {  	v57 =	vor.u32 v7, v50;
	v5 =	vadd.f32 v5, v41;
	v59 =	vmul.f32 v61, v35  }
0x16b: {  	v4 =	vmul.f32 v4, v49;
	v6 =	vadd.f32 v6, v42;
	v7 =	vmul.f32 v62, v36  }
0x16c: {  	v60 =	vmul.f32 v5, v49;
	v5 =	vadd.f32 v59, v43;
	v8 =	vmul.f32 v8, v37  }
.Ltmp2:
0x16d: {  	v6 =	vmul.f32 v6, v49;
	v7 =	vadd.f32 v7, v44;
	v2 =	vmul.f32 v2, v38;
	(pc) =	sbr.rel @p1 .LBB2_7-.Ltmp2, $4  }
0x16e: {  	v62 =	vmul.f32 v5, v49;
	v8 =	vadd.f32 v8, v45;
	v59 =	vmul.f32 v3, v39  }
0x16f: {  	v3 =	vadd.f32 v4, v48;
	v5 =	vmul.f32 v7, v49;
	v7 =	vadd.f32 v2, v46  }
0x170: {  	v4 =	vadd.f32 v60, v48;
	v60 =	vmul.f32 v8, v49;
	v61 =	vadd.f32 v59, v47  }
0x171: {  	v59 =	vadd.f32 v6, v48;
	v2 =	vadd.f32 v62, v48;
	v62 =	vmul.f32 v7, v49  }
0x172: {  	[tilespmem:$0x1FE70] =	vst v23  }
0x173: {  	[tilespmem:$0x1FE80] =	vst v22  }
0x174: {  	[tilespmem:$0x1FE90] =	vst v21  }
0x175: {  	[tilespmem:$0x1FEA0] =	vst v20  }
0x176: {  	[tilespmem:$0x1FEB0] =	vst v19  }
0x177: {  	[tilespmem:$0x1FEC0] =	vst v18  }
0x178: {  	[tilespmem:$0x1FED0] =	vst v17  }
0x179: {  	[tilespmem:v52+s25+$0x0] =	vst.idx.msk $0xffff, v3  }
0x17a: {  	[tilespmem:v58+s25+$0x0] =	vst.idx.msk $0xffff, v4  }
0x17b: {  	v3 =	vadd.f32 v5, v48;
	v4 =	vor.u32 v53, v50;
	[tilespmem:v54+s25+$0x0] =	vst.idx.msk $0xffff, v59  }
0x17c: {  	v6 =	vmul.f32 v61, v49;
	v5 =	vadd.f32 v60, v48;
	[tilespmem:v55+s25+$0x0] =	vst.idx.msk $0xffff, v2  }
0x17d: {  	v2 =	vadd.f32 v62, v48;
	[tilespmem:v51+s25+$0x0] =	vst.idx.msk $0xffff, v3  }
0x17e: {  	v3 =	vadd.f32 v6, v48;
	[tilespmem:v56+s25+$0x0] =	vst.idx.msk $0xffff, v5  }
0x17f: {  	s16 =	sor.u32 s8, s16;
	[tilespmem:v57+s25+$0x0] =	vst.idx.msk $0xffff, v2  }
0x180: {  	s5 =	sadd.s32 s7, s16;
	[tilespmem:v4+s25+$0x0] =	vst.idx.msk $0xffff, v3  }
0x181: {  	[hbm4b:s5+s26] =	stream.strided.scatter [tilespmem:s25], [sflag:$0x5], $0x2000, s28, s26, $0x38;
	[tilespmem:$0xC680] =	vst v63  }
0x182: {  	s3 =	sadd.s32 @!p0 s12, s3;
	_ =	swait.ge [sflag:s29], $0x4000  }
0x183: {  	s6 =	simm.s32 @!p0 $0x600;
	s3 =	sshrl.u32 @!p0 s3, $0x3;
	[sflag:s29] =	ssyncset.done $0x0  }
0x184: {  	s3 =	sadd.s32 @!p0 s0, s3;
	s5 =	simm.s32 @!p0 $0x0;
	[sflag:s29] =	ssyncadd.s32 $0xFFFFC000  }
0x185: {  	[tilespmem:s6], [sflag:$0x2] =	stream.linear.gather @!p0 [hbm4b:s3+s5], $0x80, $0x38;
	[tilespmem:$0xC680] =	vst v63  }
0x186: {  	s3 =	simm.s32 @!p0 $0x1  }
0x187: {  	p1 =	seq.s32 @!p0 s2, $0x0;
	_ =	swait.ge @!p0 [sflag:s3], $0x80  }
0x188: {  	s18 =	simm.s32 $0x0;
	s5 =	simm.s32 @!p0 $0x580;
	[sflag:s3] =	ssyncset.done @!p0 $0x0  }
0x189: {  	s6 =	simm.s32 @!p0 $0x680;
	[sflag:s3] =	ssyncadd.s32 @!p0 $0xFFFFFF80;
	s3 =	simm.s32 @!p0 $0x80  }
0x18a: {  	[tilespmem:s6], [sflag:$0x3] =	stream.indirect.gather @!p0 [hbm4b:s1+s3], $0x80, s5, s3, $0xb8;
	[tilespmem:$0xC680] =	vst v63  }
0x18b: {  	v2 =	vmov s18;
	p0 =	por p0, !p1;
	s3 =	simm.s32 $0x0  }
0x18c: {  	v2 =	vshll.u32 v2, $0x7;
	_ =	swait.ge @p0 [sflag:s4], $0x2000;
	s19 =	sand.u32 $0x20, s3  }
0x18d: {  	v2 =	vor.u32 v10, v2;
	s31 =	sor.u32 $0x10, s19;
	v17 =	vld [tilespmem:$0x1FF90]  }
0x18e: {  	v18 =	vld [tilespmem:$0x1FFA0];
	v3 =	vor.u32 s31, v2  }
0x18f: {  	v19 =	vld [tilespmem:$0x1FFB0];
	v4 =	vor.u32 v9, v3  }
0x190: {  	v20 =	vld [tilespmem:$0x1FFC0];
	v5 =	vor.u32 v1, v3  }
0x191: {  	v21 =	vld [tilespmem:$0x1FFD0];
	v6 =	vor.u32 v0, v3  }
0x192: {  	[sflag:s4] =	ssyncset.done @p0 $0x0;
	v22 =	vld [tilespmem:$0x1FFE0];
	v7 =	vor.u32 v11, v3  }
0x193: {  	v23 =	vld [tilespmem:$0x1FFF0];
	[sflag:s4] =	ssyncadd.s32 @p0 $0xFFFFE000;
	v2 =	vor.u32 s19, v2;
	v32 =	vor.u32 v12, v3  }
0x194: {  	v8 =	vor.u32 v9, v2;
	v35 =	vor.u32 v13, v3;
	v4 =	vld.idx.msk [tilespmem:v4+s24+$0x0], $0xffff  }
0x195: {  	v33 =	vor.u32 v1, v2;
	v34 =	vor.u32 v0, v2;
	v38 =	vor.u32 v15, v3;
	v5 =	vld.idx.msk [tilespmem:v5+s24+$0x0], $0xffff  }
0x196: {  	v36 =	vor.u32 v11, v2;
	v37 =	vor.u32 v12, v2;
	v41 =	vor.u32 v16, v3;
	v6 =	vld.idx.msk [tilespmem:v6+s24+$0x0], $0xffff  }
0x197: {  	v39 =	vor.u32 v13, v2;
	v40 =	vor.u32 v15, v2;
	v42 =	vor.u32 v16, v2;
	v7 =	vld.idx.msk [tilespmem:v7+s24+$0x0], $0xffff  }
0x198: {  	v43 =	vor.u32 v14, v2;
	v44 =	vor.u32 v14, v3;
	v45 =	vor.u32 v17, v2;
	v32 =	vld.idx.msk [tilespmem:v32+s24+$0x0], $0xffff  }
0x199: {  	v46 =	vor.u32 v18, v2;
	v47 =	vor.u32 v17, v3;
	v48 =	vor.u32 v19, v2;
	v35 =	vld.idx.msk [tilespmem:v35+s24+$0x0], $0xffff  }
0x19a: {  	v49 =	vor.u32 v20, v2;
	v50 =	vor.u32 v18, v3;
	v51 =	vor.u32 v21, v2;
	v38 =	vld.idx.msk [tilespmem:v38+s24+$0x0], $0xffff  }
0x19b: {  	v53 =	vor.u32 v19, v3;
	v56 =	vor.u32 v20, v3;
	v57 =	vor.u32 v21, v3;
	v41 =	vld.idx.msk [tilespmem:v41+s24+$0x0], $0xffff  }
0x19c: {  	v60 =	vor.u32 v22, v3;
	v3 =	vor.u32 v23, v3;
	v34 =	vld.idx.msk [tilespmem:v34+s24+$0x0], $0xffff;
	v54 =	vadd.f32 $0.0e+00, v4  }
0x19d: {  	v44 =	vld.idx.msk [tilespmem:v44+s24+$0x0], $0xffff;
	v55 =	vadd.f32 $0.0e+00, v5;
	v4 =	vmul.f32 v4, v4;
	v5 =	vmul.f32 v5, v5  }
0x19e: {  	v52 =	vor.u32 v22, v2;
	v47 =	vld.idx.msk [tilespmem:v47+s24+$0x0], $0xffff;
	v58 =	vmul.f32 v6, v6;
	v59 =	vmul.f32 v7, v7  }
0x19f: {  	v50 =	vld.idx.msk [tilespmem:v50+s24+$0x0], $0xffff;
	v63 =	vmul.f32 v32, v32;
	v61 =	vmul.f32 v35, v35;
	v6 =	vadd.f32 v6, v54  }
0x1a0: {  	v53 =	vld.idx.msk [tilespmem:v53+s24+$0x0], $0xffff;
	v62 =	vmul.f32 v38, v38;
	v4 =	vadd.f32 v58, v4;
	v5 =	vadd.f32 v59, v5  }
0x1a1: {  	v7 =	vadd.f32 v7, v55;
	v59 =	vmul.f32 v34, v34;
	v6 =	vadd.f32 v32, v6;
	v32 =	vld.idx.msk [tilespmem:v3+s24+$0x0], $0xffff  }
0x1a2: {  	v4 =	vadd.f32 v63, v4;
	v5 =	vadd.f32 v61, v5;
	v63 =	vmul.f32 v41, v41;
	v3 =	vld.idx.msk [tilespmem:v8+s24+$0x0], $0xffff  }
0x1a3: {  	v55 =	vld.idx.msk [tilespmem:v56+s24+$0x0], $0xffff;
	v7 =	vadd.f32 v35, v7;
	v61 =	vmul.f32 v44, v44;
	v6 =	vadd.f32 v38, v6  }
0x1a4: {  	v56 =	vld.idx.msk [tilespmem:v57+s24+$0x0], $0xffff;
	v4 =	vadd.f32 v62, v4;
	v5 =	vadd.f32 v63, v5;
	v62 =	vmul.f32 v47, v47  }
0x1a5: {  	v8 =	vmul.f32 v50, v50;
	v38 =	vld.idx.msk [tilespmem:v60+s24+$0x0], $0xffff;
	v7 =	vadd.f32 v41, v7;
	v6 =	vadd.f32 v44, v6  }
0x1a6: {  	v36 =	vld.idx.msk [tilespmem:v36+s24+$0x0], $0xffff;
	v4 =	vadd.f32 v61, v4;
	v5 =	vadd.f32 v62, v5;
	v44 =	vmul.f32 v53, v53  }
0x1a7: {  	v58 =	vld.idx.msk [tilespmem:v40+s24+$0x0], $0xffff;
	v7 =	vadd.f32 v47, v7;
	v57 =	vadd.f32 $0.0e+00, v3;
	v3 =	vmul.f32 v3, v3  }
0x1a8: {  	v63 =	vld.idx.msk [tilespmem:v33+s24+$0x0], $0xffff;
	v6 =	vadd.f32 v50, v6;
	v50 =	vmul.f32 v55, v55;
	v4 =	vadd.f32 v8, v4  }
0x1a9: {  	v5 =	vadd.f32 v44, v5;
	v8 =	vmul.f32 v56, v56;
	v7 =	vadd.f32 v53, v7  }
0x1aa: {  	v37 =	vld.idx.msk [tilespmem:v37+s24+$0x0], $0xffff;
	v54 =	vmul.f32 v38, v38;
	v35 =	vadd.f32 v34, v57;
	v4 =	vadd.f32 v50, v4  }
0x1ab: {  	v6 =	vadd.f32 v55, v6;
	v55 =	vld.idx.msk [tilespmem:v39+s24+$0x0], $0xffff;
	v5 =	vadd.f32 v8, v5;
	v8 =	vmul.f32 v32, v32  }
0x1ac: {  	v60 =	vmul.f32 v36, v36;
	v3 =	vadd.f32 v59, v3;
	v4 =	vadd.f32 v54, v4  }
0x1ad: {  	v42 =	vld.idx.msk [tilespmem:v42+s24+$0x0], $0xffff;
	v62 =	vmul.f32 v58, v58;
	v5 =	vadd.f32 v8, v5;
	v8 =	vadd.f32 $0.0e+00, v63  }
0x1ae: {  	v61 =	vld.idx.msk [tilespmem:v45+s24+$0x0], $0xffff;
	v33 =	vadd.f32 v56, v7;
	v7 =	vmul.f32 v63, v63;
	v34 =	vadd.f32 v38, v6  }
0x1af: {  	s9 =	simm.s32 $0x0;
	v43 =	vld.idx.msk [tilespmem:v43+s24+$0x0], $0xffff;
	v6 =	vor.u32 v23, v2;
	v4 =	vadd.f32 v5, v4;
	v2 =	vadd.f32 v36, v8  }
0x1b0: {  	s10 =	sor.u32 s9, s31;
	v40 =	vld.idx.msk [tilespmem:v46+s24+$0x0], $0xffff;
	v7 =	vadd.f32 v60, v7;
	v5 =	vmul.f32 v37, v37;
	v8 =	vmul.f32 v55, v55  }
0x1b1: {  	v39 =	vld.idx.msk [tilespmem:v48+s24+$0x0], $0xffff;
	[tilespmem:s10+$0x380] =	vst v4;
	v4 =	vadd.f32 v37, v35;
	v2 =	vadd.f32 v55, v2  }
0x1b2: {  	v38 =	vld.idx.msk [tilespmem:v49+s24+$0x0], $0xffff;
	v3 =	vadd.f32 v5, v3;
	v5 =	vadd.f32 v8, v7;
	v7 =	vmul.f32 v42, v42  }
0x1b3: {  	v41 =	vmul.f32 v61, v61;
	v37 =	vld.idx.msk [tilespmem:v51+s24+$0x0], $0xffff;
	v8 =	vadd.f32 v58, v4;
	v63 =	vadd.f32 v42, v2  }
0x1b4: {  	v36 =	vld.idx.msk [tilespmem:v52+s24+$0x0], $0xffff;
	v2 =	vmul.f32 v43, v43;
	v4 =	vadd.f32 v62, v3;
	v5 =	vadd.f32 v7, v5  }
0x1b5: {  	s14 =	simm.s32 $0x0;
	s17 =	simm.s32 $0x0;
	s9 =	sor.u32 s19, s9;
	v42 =	vld.idx.msk [tilespmem:v6+s24+$0x0], $0xffff;
	v3 =	vmul.f32 v40, v40;
	v35 =	vadd.f32 v43, v8;
	v43 =	vadd.f32 v61, v63  }
.LBB2_9:
0x1b6: {  	s14 =	sadd.s32 $0x2, s14;
	v2 =	vadd.f32 v2, v4;
	v4 =	vadd.f32 v41, v5;
	v5 =	vmul.f32 v39, v39  }
0x1b7: {  	v8 =	vmul.f32 v38, v38;
	s6 =	sshrl.u32 s14, $0x2;
	v6 =	vadd.f32 v40, v35;
	v7 =	vadd.f32 v39, v43  }
0x1b8: {  	s5 =	sshll.u32 s6, $0x4;
	v2 =	vadd.f32 v3, v2;
	v3 =	vadd.f32 v5, v4;
	v4 =	vmul.f32 v37, v37  }
0x1b9: {  	s17 =	sadd.s32 $0x20, s17;
	p0 =	slt.u32 s14, $0x1E;
	v5 =	vmov s5;
	v6 =	vadd.f32 v38, v6;
	v7 =	vadd.f32 v37, v7  }
0x1ba: {  	s5 =	sand.u32 $0x20, s17;
	v5 =	vshll.u32 v5, $0x7;
	v2 =	vadd.f32 v8, v2;
	v3 =	vadd.f32 v4, v3  }
0x1bb: {  	s15 =	sor.u32 $0x10, s5;
	v8 =	vmul.f32 v42, v42;
	v4 =	vor.u32 v10, v5;
	v5 =	vmul.f32 v36, v36  }
0x1bc: {  	v6 =	vadd.f32 v36, v6;
	v35 =	vor.u32 s5, v4;
	v4 =	vor.u32 s15, v4  }
0x1bd: {  	v43 =	vor.u32 v9, v35;
	v44 =	vor.u32 v1, v35;
	v36 =	vor.u32 v9, v4  }
0x1be: {  	v45 =	vor.u32 v0, v35;
	v46 =	vor.u32 v11, v35;
	v47 =	vor.u32 v1, v4  }
0x1bf: {  	v48 =	vor.u32 v12, v35;
	v49 =	vor.u32 v13, v35;
	v50 =	vor.u32 v0, v4  }
0x1c0: {  	v51 =	vor.u32 v15, v35;
	v52 =	vor.u32 v16, v35;
	v53 =	vor.u32 v11, v4  }
0x1c1: {  	v54 =	vor.u32 v14, v35;
	v41 =	vor.u32 v17, v35;
	v55 =	vor.u32 v12, v4  }
0x1c2: {  	v40 =	vor.u32 v18, v35;
	v39 =	vor.u32 v19, v35;
	v57 =	vor.u32 v13, v4;
	v56 =	vld.idx.msk [tilespmem:v36+s24+$0x0], $0xffff  }
0x1c3: {  	v38 =	vor.u32 v20, v35;
	v37 =	vor.u32 v21, v35;
	v58 =	vor.u32 v15, v4;
	v47 =	vld.idx.msk [tilespmem:v47+s24+$0x0], $0xffff  }
0x1c4: {  	v59 =	vor.u32 v16, v4;
	v36 =	vor.u32 v22, v35;
	v35 =	vor.u32 v23, v35;
	v50 =	vld.idx.msk [tilespmem:v50+s24+$0x0], $0xffff  }
0x1c5: {  	v7 =	vadd.f32 v42, v7;
	v60 =	vor.u32 v14, v4;
	v2 =	vadd.f32 v5, v2;
	v53 =	vld.idx.msk [tilespmem:v53+s24+$0x0], $0xffff  }
0x1c6: {  	v3 =	vadd.f32 v8, v3;
	v8 =	vadd.f32 v32, v33;
	v42 =	vor.u32 v17, v4;
	v5 =	vld.idx.msk [tilespmem:v55+s24+$0x0], $0xffff  }
0x1c7: {  	v33 =	vor.u32 v18, v4;
	v6 =	vadd.f32 v7, v6;
	v32 =	vld.idx.msk [tilespmem:v57+s24+$0x0], $0xffff  }
0x1c8: {  	v2 =	vadd.f32 v3, v2;
	v7 =	vadd.f32 $0.0e+00, v56;
	v57 =	vor.u32 v19, v4;
	v55 =	vld.idx.msk [tilespmem:v58+s24+$0x0], $0xffff  }
0x1c9: {  	v3 =	vadd.f32 $0.0e+00, v47;
	v58 =	vld.idx.msk [tilespmem:v59+s24+$0x0], $0xffff;
	v59 =	vor.u32 v20, v4;
	[tilespmem:s9+$0x180] =	vst v6;
	v6 =	vadd.f32 v8, v34  }
0x1ca: {  	v8 =	vmul.f32 v56, v56;
	v34 =	vmul.f32 v47, v47;
	v56 =	vor.u32 v21, v4;
	v47 =	vld.idx.msk [tilespmem:v60+s24+$0x0], $0xffff  }
0x1cb: {  	v62 =	vor.u32 v22, v4;
	v60 =	vmul.f32 v50, v50;
	v61 =	vmul.f32 v53, v53;
	v42 =	vld.idx.msk [tilespmem:v42+s24+$0x0], $0xffff  }
0x1cc: {  	v7 =	vadd.f32 v50, v7;
	v4 =	vor.u32 v23, v4;
	v50 =	vmul.f32 v5, v5;
	v33 =	vld.idx.msk [tilespmem:v33+s24+$0x0], $0xffff  }
0x1cd: {  	v8 =	vadd.f32 v60, v8;
	v34 =	vadd.f32 v61, v34;
	v60 =	vmul.f32 v32, v32;
	v57 =	vld.idx.msk [tilespmem:v57+s24+$0x0], $0xffff  }
0x1ce: {  	v3 =	vadd.f32 v53, v3;
	v5 =	vadd.f32 v5, v7;
	v7 =	vmul.f32 v55, v55;
	v53 =	vld.idx.msk [tilespmem:v59+s24+$0x0], $0xffff  }
0x1cf: {  	v8 =	vadd.f32 v50, v8;
	v34 =	vadd.f32 v60, v34;
	v50 =	vmul.f32 v58, v58;
	v56 =	vld.idx.msk [tilespmem:v56+s24+$0x0], $0xffff  }
0x1d0: {  	v3 =	vadd.f32 v32, v3;
	v5 =	vadd.f32 v55, v5;
	v55 =	vmul.f32 v47, v47;
	v59 =	vld.idx.msk [tilespmem:v62+s24+$0x0], $0xffff  }
0x1d1: {  	v7 =	vadd.f32 v7, v8;
	v8 =	vadd.f32 v50, v34;
	v34 =	vmul.f32 v42, v42;
	v32 =	vld.idx.msk [tilespmem:v4+s24+$0x0], $0xffff  }
0x1d2: {  	v3 =	vadd.f32 v58, v3;
	v5 =	vadd.f32 v47, v5;
	v4 =	vld.idx.msk [tilespmem:v43+s24+$0x0], $0xffff;
	v43 =	vmul.f32 v33, v33  }
0x1d3: {  	v7 =	vadd.f32 v55, v7;
	v8 =	vadd.f32 v34, v8;
	v34 =	vmul.f32 v57, v57;
	v44 =	vld.idx.msk [tilespmem:v44+s24+$0x0], $0xffff  }
0x1d4: {  	v3 =	vadd.f32 v42, v3;
	v5 =	vadd.f32 v33, v5;
	v33 =	vmul.f32 v53, v53;
	v45 =	vld.idx.msk [tilespmem:v45+s24+$0x0], $0xffff  }
0x1d5: {  	v7 =	vadd.f32 v43, v7;
	v8 =	vadd.f32 v34, v8;
	v34 =	vmul.f32 v56, v56;
	v42 =	vld.idx.msk [tilespmem:v46+s24+$0x0], $0xffff  }
0x1d6: {  	v3 =	vadd.f32 v57, v3;
	v5 =	vadd.f32 v53, v5;
	v46 =	vmul.f32 v59, v59;
	v43 =	vld.idx.msk [tilespmem:v48+s24+$0x0], $0xffff  }
0x1d7: {  	v7 =	vadd.f32 v33, v7;
	v8 =	vadd.f32 v34, v8;
	v34 =	vmul.f32 v32, v32;
	v47 =	vld.idx.msk [tilespmem:v49+s24+$0x0], $0xffff  }
0x1d8: {  	v33 =	vadd.f32 v56, v3;
	v48 =	vadd.f32 $0.0e+00, v4;
	v4 =	vmul.f32 v4, v4;
	v49 =	vld.idx.msk [tilespmem:v51+s24+$0x0], $0xffff;
	[tilespmem:s9+$0x380] =	vst v2  }
0x1d9: {  	v2 =	vmul.f32 v44, v44;
	v7 =	vadd.f32 v46, v7;
	v8 =	vadd.f32 v34, v8;
	v3 =	vld.idx.msk [tilespmem:v52+s24+$0x0], $0xffff  }
0x1da: {  	v44 =	vadd.f32 $0.0e+00, v44;
	v46 =	vadd.f32 v45, v48;
	v45 =	vmul.f32 v45, v45;
	v48 =	vld.idx.msk [tilespmem:v54+s24+$0x0], $0xffff;
	[tilespmem:s10+$0x180] =	vst v6  }
0x1db: {  	s6 =	sshll.u32 s6, $0x6;
	v34 =	vadd.f32 v59, v5;
	v6 =	vmul.f32 v42, v42;
	v5 =	vadd.f32 v8, v7;
	v50 =	vld.idx.msk [tilespmem:v41+s24+$0x0], $0xffff  }
0x1dc: {  	s9 =	sor.u32 s5, s6;
	v7 =	vadd.f32 v42, v44;
	s10 =	sor.u32 s6, s15;
	v4 =	vadd.f32 v45, v4;
	v8 =	vmul.f32 v43, v43;
	v40 =	vld.idx.msk [tilespmem:v40+s24+$0x0], $0xffff  }
0x1dd: {  	s5 =	simm.s32 $0x3A0;
	s6 =	simm.s32 $0x1A0;
	v2 =	vadd.f32 v6, v2;
	v6 =	vmul.f32 v47, v47;
	v39 =	vld.idx.msk [tilespmem:v39+s24+$0x0], $0xffff;
	[tilespmem:s10+$0x380] =	vst v5  }
.Ltmp3:
0x1de: {  	v7 =	vadd.f32 v47, v7;
	v5 =	vadd.f32 v43, v46;
	v41 =	vmul.f32 v49, v49;
	v38 =	vld.idx.msk [tilespmem:v38+s24+$0x0], $0xffff;
	(pc) =	sbr.rel @p0 .LBB2_9-.Ltmp3, $4  }
0x1df: {  	v4 =	vadd.f32 v8, v4;
	v6 =	vadd.f32 v6, v2;
	v8 =	vmul.f32 v3, v3;
	v37 =	vld.idx.msk [tilespmem:v37+s24+$0x0], $0xffff  }
0x1e0: {  	v3 =	vadd.f32 v3, v7;
	v43 =	vadd.f32 v49, v5;
	v2 =	vmul.f32 v48, v48;
	v36 =	vld.idx.msk [tilespmem:v36+s24+$0x0], $0xffff  }
0x1e1: {  	v4 =	vadd.f32 v41, v4;
	v5 =	vadd.f32 v8, v6;
	v41 =	vmul.f32 v50, v50;
	v42 =	vld.idx.msk [tilespmem:v35+s24+$0x0], $0xffff  }
0x1e2: {  	v35 =	vadd.f32 v48, v43;
	v43 =	vadd.f32 v50, v3;
	v3 =	vmul.f32 v40, v40  }
0x1e3: {  	v2 =	vadd.f32 v2, v4;
	v4 =	vadd.f32 v41, v5;
	v5 =	vmul.f32 v39, v39  }
0x1e4: {  	v8 =	vmul.f32 v38, v38;
	v6 =	vadd.f32 v40, v35;
	v7 =	vadd.f32 v39, v43  }
0x1e5: {  	v2 =	vadd.f32 v3, v2;
	v3 =	vadd.f32 v5, v4;
	v4 =	vmul.f32 v37, v37  }
0x1e6: {  	v5 =	vadd.f32 v38, v6;
	v6 =	vadd.f32 v37, v7;
	v7 =	vmul.f32 v42, v42  }
0x1e7: {  	v2 =	vadd.f32 v8, v2;
	v3 =	vadd.f32 v4, v3;
	v4 =	vmul.f32 v36, v36  }
0x1e8: {  	v5 =	vadd.f32 v36, v5;
	v6 =	vadd.f32 v42, v6  }
0x1e9: {  	v2 =	vadd.f32 v4, v2;
	v3 =	vadd.f32 v7, v3  }
0x1ea: {  	v4 =	vadd.f32 v32, v33;
	v5 =	vadd.f32 v6, v5  }
0x1eb: {  	v2 =	vadd.f32 v3, v2  }
0x1ec: {  	v3 =	vadd.f32 v4, v34;
	[tilespmem:s9+$0x180] =	vst v5  }
0x1ed: {  	[tilespmem:s9+$0x380] =	vst v2  }
0x1ee: {  	[tilespmem:s10+$0x180] =	vst v3  }
0x1ef: {  	v2 =	vld [tilespmem:s5+$0xFFFFFFE0]  }
0x1f0: {  	v3 =	vld [tilespmem:s5+$0xFFFFFFF0]  }
0x1f1: {  	v4 =	vld [tilespmem:s6+$0xFFFFFFE0]  }
0x1f2: {  	v5 =	vld [tilespmem:s6+$0xFFFFFFF0]  }
0x1f3: {  	v6 =	vld [tilespmem:s6+$0x0]  }
0x1f4: {  	v7 =	vld [tilespmem:s6+$0x10]  }
0x1f5: {  	v8 =	vld [tilespmem:s5+$0x0]  }
0x1f6: {  	v43 =	vld [tilespmem:s5+$0x10]  }
0x1f7: {  	s14 =	simm.s32 $0x3E0  }
0x1f8: {  	v44 =	vld [tilespmem:s14+$0xFFFFFFE0]  }
0x1f9: {  	v46 =	vld [tilespmem:s14+$0x10];
	v4 =	vadd.f32 v5, v4;
	v5 =	vadd.f32 v7, v6  }
0x1fa: {  	s15 =	simm.s32 $0x1E0;
	v6 =	vld [tilespmem:s14+$0xFFFFFFF0];
	v2 =	vadd.f32 v3, v2  }
0x1fb: {  	v3 =	vld [tilespmem:s15+$0xFFFFFFE0];
	v4 =	vadd.f32 v5, v4;
	v5 =	vadd.f32 v43, v8  }
0x1fc: {  	v7 =	vld [tilespmem:s15+$0xFFFFFFF0]  }
0x1fd: {  	v8 =	vld [tilespmem:s15+$0x0];
	v2 =	vadd.f32 v5, v2;
	v32 =	vmul.f32 $1.562500000e-02, v4  }
0x1fe: {  	v4 =	vld [tilespmem:s15+$0x10]  }
0x1ff: {  	v5 =	vld [tilespmem:s14+$0x0];
	v2 =	vmul.f32 $1.562500000e-02, v2;
	v45 =	vmul.f32 v32, v32;
	_ =	sdelay $0x1  }
0x200: {  	s18 =	simm.s32 $0x220;
	v2 =	vsub.f32 v2, v45  }
0x201: {  	v47 =	vld [tilespmem:s18+$0xFFFFFFE0];
	v3 =	vadd.f32 v7, v3  }
0x202: {  	v48 =	vld [tilespmem:s18+$0xFFFFFFF0];
	v4 =	vadd.f32 v4, v8;
	v2 =	vadd.f32 $9.999999960e-13, v2  }
0x203: {  	s17 =	simm.s32 $0x420;
	v49 =	vld [tilespmem:s18+$0x0];
	v6 =	vadd.f32 v6, v44;
	v5 =	vadd.f32 v46, v5  }
0x204: {  	v50 =	vld [tilespmem:s17+$0x0];
	v3 =	vadd.f32 v4, v3;
	v4 =	vmul.f32 $5.000000000e-01, v2;
	v2 =	vshrl.u32 v2, $0x1  }
0x205: {  	v52 =	vld [tilespmem:s17+$0x10];
	v5 =	vadd.f32 v5, v6;
	v2 =	vsub.s32 $0x5F3759DF, v2  }
0x206: {  	v33 =	vmul.f32 $1.562500000e-02, v3;
	v3 =	vld [tilespmem:s18+$0x10];
	v6 =	vmul.f32 v2, v4  }
0x207: {  	v7 =	vld [tilespmem:s17+$0xFFFFFFE0];
	v5 =	vmul.f32 $1.562500000e-02, v5  }
0x208: {  	v8 =	vld [tilespmem:s17+$0xFFFFFFF0];
	v51 =	vmul.f32 v33, v33;
	v6 =	vmul.f32 v2, v6;
	_ =	sdelay $0x1  }
0x209: {  	s19 =	simm.s32 $0x460;
	v5 =	vsub.f32 v5, v51;
	v6 =	vsub.f32 $1.500000000e+00, v6  }
0x20a: {  	s31 =	simm.s32 $0x260;
	v53 =	vld [tilespmem:s19+$0xFFFFFFE0];
	v34 =	vadd.f32 v48, v47;
	v3 =	vadd.f32 v3, v49  }
0x20b: {  	v55 =	vld [tilespmem:s31+$0xFFFFFFF0];
	v54 =	vadd.f32 v52, v50;
	v5 =	vadd.f32 $9.999999960e-13, v5;
	v2 =	vmul.f32 v2, v6  }
0x20c: {  	v57 =	vld [tilespmem:s31+$0x0];
	v7 =	vadd.f32 v8, v7;
	v3 =	vadd.f32 v3, v34  }
0x20d: {  	v59 =	vld [tilespmem:s19+$0x0];
	v35 =	vmul.f32 $5.000000000e-01, v5;
	v5 =	vshrl.u32 v5, $0x1;
	v56 =	vmul.f32 v2, v4  }
0x20e: {  	v7 =	vadd.f32 v54, v7;
	v6 =	vld [tilespmem:s31+$0xFFFFFFE0];
	v34 =	vmul.f32 $1.562500000e-02, v3;
	v3 =	vsub.s32 $0x5F3759DF, v5  }
0x20f: {  	v5 =	vld [tilespmem:s31+$0x10];
	v58 =	vmul.f32 v3, v35;
	v37 =	vmul.f32 v56, v2  }
0x210: {  	v8 =	vld [tilespmem:s19+$0xFFFFFFF0];
	v7 =	vmul.f32 $1.562500000e-02, v7;
	v60 =	vmul.f32 v34, v34  }
0x211: {  	v61 =	vld [tilespmem:s19+$0x10];
	v40 =	vmul.f32 v3, v58;
	v37 =	vsub.f32 $1.500000000e+00, v37  }
0x212: {  	v7 =	vsub.f32 v7, v60  }
0x213: {  	s14 =	simm.s32 $0x4A0;
	v6 =	vadd.f32 v55, v6;
	v40 =	vsub.f32 $1.500000000e+00, v40;
	v36 =	vmul.f32 v37, v2  }
0x214: {  	v47 =	vld [tilespmem:s14+$0xFFFFFFE0];
	v2 =	vadd.f32 v5, v57;
	v5 =	vadd.f32 $9.999999960e-13, v7  }
0x215: {  	s15 =	simm.s32 $0x2A0;
	v7 =	vadd.f32 v8, v53;
	v8 =	vld [tilespmem:s14+$0xFFFFFFF0];
	v39 =	vmul.f32 v3, v40;
	v3 =	vmul.f32 v36, v4  }
0x216: {  	v42 =	vld [tilespmem:s15+$0xFFFFFFE0];
	v4 =	vadd.f32 v2, v6;
	v6 =	vadd.f32 v61, v59;
	v37 =	vmul.f32 $5.000000000e-01, v5  }
0x217: {  	v2 =	vld [tilespmem:s15+$0xFFFFFFF0];
	v5 =	vshrl.u32 v5, $0x1;
	v62 =	vmul.f32 v39, v35;
	v63 =	vmul.f32 v3, v36  }
0x218: {  	v44 =	vld [tilespmem:s15+$0x0];
	v40 =	vsub.s32 $0x5F3759DF, v5;
	v6 =	vadd.f32 v6, v7;
	v38 =	vmul.f32 $1.562500000e-02, v4  }
0x219: {  	s10 =	simm.s32 $0x40;
	s9 =	simm.s32 $0x100;
	v45 =	vld [tilespmem:s15+$0x10];
	v46 =	vmul.f32 v40, v37;
	v3 =	vmul.f32 v62, v39;
	v41 =	vsub.f32 $1.500000000e+00, v63  }
0x21a: {  	s5 =	simm.s32 $0x80;
	s6 =	simm.s32 $0xC0;
	s17 =	simm.s32 $0x140;
	v4 =	vld [tilespmem:s14+$0x0];
	v43 =	vadd.f32 v8, v47;
	v5 =	vmul.f32 $1.562500000e-02, v6;
	v47 =	vmul.f32 v38, v38  }
.LBB2_11:
0x21b: {  	p0 =	sne.s32 s17, $0x1C0;
	v6 =	vld [tilespmem:s14+$0x10];
	v7 =	vmul.f32 v40, v46;
	v3 =	vsub.f32 $1.500000000e+00, v3;
	v8 =	vmul.f32 v41, v36  }
0x21c: {  	v2 =	vadd.f32 v2, v42;
	v5 =	vsub.f32 v5, v47  }
0x21d: {  	s14 =	sadd.s32 $0x40, s14;
	v7 =	vsub.f32 $1.500000000e+00, v7;
	v36 =	vmul.f32 v3, v39;
	v3 =	vmul.f32 v8, v32;
	v32 =	vmovc v33;
	v33 =	vmovc v34  }
0x21e: {  	v34 =	vmov v38;
	v47 =	vld [tilespmem:s14+$0xFFFFFFE0];
	v41 =	vadd.f32 v45, v44;
	v5 =	vadd.f32 $9.999999960e-13, v5  }
0x21f: {  	s15 =	sadd.s32 $0x40, s15;
	v48 =	vld [tilespmem:s14+$0xFFFFFFF0];
	v39 =	vmul.f32 v40, v7;
	v7 =	vmul.f32 v36, v35;
	v3 =	vsub.f32 $0.0e+00, v3;
	v35 =	vmovc v37  }
.Ltmp4:
0x220: {  	s18 =	sshra.s32 s3, $0x2;
	s3 =	smov.u32 s10;
	v42 =	vld [tilespmem:s15+$0xFFFFFFE0];
	v38 =	vadd.f32 v41, v2;
	v4 =	vadd.f32 v6, v4;
	v37 =	vmul.f32 $5.000000000e-01, v5;
	(pc) =	sbr.rel @p0 .LBB2_11-.Ltmp4, $4  }
0x221: {  	s10 =	smov.u32 s5;
	s5 =	smov.u32 s6;
	s6 =	smov.u32 s9;
	v5 =	vshrl.u32 v5, $0x1;
	v2 =	vld [tilespmem:s15+$0xFFFFFFF0];
	v6 =	vmul.f32 v39, v35;
	v7 =	vmul.f32 v7, v36;
	[tilespmem:s18+$0x100] =	vst v3  }
0x222: {  	s9 =	smov.u32 s17;
	v40 =	vsub.s32 $0x5F3759DF, v5;
	v44 =	vld [tilespmem:s15+$0x0];
	v49 =	vadd.f32 v4, v43;
	v38 =	vmul.f32 $1.562500000e-02, v38;
	[tilespmem:s18+$0x80] =	vst v8  }
0x223: {  	v46 =	vmul.f32 v40, v37;
	v45 =	vld [tilespmem:s15+$0x10];
	v3 =	vmul.f32 v6, v39;
	v41 =	vsub.f32 $1.500000000e+00, v7  }
0x224: {  	s17 =	sadd.s32 $0x40, s17;
	v43 =	vadd.f32 v48, v47;
	v4 =	vld [tilespmem:s14+$0x0];
	v5 =	vmul.f32 $1.562500000e-02, v49;
	v47 =	vmul.f32 v38, v38  }
0x225: {  	v6 =	vld [tilespmem:s14+$0x10];
	_ =	sdelay $0x2  }
0x226: {  	v2 =	vadd.f32 v2, v42;
	v7 =	vadd.f32 v45, v44;
	_ =	sdelay $0x1  }
0x227: {  	v2 =	vadd.f32 v7, v2;
	v4 =	vadd.f32 v6, v4;
	_ =	sdelay $0x1  }
0x228: {  	v4 =	vadd.f32 v4, v43;
	v2 =	vmul.f32 $1.562500000e-02, v2;
	_ =	sdelay $0x1  }
0x229: {  	v5 =	vsub.f32 v5, v47;
	v4 =	vmul.f32 $1.562500000e-02, v4;
	v6 =	vmul.f32 v2, v2;
	_ =	sdelay $0x1  }
0x22a: {  	v5 =	vadd.f32 $9.999999960e-13, v5;
	v4 =	vsub.f32 v4, v6;
	_ =	sdelay $0x1  }
0x22b: {  	v6 =	vmul.f32 $5.000000000e-01, v5;
	v5 =	vshrl.u32 v5, $0x1;
	v4 =	vadd.f32 $9.999999960e-13, v4  }
0x22c: {  	v7 =	vmul.f32 v40, v46;
	v5 =	vsub.s32 $0x5F3759DF, v5  }
0x22d: {  	v8 =	vmul.f32 v5, v6;
	v56 =	vmul.f32 $5.000000000e-01, v4;
	v4 =	vshrl.u32 v4, $0x1  }
0x22e: {  	v7 =	vsub.f32 $1.500000000e+00, v7;
	v4 =	vsub.s32 $0x5F3759DF, v4  }
0x22f: {  	v8 =	vmul.f32 v5, v8;
	v57 =	vmul.f32 v4, v56  }
0x230: {  	v7 =	vmul.f32 v40, v7  }
0x231: {  	v8 =	vsub.f32 $1.500000000e+00, v8;
	v58 =	vmul.f32 v4, v57  }
0x232: {  	v59 =	vmul.f32 v7, v37  }
0x233: {  	v5 =	vmul.f32 v5, v8;
	v8 =	vsub.f32 $1.500000000e+00, v58  }
0x234: {  	v3 =	vsub.f32 $1.500000000e+00, v3;
	v60 =	vmul.f32 v59, v7  }
0x235: {  	v61 =	vmul.f32 v5, v6;
	v4 =	vmul.f32 v4, v8  }
0x236: {  	v3 =	vmul.f32 v3, v39  }
0x237: {  	v8 =	vsub.f32 $1.500000000e+00, v60;
	v62 =	vmul.f32 v61, v5;
	v63 =	vmul.f32 v4, v56  }
0x238: {  	v35 =	vmul.f32 v3, v35  }
0x239: {  	v7 =	vmul.f32 v8, v7;
	v8 =	vsub.f32 $1.500000000e+00, v62;
	v44 =	vmul.f32 v63, v4  }
0x23a: {  	v35 =	vmul.f32 v35, v3  }
0x23b: {  	v5 =	vmul.f32 v8, v5;
	v8 =	vsub.f32 $1.500000000e+00, v44  }
0x23c: {  	v36 =	vmul.f32 v41, v36;
	v35 =	vsub.f32 $1.500000000e+00, v35;
	v45 =	vmul.f32 v7, v37  }
0x23d: {  	v6 =	vmul.f32 v5, v6;
	v4 =	vmul.f32 v8, v4  }
0x23e: {  	v3 =	vmul.f32 v35, v3;
	v37 =	vmul.f32 v45, v7  }
0x23f: {  	v6 =	vmul.f32 v6, v5;
	v47 =	vmul.f32 v4, v56  }
0x240: {  	v8 =	vmul.f32 v36, v32;
	v46 =	vsub.f32 $1.500000000e+00, v37  }
0x241: {  	s3 =	sshra.s32 s3, $0x2;
	v33 =	vmul.f32 v3, v33;
	v6 =	vsub.f32 $1.500000000e+00, v6;
	v48 =	vmul.f32 v47, v4  }
0x242: {  	s31 =	sshra.s32 s10, $0x2;
	[tilespmem:s3+$0x80] =	vst v36;
	v8 =	vsub.f32 $0.0e+00, v8;
	v7 =	vmul.f32 v46, v7  }
0x243: {  	[tilespmem:s31+$0x80] =	vst v3;
	v33 =	vsub.f32 $0.0e+00, v33;
	v5 =	vmul.f32 v6, v5;
	v6 =	vsub.f32 $1.500000000e+00, v48  }
0x244: {  	[tilespmem:s3+$0x100] =	vst v8;
	v8 =	vmul.f32 v7, v34  }
0x245: {  	s10 =	sshra.s32 s5, $0x2;
	[tilespmem:s31+$0x100] =	vst v33;
	v49 =	vmul.f32 v5, v38;
	v4 =	vmul.f32 v6, v4  }
0x246: {  	s14 =	sshra.s32 s6, $0x2;
	[tilespmem:s10+$0x80] =	vst v7;
	v8 =	vsub.f32 $0.0e+00, v8  }
0x247: {  	[tilespmem:s14+$0x80] =	vst v5;
	v3 =	vsub.f32 $0.0e+00, v49;
	v2 =	vmul.f32 v4, v2  }
0x248: {  	[tilespmem:s10+$0x100] =	vst v8  }
0x249: {  	s15 =	sshra.s32 s9, $0x2;
	[tilespmem:s14+$0x100] =	vst v3;
	v2 =	vsub.f32 $0.0e+00, v2  }
0x24a: {  	[tilespmem:s15+$0x80] =	vst v4  }
0x24b: {  	[tilespmem:s15+$0x100] =	vst v2  }
0x24c: {  	v0 =	vld [tilespmem:$0x80]  }
0x24d: {  	v1 =	vld [tilespmem:$0x90]  }
0x24e: {  	v11 =	vld [tilespmem:$0xA0]  }
0x24f: {  	v35 =	vld [tilespmem:$0xB0]  }
0x250: {  	v36 =	vld [tilespmem:$0xC0]  }
0x251: {  	v37 =	vld [tilespmem:$0xD0]  }
0x252: {  	v38 =	vld [tilespmem:$0xE0]  }
0x253: {  	v39 =	vld [tilespmem:$0xF0]  }
0x254: {  	s3 =	simm.s32 $0x0;
	v40 =	vld [tilespmem:$0x100]  }
0x255: {  	s17 =	sand.u32 $0xE, s3;
	v41 =	vld [tilespmem:$0x110]  }
0x256: {  	s18 =	sor.u32 $0x1, s17;
	v42 =	vld [tilespmem:$0x120]  }
0x257: {  	v2 =	vadd.s32 s18, v9;
	v43 =	vld [tilespmem:$0x130]  }
0x258: {  	s19 =	sand.u32 $0x30, s3;
	v5 =	vadd.s32 s17, v9;
	v3 =	vand.u32 $0xF, v2;
	v44 =	vld [tilespmem:$0x140]  }
0x259: {  	v7 =	vand.u32 $0xF, v5;
	v45 =	vld [tilespmem:$0x150];
	v4 =	vor.u32 s19, v3  }
0x25a: {  	v8 =	vor.u32 s19, v7;
	v15 =	vld [tilespmem:$0x1FEB0];
	v6 =	vor.u32 v10, v4  }
0x25b: {  	v49 =	vor.u32 v10, v8;
	v20 =	vld [tilespmem:$0x1FEA0]  }
0x25c: {  	v55 =	vld [tilespmem:s19+$0x0]  }
0x25d: {  	v21 =	vld [tilespmem:$0x1FE90]  }
0x25e: {  	v16 =	vld [tilespmem:$0x1FE70]  }
0x25f: {  	v62 =	vld.idx.msk [tilespmem:v6+s24+$0x0], $0xffff  }
0x260: {  	v48 =	vshll.u32 v5, $0x7;
	v5 =	vld.idx.msk [tilespmem:v49+s24+$0x0], $0xffff  }
0x261: {  	v53 =	vor.u32 v25, v48;
	v12 =	vld [tilespmem:$0x1FE80];
	v50 =	vor.u32 v15, v4  }
0x262: {  	v14 =	vand.u32 $0x398, v53;
	v56 =	vld [tilespmem:s19+$0x40];
	v51 =	vor.u32 v20, v4  }
0x263: {  	s31 =	simm.s32 $0x0;
	v46 =	vld [tilespmem:$0x160];
	v59 =	vshrl.u32 v3, $0x3;
	v54 =	vor.u32 v29, v4;
	v60 =	vor.u32 v21, v4  }
0x264: {  	s5 =	sand.u32 $0x6, s31;
	v47 =	vld [tilespmem:$0x170];
	v53 =	vor.u32 v16, v4;
	v6 =	vshll.u32 v2, $0x7;
	v2 =	vmul.f32 v62, v0  }
0x265: {  	v17 =	vld [tilespmem:$0x1FED0];
	v61 =	vor.u32 v31, v4;
	v59 =	vor.u32 s5, v59;
	v52 =	vor.u32 v20, v8;
	[tilespmem:$0x1FE10] =	vst v5  }
0x266: {  	v58 =	vor.u32 v12, v4;
	v22 =	vld.idx.msk [tilespmem:v50+s24+$0x0], $0xffff;
	v62 =	vperm.xlane v55, v3;
	v4 =	vadd.f32 v2, v40  }
0x267: {  	v57 =	vor.u32 v15, v8;
	v18 =	vperm.xlane v56, v3;
	v32 =	vld.idx.msk [tilespmem:v51+s24+$0x0], $0xffff;
	v51 =	vshll.u32 v59, $0xA  }
0x268: {  	v50 =	vand.u32 $0x380, v6;
	v33 =	vld.idx.msk [tilespmem:v60+s24+$0x0], $0xffff;
	v3 =	vmul.f32 v4, v62;
	v4 =	vshrl.u32 v7, $0x3  }
0x269: {  	v59 =	vor.u32 v51, v50;
	v60 =	vor.u32 s5, v4;
	v4 =	vld.idx.msk [tilespmem:v53+s24+$0x0], $0xffff  }
0x26a: {  	v54 =	vld.idx.msk [tilespmem:v54+s24+$0x0], $0xffff;
	v59 =	vor.u32 v9, v59  }
0x26b: {  	v61 =	vld.idx.msk [tilespmem:v61+s24+$0x0], $0xffff  }
0x26c: {  	v52 =	vld.idx.msk [tilespmem:v52+s24+$0x0], $0xffff  }
0x26d: {  	v5 =	vor.u32 v29, v8;
	v57 =	vld.idx.msk [tilespmem:v57+s24+$0x0], $0xffff;
	v3 =	vadd.f32 v3, v18  }
0x26e: {  	v58 =	vld.idx.msk [tilespmem:v58+s24+$0x0], $0xffff;
	[tilespmem:$0x1FE40] =	vst v4  }
0x26f: {  	v13 =	vld [tilespmem:$0x1FEC0];
	[tilespmem:v59+s30+$0x0] =	vst.idx.msk $0xffff, v3  }
0x270: {  	v34 =	vor.u32 v27, v48;
	v49 =	vor.u32 v16, v8;
	v4 =	vld [tilespmem:$0x1FE10]  }
0x271: {  	v63 =	vor.u32 v21, v8;
	v50 =	vor.u32 v31, v8;
	v61 =	vmul.f32 v61, v11;
	[tilespmem:$0x1FE00] =	vst v0  }
0x272: {  	v23 =	vor.u32 v17, v6;
	v8 =	vor.u32 v12, v8;
	v52 =	vmul.f32 v52, v36;
	v5 =	vld.idx.msk [tilespmem:v5+s24+$0x0], $0xffff  }
0x273: {  	v55 =	vperm.xlane v55, v7;
	v57 =	vmul.f32 v57, v35;
	v61 =	vadd.f32 v61, v42  }
0x274: {  	v7 =	vperm.xlane v56, v7;
	v56 =	vor.u32 v26, v6;
	v52 =	vadd.f32 v52, v44  }
0x275: {  	v3 =	vor.u32 v25, v6;
	v59 =	vmul.f32 v4, v0;
	v4 =	vld.idx.msk [tilespmem:v49+s24+$0x0], $0xffff;
	v49 =	vor.u32 v24, v51  }
0x276: {  	v50 =	vld.idx.msk [tilespmem:v50+s24+$0x0], $0xffff;
	v51 =	vmul.f32 v54, v1;
	v54 =	vand.u32 $0x3A8, v56;
	v56 =	vadd.f32 v57, v43  }
0x277: {  	v3 =	vand.u32 $0x398, v3;
	v8 =	vld.idx.msk [tilespmem:v8+s24+$0x0], $0xffff;
	v5 =	vmul.f32 v5, v1;
	v59 =	vadd.f32 v59, v40  }
0x278: {  	v57 =	vor.u32 v54, v49;
	v54 =	vld.idx.msk [tilespmem:v63+s24+$0x0], $0xffff;
	v56 =	vmul.f32 v56, v55;
	v63 =	vadd.f32 v51, v41  }
0x279: {  	v3 =	vor.u32 v3, v49;
	v5 =	vadd.f32 v5, v41;
	v59 =	vmul.f32 v59, v55  }
0x27a: {  	v51 =	vmul.f32 v52, v55;
	v52 =	vadd.f32 v56, v7;
	v56 =	vmul.f32 v63, v62  }
0x27b: {  	v19 =	vor.u32 v13, v6;
	[tilespmem:$0x1FE20] =	vst v1;
	v5 =	vmul.f32 v5, v55;
	v0 =	vadd.f32 v59, v7  }
0x27c: {  	v53 =	vor.u32 v26, v48;
	v61 =	vmul.f32 v61, v62;
	[tilespmem:$0x1FE30] =	vst v11;
	v56 =	vadd.f32 v56, v18  }
0x27d: {  	v8 =	vmul.f32 v8, v38;
	v50 =	vmul.f32 v50, v11;
	[tilespmem:$0x1FE50] =	vst v0;
	v0 =	vadd.f32 v5, v7  }
0x27e: {  	v34 =	vand.u32 $0x3B8, v34;
	v61 =	vadd.f32 v61, v18;
	v11 =	vor.u32 v28, v6;
	[tilespmem:v3+s30+$0x0] =	vst.idx.msk $0xffff, v56  }
0x27f: {  	v8 =	vadd.f32 v8, v46;
	v50 =	vadd.f32 v50, v42;
	v4 =	vmul.f32 v4, v39;
	[tilespmem:$0x1FE60] =	vst v0  }
0x280: {  	v2 =	vand.u32 $0x380, v48;
	v51 =	vadd.f32 v51, v7;
	v54 =	vmul.f32 v54, v37;
	[tilespmem:v57+s30+$0x0] =	vst.idx.msk $0xffff, v61  }
0x281: {  	v8 =	vmul.f32 v8, v55;
	v50 =	vmul.f32 v50, v55;
	v4 =	vadd.f32 v4, v47;
	v0 =	vld [tilespmem:$0x1FE40]  }
0x282: {  	v59 =	vmul.f32 v32, v36;
	v32 =	vmul.f32 v58, v38;
	v54 =	vadd.f32 v54, v45  }
0x283: {  	v1 =	vadd.f32 v50, v7;
	v5 =	vand.u32 $0x3A8, v53;
	v4 =	vmul.f32 v4, v55  }
0x284: {  	v3 =	vshll.u32 v60, $0xA;
	v60 =	vmul.f32 v22, v35;
	v63 =	vmul.f32 v54, v55  }
0x285: {  	v53 =	vor.u32 v3, v2;
	v55 =	vadd.f32 v4, v7;
	v4 =	vor.u32 v28, v48  }
0x286: {  	v57 =	vand.u32 $0x3C8, v4;
	v4 =	vor.u32 v9, v53;
	v2 =	vmul.f32 v0, v39;
	v0 =	vld [tilespmem:$0x1FE50]  }
0x287: {  	v54 =	vadd.f32 v8, v7;
	v50 =	vor.u32 v24, v3;
	v3 =	vmul.f32 v33, v37  }
0x288: {  	v33 =	vadd.f32 v32, v46;
	v8 =	vor.u32 v30, v6;
	v61 =	vadd.f32 v59, v44  }
0x289: {  	v60 =	vadd.f32 v60, v43;
	v58 =	vor.u32 v14, v50;
	v56 =	vadd.f32 v63, v7  }
0x28a: {  	v3 =	vadd.f32 v3, v45;
	v7 =	vmul.f32 v33, v62;
	v61 =	vmul.f32 v61, v62  }
0x28b: {  	v33 =	vand.u32 $0x3C8, v11;
	v63 =	vmul.f32 v60, v62;
	v2 =	vadd.f32 v2, v47;
	[tilespmem:v4+s30+$0x0] =	vst.idx.msk $0xffff, v0  }
0x28c: {  	v53 =	vor.u32 v57, v50;
	v3 =	vmul.f32 v3, v62;
	v57 =	vadd.f32 v7, v18;
	v0 =	vld [tilespmem:$0x1FE60]  }
0x28d: {  	v32 =	vmul.f32 v2, v62;
	v2 =	vor.u32 v27, v6;
	v6 =	vor.u32 v5, v50  }
0x28e: {  	v60 =	vadd.f32 v61, v18;
	v4 =	vadd.f32 v63, v18;
	v63 =	vor.u32 v34, v50  }
0x28f: {  	v61 =	vor.u32 v33, v49;
	v3 =	vadd.f32 v3, v18;
	v2 =	vand.u32 $0x3B8, v2  }
0x290: {  	v33 =	vmovc v24;
	v5 =	vand.u32 $0x3E8, v23;
	v34 =	vmovc v25;
	v62 =	vor.u32 v2, v49;
	v2 =	vand.u32 $0x3D8, v19  }
0x291: {  	v59 =	vadd.f32 v32, v18;
	v2 =	vor.u32 v2, v49;
	v32 =	vmov v26;
	[tilespmem:v58+s30+$0x0] =	vst.idx.msk $0xffff, v0  }
0x292: {  	v58 =	vor.u32 v5, v49;
	v5 =	vand.u32 $0x3F8, v8;
	[tilespmem:v6+s30+$0x0] =	vst.idx.msk $0xffff, v1;
	v6 =	vor.u32 v30, v48  }
.LBB2_13:
0x293: {  	s3 =	sadd.s32 $0x2, s3;
	v6 =	vand.u32 $0x3F8, v6;
	v5 =	vor.u32 v5, v49;
	[tilespmem:v63+s30+$0x0] =	vst.idx.msk $0xffff, v52  }
0x294: {  	v25 =	vlaneseq.u32;
	s5 =	sand.u32 $0xE, s3;
	v6 =	vor.u32 v6, v50;
	s9 =	sand.u32 $0x30, s3;
	[tilespmem:v53+s30+$0x0] =	vst.idx.msk $0xffff, v51;
	v7 =	vor.u32 v13, v48  }
0x295: {  	[tilespmem:v62+s30+$0x0] =	vst.idx.msk $0xffff, v4;
	v62 =	vld [tilespmem:s9+$0x40];
	v8 =	vor.u32 v17, v48;
	v4 =	vand.u32 $0x3D8, v7;
	v7 =	vadd.s32 s5, v9  }
0x296: {  	[tilespmem:v61+s30+$0x0] =	vst.idx.msk $0xffff, v60;
	s5 =	sor.u32 $0x1, s5;
	v8 =	vand.u32 $0x3E8, v8;
	v4 =	vor.u32 v4, v50;
	v60 =	vand.u32 $0xF, v7  }
0x297: {  	[tilespmem:v2+s30+$0x0] =	vst.idx.msk $0xffff, v3;
	v48 =	vshll.u32 v7, $0x7;
	v7 =	vadd.s32 s5, v9;
	v8 =	vor.u32 v8, v50  }
0x298: {  	[tilespmem:v58+s30+$0x0] =	vst.idx.msk $0xffff, v57;
	v52 =	vor.u32 s9, v60;
	v61 =	vand.u32 $0xF, v7;
	v3 =	vor.u32 v34, v48  }
0x299: {  	[tilespmem:v5+s30+$0x0] =	vst.idx.msk $0xffff, v59;
	v5 =	vand.u32 $0x380, v48;
	v7 =	vshll.u32 v7, $0x7;
	v0 =	vor.u32 v28, v48  }
0x29a: {  	v24 =	vperm.xlane v62, v60;
	v2 =	vor.u32 v10, v52;
	v49 =	vor.u32 s9, v61  }
0x29b: {  	v59 =	vor.u32 v20, v52;
	v9 =	vor.u32 v21, v52;
	v50 =	vor.u32 v10, v49  }
0x29c: {  	v57 =	vor.u32 v13, v7;
	v13 =	vor.u32 v34, v7;
	v53 =	vor.u32 v15, v49  }
0x29d: {  	v58 =	vand.u32 $0x398, v3;
	v63 =	vor.u32 v20, v49;
	v1 =	vor.u32 v21, v49;
	v21 =	vld [tilespmem:$0x1FE00];
	[tilespmem:v4+s30+$0x0] =	vst.idx.msk $0xffff, v56  }
0x29e: {  	v26 =	vmovc v10;
	v14 =	vor.u32 v31, v52;
	v0 =	vand.u32 $0x3C8, v0;
	v51 =	vor.u32 v29, v49;
	v4 =	vld [tilespmem:s9+$0x0]  }
0x29f: {  	v3 =	vor.u32 v31, v49;
	v10 =	vor.u32 v12, v49;
	v11 =	vor.u32 v16, v49;
	v2 =	vld.idx.msk [tilespmem:v2+s24+$0x0], $0xffff  }
0x2a0: {  	s6 =	sshrl.u32 s3, $0x3;
	v12 =	vor.u32 v27, v48;
	v20 =	vor.u32 v32, v7;
	v13 =	vand.u32 $0x398, v13;
	v50 =	vld.idx.msk [tilespmem:v50+s24+$0x0], $0xffff  }
0x2a1: {  	s31 =	sand.u32 $0x6, s6;
	v12 =	vand.u32 $0x3B8, v12;
	v20 =	vand.u32 $0x3A8, v20;
	v56 =	vshrl.u32 v61, $0x3;
	[tilespmem:v8+s30+$0x0] =	vst.idx.msk $0xffff, v54;
	v53 =	vld.idx.msk [tilespmem:v53+s24+$0x0], $0xffff  }
0x2a2: {  	v54 =	vor.u32 s31, v56;
	v56 =	vor.u32 v17, v7;
	v17 =	vor.u32 v29, v52;
	v63 =	vld.idx.msk [tilespmem:v63+s24+$0x0], $0xffff  }
0x2a3: {  	v8 =	vshrl.u32 v60, $0x3;
	[tilespmem:v6+s30+$0x0] =	vst.idx.msk $0xffff, v55;
	v6 =	vor.u32 v16, v52;
	v54 =	vshll.u32 v54, $0xA;
	v51 =	vld.idx.msk [tilespmem:v51+s24+$0x0], $0xffff  }
0x2a4: {  	v8 =	vor.u32 s31, v8;
	v55 =	vor.u32 v15, v52;
	v16 =	vor.u32 v28, v7;
	v1 =	vld.idx.msk [tilespmem:v1+s24+$0x0], $0xffff  }
0x2a5: {  	v15 =	vld.idx.msk [tilespmem:v59+s24+$0x0], $0xffff;
	v59 =	vor.u32 v32, v48;
	v8 =	vshll.u32 v8, $0xA;
	v49 =	vor.u32 v33, v54  }
0x2a6: {  	v9 =	vld.idx.msk [tilespmem:v9+s24+$0x0], $0xffff;
	v18 =	vand.u32 $0x3A8, v59;
	v59 =	vor.u32 v30, v7;
	v5 =	vor.u32 v8, v5  }
0x2a7: {  	v20 =	vor.u32 v20, v49;
	v22 =	vperm.xlane v4, v61;
	v23 =	vperm.xlane v4, v60;
	v4 =	vld [tilespmem:$0x1FE80]  }
0x2a8: {  	v13 =	vor.u32 v13, v49;
	v5 =	vor.u32 v25, v5;
	v60 =	vld [tilespmem:$0x1FE20];
	v2 =	vmul.f32 v2, v21  }
0x2a9: {  	v17 =	vld.idx.msk [tilespmem:v17+s24+$0x0], $0xffff;
	v19 =	vmul.f32 v50, v21;
	v21 =	vor.u32 v27, v7;
	v50 =	vor.u32 v33, v8  }
0x2aa: {  	v7 =	vand.u32 $0x380, v7;
	v8 =	vld.idx.msk [tilespmem:v14+s24+$0x0], $0xffff;
	v14 =	vperm.xlane v62, v61;
	v63 =	vmul.f32 v63, v36  }
0x2ab: {  	v55 =	vld.idx.msk [tilespmem:v55+s24+$0x0], $0xffff;
	v1 =	vmul.f32 v1, v37;
	v7 =	vor.u32 v54, v7;
	v15 =	vmul.f32 v15, v36  }
0x2ac: {  	v6 =	vld.idx.msk [tilespmem:v6+s24+$0x0], $0xffff;
	v2 =	vadd.f32 v2, v40;
	v9 =	vmul.f32 v9, v37;
	v7 =	vor.u32 v25, v7  }
0x2ad: {  	v3 =	vld.idx.msk [tilespmem:v3+s24+$0x0], $0xffff;
	v54 =	vadd.f32 v63, v44;
	v1 =	vadd.f32 v1, v45;
	v4 =	vor.u32 v4, v52  }
0x2ae: {  	v25 =	vld [tilespmem:$0x1FE30];
	v52 =	vmul.f32 v53, v35;
	v53 =	vor.u32 v0, v50;
	v0 =	vmul.f32 v51, v60  }
0x2af: {  	v19 =	vadd.f32 v19, v40;
	v2 =	vmul.f32 v2, v23;
	v17 =	vmul.f32 v17, v60  }
0x2b0: {  	v15 =	vadd.f32 v15, v44;
	v54 =	vmul.f32 v54, v22;
	v1 =	vmul.f32 v1, v22  }
0x2b1: {  	v63 =	vor.u32 v12, v50;
	v62 =	vmul.f32 v55, v35;
	v6 =	vmul.f32 v6, v39  }
0x2b2: {  	v0 =	vadd.f32 v0, v41;
	v15 =	vmul.f32 v15, v23;
	v61 =	vadd.f32 v52, v43  }
0x2b3: {  	v2 =	vadd.f32 v2, v24;
	v51 =	vadd.f32 v62, v43;
	v3 =	vmul.f32 v3, v25;
	v4 =	vld.idx.msk [tilespmem:v4+s24+$0x0], $0xffff  }
0x2b4: {  	v60 =	vadd.f32 v54, v14;
	v0 =	vmul.f32 v0, v22;
	v8 =	vmul.f32 v8, v25  }
0x2b5: {  	v6 =	vadd.f32 v6, v47;
	v51 =	vmul.f32 v51, v23;
	v3 =	vadd.f32 v3, v42  }
0x2b6: {  	[tilespmem:v5+s30+$0x0] =	vst.idx.msk $0xffff, v2;
	v0 =	vadd.f32 v0, v14;
	v8 =	vadd.f32 v8, v42  }
0x2b7: {  	v10 =	vld.idx.msk [tilespmem:v10+s24+$0x0], $0xffff;
	v6 =	vmul.f32 v6, v23;
	v52 =	vadd.f32 v51, v24;
	v51 =	vadd.f32 v15, v24  }
0x2b8: {  	v11 =	vld.idx.msk [tilespmem:v11+s24+$0x0], $0xffff;
	v15 =	vadd.f32 v17, v41;
	v17 =	vmul.f32 v19, v22;
	v4 =	vmul.f32 v4, v38  }
0x2b9: {  	v19 =	vor.u32 v58, v50;
	v3 =	vmul.f32 v3, v22;
	v55 =	vadd.f32 v6, v24  }
0x2ba: {  	v6 =	vmul.f32 v61, v22;
	v17 =	vadd.f32 v17, v14;
	v4 =	vadd.f32 v4, v46  }
0x2bb: {  	v5 =	vmul.f32 v8, v23;
	v15 =	vmul.f32 v15, v23;
	v3 =	vadd.f32 v3, v14  }
0x2bc: {  	[tilespmem:v7+s30+$0x0] =	vst.idx.msk $0xffff, v17;
	v7 =	vadd.f32 v9, v45;
	v4 =	vmul.f32 v4, v23  }
0x2bd: {  	v8 =	vadd.f32 v5, v24;
	v9 =	vmul.f32 v10, v38;
	v10 =	vmul.f32 v11, v39  }
0x2be: {  	v7 =	vmul.f32 v7, v23;
	v54 =	vadd.f32 v4, v24;
	v4 =	vand.u32 $0x3B8, v21  }
0x2bf: {  	v12 =	vld [tilespmem:$0x1FE80];
	v62 =	vor.u32 v4, v49;
	v4 =	vadd.f32 v6, v14;
	v6 =	vadd.f32 v9, v46  }
0x2c0: {  	p0 =	slt.u32 s3, $0x3E;
	v17 =	vld [tilespmem:$0x1FED0];
	v11 =	vor.u32 v18, v50;
	[tilespmem:v13+s30+$0x0] =	vst.idx.msk $0xffff, v0;
	v0 =	vand.u32 $0x3E8, v56;
	v56 =	vadd.f32 v7, v24  }
.Ltmp5:
0x2c1: {  	v13 =	vld [tilespmem:$0x1FEC0];
	v7 =	vadd.f32 v15, v24;
	v2 =	vmul.f32 v6, v22;
	v6 =	vadd.f32 v10, v47;
	(pc) =	sbr.rel @p0 .LBB2_13-.Ltmp5, $4  }
0x2c2: {  	v5 =	vand.u32 $0x3F8, v59;
	[tilespmem:v20+s30+$0x0] =	vst.idx.msk $0xffff, v3;
	v20 =	vld [tilespmem:$0x1FEA0];
	v3 =	vand.u32 $0x3C8, v16;
	v58 =	vor.u32 v0, v49  }
0x2c3: {  	v16 =	vld [tilespmem:$0x1FE70];
	v61 =	vor.u32 v3, v49;
	v3 =	vand.u32 $0x3D8, v57;
	[tilespmem:v19+s30+$0x0] =	vst.idx.msk $0xffff, v7;
	v9 =	vmul.f32 v6, v22  }
0x2c4: {  	v21 =	vld [tilespmem:$0x1FE90];
	v57 =	vadd.f32 v2, v14;
	v2 =	vor.u32 v3, v49;
	v3 =	vadd.f32 v1, v14  }
0x2c5: {  	v15 =	vld [tilespmem:$0x1FEB0];
	v10 =	vmovc v26;
	[tilespmem:v11+s30+$0x0] =	vst.idx.msk $0xffff, v8;
	v6 =	vor.u32 v30, v48;
	v59 =	vadd.f32 v9, v14;
	v9 =	vlaneseq.u32  }
0x2c6: {  	_ =	sdelay $0x3  }
0x2c7: {  	v0 =	vor.u32 v13, v48;
	[tilespmem:v62+s30+$0x0] =	vst.idx.msk $0xffff, v4  }
0x2c8: {  	v1 =	vor.u32 v17, v48;
	v4 =	vor.u32 v5, v49;
	[tilespmem:v63+s30+$0x0] =	vst.idx.msk $0xffff, v52;
	v0 =	vand.u32 $0x3D8, v0  }
0x2c9: {  	[tilespmem:v61+s30+$0x0] =	vst.idx.msk $0xffff, v60;
	v1 =	vand.u32 $0x3E8, v1;
	v0 =	vor.u32 v0, v50  }
0x2ca: {  	v5 =	vand.u32 $0x3F8, v6;
	[tilespmem:v53+s30+$0x0] =	vst.idx.msk $0xffff, v51;
	v1 =	vor.u32 v1, v50  }
0x2cb: {  	[tilespmem:v2+s30+$0x0] =	vst.idx.msk $0xffff, v3;
	v2 =	vor.u32 v5, v50  }
0x2cc: {  	[tilespmem:v58+s30+$0x0] =	vst.idx.msk $0xffff, v57  }
0x2cd: {  	[tilespmem:v4+s30+$0x0] =	vst.idx.msk $0xffff, v59  }
0x2ce: {  	[tilespmem:v0+s30+$0x0] =	vst.idx.msk $0xffff, v56  }
0x2cf: {  	[tilespmem:v1+s30+$0x0] =	vst.idx.msk $0xffff, v54  }
0x2d0: {  	[tilespmem:v2+s30+$0x0] =	vst.idx.msk $0xffff, v55  }
0x2d1: {  	v1 =	vld [tilespmem:$0x1FF20]  }
0x2d2: {  	v11 =	vld [tilespmem:$0x1FF30]  }
0x2d3: {  	v12 =	vld [tilespmem:$0x1FF40]  }
0x2d4: {  	v13 =	vld [tilespmem:$0x1FF50]  }
0x2d5: {  	v14 =	vld [tilespmem:$0x1FF60]  }
0x2d6: {  	v15 =	vld [tilespmem:$0x1FF70]  }
0x2d7: {  	v16 =	vld [tilespmem:$0x1FF80]  }
0x2d8: {  	s2 =	sadd.s32 $0x1, s2;
	v50 =	vld [tilespmem:$0x1FF90]  }
0x2d9: {  	p0 =	sne.s32 s2, $0x64;
	v7 =	vld [tilespmem:$0x1FFA0]  }
.Ltmp6:
0x2da: {  	v51 =	vld [tilespmem:$0x1FFB0];
	(pc) =	sbr.rel @p0 .LBB2_2-.Ltmp6, $4  }
0x2db: {  	v52 =	vld [tilespmem:$0x1FFC0]  }
0x2dc: {  	v53 =	vld [tilespmem:$0x1FFD0]  }
0x2dd: {  	s3 =	sadd.s32 s16, s13;
	v54 =	vld [tilespmem:$0x1FFE0]  }
0x2de: {  	[hbm4b:s3+s26] =	stream.strided.scatter [tilespmem:s30], [sflag:$0x6], $0x2000, s28, s26, $0x38;
	v55 =	vld [tilespmem:$0x1FFF0]  }
0x2df: {  	s2 =	simm.s32 $0x5  }
0x2e0: {  	_ =	swait.ge [sflag:s2], $0x2000  }
0x2e1: {  	[sflag:s2] =	ssyncset.done $0x0  }
0x2e2: {  	[sflag:s2] =	ssyncadd.s32 $0xFFFFE000  }
0x2e3: {  	_ =	swait.ge [sflag:s4], $0x2000  }
0x2e4: {  	s3 =	rddreg [dreg:$0x9]  }
0x2e5: {  	s31 =	rddreg [dreg:$0x8];
	s3 =	sadd.s32 $0x1, s3  }
0x2e6: {  	p0 =	sne.s32 s3, s31  }
.Ltmp7:
0x2e7: {  	_ = 	snop;
	(pc) =	sbr.rel @p0 .LBB2_1-.Ltmp7, $3  }
0x2e8: {  	_ =	sdelay $0x1  }
0x2e9: {  	[sflag:s4] =	ssyncset.done $0x0  }
0x2ea: {  	[sflag:s4] =	ssyncadd.s32 $0xFFFFE000  }
0x2eb: {  	_ =	sfence.sel $0x180000  }
0x2ec: {  	[bflag:$0x0] =	sbarrier.arrive $0xFFFF  }
0x2ed: {  	_ =	strace $0x90000047  }
0x2ee: {  	s0 =	stileid.u32;
	[bflag:$0x2] =	sbarrier.arrive $0xFFFF  }
0x2ef: {  	p0 =	sne.s32 s0, $0x0;
	s0 =	rddreg [dreg:$0x5]  }
0x2f0: {  	s0 =	sadd.s32 @!p0 $0x100000, s0  }
0x2f1: {  	[sflag:s0] =	ssyncadd.tile.s32 @!p0 $0x1;
	_ =	shalt  }
.Lfunc_end2:
_tile_overlayer_lowered:
.L_overlay_start_2:
0x2f2: {  	(tag) =	ssettag $0x2  }
0x2f3: {  	s0 =	rddreg [dreg:$0x0];
	s2 =	stileid.u32  }
0x2f4: {  	s1 =	rddreg [dreg:$0x1];
	p0 =	sne.s32 s2, $0x0  }
0x2f5: {  	s3 =	rddreg [dreg:$0x2];
	[bflag:$0x3] =	sbarrier.arrive $0xFFFF;
	s2 =	simm.s32 @!p0 $0x1C07  }
0x2f6: {  	[timem:s3], [sflag:s2] =	dma.local @!p0 [hbm:s0], s1  }
0x2f7: {  	s0 =	simm.s32 @!p0 $0x7  }
0x2f8: {  	_ =	swait.ge @!p0 [sflag:s0], s1  }
0x2f9: {  	s1 =	ssub.s32 @!p0 $0x0, s1;
	[sflag:s0] =	ssyncset.done @!p0 $0x0  }
0x2fa: {  	[sflag:s0] =	ssyncadd.s32 @!p0 s1  }
0x2fb: {  	[bflag:$0x3] =	sbarrier.arrive $0xFFFF  }
0x2fc: {  	_ =	shalt  }

</sc_bundles>
